<compile_context>
chip_gen: v7x
topology: tpu7x:2x2x1
jax: 0.10.2.dev20260603
libtpu: 0.0.44.dev20260713+nightly
codegen_flags: <defaults>
</compile_context>

<pallas_src>
import functools

import jax
import jax.numpy as jnp
from jax import lax
from jax.experimental import pallas as pl
from jax.experimental.pallas import tpu as pltpu
from jax.experimental.pallas import tpu_sc as plsc

N = 10000
E = 320000
D = 128
HD = D // 2

NC = 2
NS = 16
NW = NC * NS

CHUNK = 128

KD = -(-E // (NW * CHUNK))
E_PAD_D = NW * KD * CHUNK

KA = 159
E_PAD_A = NS * KA * CHUNK

ACC_ROWS = 10112
ZPT = ACC_ROWS // NS

BLK = 1000
INV_BN = 0.9999950000374997

_MESH = plsc.VectorSubcoreMesh(core_axis_name="c", subcore_axis_name="s")



@functools.partial(
    pl.kernel,
    out_type=jax.ShapeDtypeStruct((NC * ACC_ROWS,), jnp.float32),
    mesh=_MESH,
    scratch_types=[
        pltpu.VMEM((KD, CHUNK), jnp.int32),
        pltpu.VMEM((CHUNK,), jnp.float32),
        pltpu.VMEM((ZPT,), jnp.float32),
        pltpu.VMEM_SHARED((ACC_ROWS,), jnp.float32),
    ],
)
def _deg_kernel(dst_hbm, ones_hbm, zeros_hbm, deg_hbm, idx_d, ones_v, stage, acc):
    c = lax.axis_index("c")
    s = lax.axis_index("s")
    wid = c * NS + s
    pltpu.sync_copy(zeros_hbm.at[pl.ds(0, ZPT)], stage)
    pltpu.sync_copy(stage, acc.at[pl.ds(s * ZPT, ZPT)])
    pltpu.sync_copy(ones_hbm, ones_v)
    pltpu.sync_copy(dst_hbm.at[wid], idx_d)
    plsc.subcore_barrier()

    def body(j, carry):
        pltpu.sync_copy(ones_v, acc.at[idx_d.at[j]], add=True)
        return carry

    lax.fori_loop(0, KD, body, 0)
    plsc.subcore_barrier()
    pltpu.sync_copy(acc.at[pl.ds(s * ZPT, ZPT)], stage)
    pltpu.sync_copy(stage, deg_hbm.at[pl.ds(c * ACC_ROWS + s * ZPT, ZPT)])



@functools.partial(
    pl.kernel,
    out_type=jax.ShapeDtypeStruct((NC, ACC_ROWS, HD), jnp.float32),
    mesh=_MESH,
    scratch_types=[
        pltpu.VMEM((KA, CHUNK), jnp.int32),
        pltpu.VMEM((KA, CHUNK), jnp.int32),
        pltpu.VMEM((CHUNK, HD), jnp.float32),
        pltpu.VMEM((CHUNK, HD), jnp.float32),
        pltpu.SemaphoreType.DMA,
        pltpu.VMEM_SHARED((ACC_ROWS, HD), jnp.float32),
    ],
    compiler_params=pltpu.CompilerParams(use_tc_tiling_on_sc=False),
)
def _agg_kernel(hs_hbm, src_hbm, dst_hbm, zeros_hbm, out_hbm,
                idx_s, idx_d, rows_a, rows_b, sem, acc):
    c = lax.axis_index("c")
    s = lax.axis_index("s")
    pieces = [(o, min(CHUNK, ZPT - o)) for o in range(0, ZPT, CHUNK)]
    pltpu.sync_copy(zeros_hbm, rows_a)
    for off, sz in pieces:
        pltpu.sync_copy(rows_a.at[pl.ds(0, sz)], acc.at[pl.ds(s * ZPT + off, sz)])
    pltpu.sync_copy(src_hbm.at[c, s], idx_s)
    pltpu.sync_copy(dst_hbm.at[s], idx_d)
    plsc.subcore_barrier()

    pltpu.async_copy(hs_hbm.at[idx_s.at[0]], rows_a, sem)

    def body(i, carry):
        j = 2 * i
        pltpu.make_async_copy(hs_hbm.at[idx_s.at[j]], rows_a, sem).wait()
        pltpu.async_copy(hs_hbm.at[idx_s.at[j + 1]], rows_b, sem)
        pltpu.make_async_copy(hs_hbm.at[idx_s.at[j + 1]], rows_b, sem).wait()
        pltpu.async_copy(hs_hbm.at[idx_s.at[j + 2]], rows_a, sem)
        return carry

    lax.fori_loop(0, (KA - 1) // 2, body, 0)
    pltpu.make_async_copy(hs_hbm.at[idx_s.at[KA - 1]], rows_a, sem).wait()
    pltpu.sync_copy(rows_a, acc.at[idx_d.at[KA - 1]], add=True)
    plsc.subcore_barrier()
    for off, sz in pieces:
        pltpu.sync_copy(acc.at[pl.ds(s * ZPT + off, sz)], rows_a.at[pl.ds(0, sz)])
        pltpu.sync_copy(rows_a.at[pl.ds(0, sz)],
                        out_hbm.at[c, pl.ds(s * ZPT + off, sz)])



def _dense1_body(deg_ref, x_ref, w_ref, o_ref):
    dis = lax.rsqrt(deg_ref[0] + deg_ref[1] + 1.0)
    h = jnp.dot(x_ref[...], w_ref[...], preferred_element_type=jnp.float32) * dis
    o_ref[0] = h[:, :HD]
    o_ref[1] = h[:, HD:]


def _dense2_body(deg_ref, a_ref, hs1_ref, b1_ref, g_ref, be_ref, w2_ref, o_ref):
    dis = lax.rsqrt(deg_ref[0] + deg_ref[1] + 1.0)
    agg = jnp.concatenate([a_ref[0] + hs1_ref[0], a_ref[1] + hs1_ref[1]], axis=1)
    u = agg * dis + b1_ref[...]
    u = u * (g_ref[...] * INV_BN) + be_ref[...]
    u = jnp.maximum(u, 0.0)
    h = jnp.dot(u, w2_ref[...], preferred_element_type=jnp.float32) * dis
    o_ref[0] = h[:, :HD]
    o_ref[1] = h[:, HD:]


def _dense3_body(deg_ref, a_ref, hs2_ref, b2_ref, o_ref):
    dis = lax.rsqrt(deg_ref[0] + deg_ref[1] + 1.0)
    agg = jnp.concatenate([a_ref[0] + hs2_ref[0], a_ref[1] + hs2_ref[1]], axis=1)
    o_ref[...] = agg * dis + b2_ref[...]


_DEG_SPEC = pl.BlockSpec((NC, BLK, 1), lambda i: (0, i, 0))
_ROW_SPEC = pl.BlockSpec((BLK, D), lambda i: (i, 0))
_HALF_SPEC = pl.BlockSpec((NC, BLK, HD), lambda i: (0, i, 0))
_W_SPEC = pl.BlockSpec((D, D), lambda i: (0, 0))
_VEC_SPEC = pl.BlockSpec((1, D), lambda i: (0, 0))


def _dense1(deg3, x, W1):
    return pl.pallas_call(
        _dense1_body,
        grid=(N // BLK,),
        in_specs=[_DEG_SPEC, _ROW_SPEC, _W_SPEC],
        out_specs=_HALF_SPEC,
        out_shape=jax.ShapeDtypeStruct((NC, N, HD), jnp.float32),
    )(deg3, x, W1)


def _dense2(deg3, agg1, hs1c, b1, g, be, W2):
    return pl.pallas_call(
        _dense2_body,
        grid=(N // BLK,),
        in_specs=[_DEG_SPEC, _HALF_SPEC, _HALF_SPEC, _VEC_SPEC, _VEC_SPEC,
                  _VEC_SPEC, _W_SPEC],
        out_specs=_HALF_SPEC,
        out_shape=jax.ShapeDtypeStruct((NC, N, HD), jnp.float32),
    )(deg3, agg1, hs1c, b1, g, be, W2)


def _dense3(deg3, agg2, hs2c, b2):
    return pl.pallas_call(
        _dense3_body,
        grid=(N // BLK,),
        in_specs=[_DEG_SPEC, _HALF_SPEC, _HALF_SPEC, _VEC_SPEC],
        out_specs=_ROW_SPEC,
        out_shape=jax.ShapeDtypeStruct((N, D), jnp.float32),
    )(deg3, agg2, hs2c, b2)



def kernel(x, edge_index, W1, b1, gamma, beta, W2, b2):
    src = edge_index[0]
    dst = edge_index[1]
    dst_deg = jnp.concatenate(
        [dst, jnp.full((E_PAD_D - E,), N, jnp.int32)]).reshape(NW, KD, CHUNK)
    src_agg = jnp.concatenate(
        [src, jnp.zeros((E_PAD_A - E,), jnp.int32)]).reshape(NS, KA, CHUNK)
    src_agg = src_agg[None] + (jnp.arange(NC, dtype=jnp.int32) * N)[:, None, None, None]
    dst_agg = jnp.concatenate(
        [dst, jnp.full((E_PAD_A - E,), N, jnp.int32)]).reshape(NS, KA, CHUNK)
    ones_h = jnp.ones((CHUNK,), jnp.float32)
    zeros1 = jnp.zeros((ZPT,), jnp.float32)
    zeros2 = jnp.zeros((CHUNK, HD), jnp.float32)

    deg_p = _deg_kernel(dst_deg, ones_h, zeros1)
    deg3 = deg_p.reshape(NC, ACC_ROWS, 1)

    hs1 = _dense1(deg3, x, W1)
    agg1 = _agg_kernel(hs1.reshape(NC * N, HD), src_agg, dst_agg, zeros2)
    hs2 = _dense2(deg3, agg1, hs1, b1.reshape(1, D),
                  gamma.reshape(1, D), beta.reshape(1, D), W2)
    agg2 = _agg_kernel(hs2.reshape(NC * N, HD), src_agg, dst_agg, zeros2)
    out = _dense3(deg3, agg2, hs2, b2.reshape(1, D))
    return out

# --- scband reference (transcript-rebuilt; emitter-appended) ---
"""Pipeline reference for scband-graph-saintnet-317827580335 (READ-ONLY COPY).

The authoritative reference and input builder live on the scoring server;
editing this copy changes nothing except your own understanding.
"""

import jax, jax.numpy as jnp
import numpy as np

N = 10000
E = 320000
D_IN = 128
D_HID = 128
D_OUT = 128


def setup_inputs(seed: int = 0):
    key = jax.random.key(seed)
    ks = jax.random.split(key, 8)
    x = jax.random.normal(ks[0], (N, D_IN), dtype=jnp.float32)
    edge_index = jax.random.randint(ks[1], (2, E), 0, N, dtype=jnp.int32)
    W1 = jax.random.normal(ks[2], (D_IN, D_HID), dtype=jnp.float32) * 0.08
    b1 = jnp.zeros((D_HID,), dtype=jnp.float32)
    gamma = jnp.ones((D_HID,), dtype=jnp.float32)
    beta = jnp.zeros((D_HID,), dtype=jnp.float32)
    W2 = jax.random.normal(ks[3], (D_HID, D_OUT), dtype=jnp.float32) * 0.08
    b2 = jnp.zeros((D_OUT,), dtype=jnp.float32)
    return {"x": x, "edge_index": edge_index, "W1": W1, "b1": b1,
            "gamma": gamma, "beta": beta, "W2": W2, "b2": b2}


def _gcn_conv(x, src, dst, W, b):
    # PyG-style GCNConv with self-loops already appended to (src, dst).
    ew = jnp.ones(src.shape[0], dtype=x.dtype)
    deg = jax.ops.segment_sum(ew, dst, num_segments=N)
    dis = jnp.where(deg > 0, 1.0 / jnp.sqrt(deg), 0.0)
    norm = dis[src] * ew * dis[dst]
    h = x @ W
    msg = norm[:, None] * jnp.take(h, src, axis=0)
    out = jax.ops.segment_sum(msg, dst, num_segments=N)
    return out + b


def reference(x, edge_index, W1, b1, gamma, beta, W2, b2):
    src = edge_index[0]
    dst = edge_index[1]
    loop = jnp.arange(N, dtype=src.dtype)
    s = jnp.concatenate([src, loop])
    d = jnp.concatenate([dst, loop])
    # layer 1
    h = _gcn_conv(x, s, d, W1, b1)
    # BatchNorm1d in eval mode: running_mean=0, running_var=1, eps=1e-5
    h = (h / jnp.sqrt(1.0 + 1e-5)) * gamma + beta
    h = jax.nn.relu(h)
    # dropout is identity in eval mode
    # layer 2 (output layer, no norm/act)
    out = _gcn_conv(h, s, d, W2, b2)
    return out

if __name__ == "__main__":
    import jax
    _d = setup_inputs()
    print(jax.jit(kernel)(*tuple(_d.values())))

</pallas_src>

<mosaic_0001>
#map = affine_map<(d0, d1) -> (0, 0)>
#map1 = affine_map<(d0, d1) -> (0, 0, 0, 0)>
#map2 = affine_map<(d0, d1) -> (0, 0, 0)>
module attributes {stable_mosaic.version = 14 : i64} {
  func.func @_agg_kernel(%arg0: i32, %arg1: i32, %arg2: memref<20000x64xf32, #tpu.memory_space<hbm>>, %arg3: memref<2x16x159x128xi32, #tpu.memory_space<hbm>>, %arg4: memref<16x159x128xi32, #tpu.memory_space<hbm>>, %arg5: memref<128x64xf32, #tpu.memory_space<hbm>>, %arg6: memref<2x10112x64xf32, #tpu.memory_space<hbm>>, %arg7: memref<159x128xi32, #tpu.memory_space<vmem>>, %arg8: memref<159x128xi32, #tpu.memory_space<vmem>>, %arg9: memref<128x64xf32, #tpu.memory_space<vmem>>, %arg10: memref<128x64xf32, #tpu.memory_space<vmem>>, %arg11: memref<!tpu.dma_semaphore, #tpu.memory_space<semaphore_mem>>, %arg12: memref<10112x64xf32, #tpu.memory_space<vmem_shared>>) attributes {dimension_semantics = [#tpu.dimension_semantics<core_parallel>, #tpu.dimension_semantics<subcore_parallel>], iteration_bounds = array<i64: 2, 16>, scalar_prefetch = 0 : i64, scratch_operands = 6 : i64, tpu.core_type = #tpu.core_type<sc_vector_subcore>, window_params = [{transform_indices = #map}, {transform_indices = #map1}, {transform_indices = #map2}, {transform_indices = #map}, {transform_indices = #map2}]} {
    "tpu.region"() ({
      %run_scoped3A_76 = tpu.sem_alloc : memref<!tpu.dma_semaphore, #tpu.memory_space<semaphore_mem>>
      tpu.enqueue_dma source(%arg5 : memref<128x64xf32, #tpu.memory_space<hbm>>) target(%arg9 : memref<128x64xf32, #tpu.memory_space<vmem>>) target_semaphore(%run_scoped3A_76 : memref<!tpu.dma_semaphore, #tpu.memory_space<semaphore_mem>>)
      tpu.wait_dma2 semaphore(%run_scoped3A_76 : memref<!tpu.dma_semaphore, #tpu.memory_space<semaphore_mem>>) src(%arg5 : memref<128x64xf32, #tpu.memory_space<hbm>>) dst(%arg9 : memref<128x64xf32, #tpu.memory_space<vmem>>)
      tpu.yield
    }) : () -> ()
    %mul3A = arith.constant 632 : i32
    %mul3A_0 = arith.muli %arg1, %mul3A : i32
    %add3A = arith.constant 0 : i32
    %add3A_1 = arith.addi %mul3A_0, %add3A : i32
    "tpu.region"() ({
      %run_scoped3A_76 = tpu.sem_alloc : memref<!tpu.dma_semaphore, #tpu.memory_space<semaphore_mem>>
      %dma_start3A_77 = arith.constant 0 : i32
      %dma_start3A_78 = arith.constant 0 : i32
      %dma_start3A_79 = tpu.memref_slice %arg9[%dma_start3A_77, %dma_start3A_78] : memref<128x64xf32, #tpu.memory_space<vmem>> -> memref<128x64xf32, #tpu.memory_space<vmem>>
      %dma_start3A_80 = arith.constant 0 : i32
      %dma_start3A_81 = tpu.memref_slice %arg12[%add3A_1, %dma_start3A_80] : memref<10112x64xf32, #tpu.memory_space<vmem_shared>> -> memref<128x64xf32, #tpu.memory_space<vmem_shared>>
      %dma_start3A_82 = arith.constant 0 : i32
      %dma_start3A_83 = tpu.memref_slice %arg12[%add3A_1, %dma_start3A_82] : memref<10112x64xf32, #tpu.memory_space<vmem_shared>> -> memref<128x64xf32, #tpu.memory_space<vmem_shared>>
      %dma_start3A_84 = arith.constant 0 : i32
      %dma_start3A_85 = arith.constant 0 : i32
      %dma_start3A_86 = tpu.memref_slice %arg9[%dma_start3A_84, %dma_start3A_85] : memref<128x64xf32, #tpu.memory_space<vmem>> -> memref<128x64xf32, #tpu.memory_space<vmem>>
      tpu.enqueue_dma source(%dma_start3A_86 : memref<128x64xf32, #tpu.memory_space<vmem>>) target(%dma_start3A_83 : memref<128x64xf32, #tpu.memory_space<vmem_shared>>) target_semaphore(%run_scoped3A_76 : memref<!tpu.dma_semaphore, #tpu.memory_space<semaphore_mem>>)
      %dma_wait3A_87 = arith.constant 0 : i32
      %dma_wait3A_88 = arith.constant 0 : i32
      %dma_wait3A_89 = tpu.memref_slice %arg9[%dma_wait3A_87, %dma_wait3A_88] : memref<128x64xf32, #tpu.memory_space<vmem>> -> memref<128x64xf32, #tpu.memory_space<vmem>>
      %dma_wait3A_90 = arith.constant 0 : i32
      %dma_wait3A_91 = tpu.memref_slice %arg12[%add3A_1, %dma_wait3A_90] : memref<10112x64xf32, #tpu.memory_space<vmem_shared>> -> memref<128x64xf32, #tpu.memory_space<vmem_shared>>
      %dma_wait3A_92 = arith.constant 0 : i32
      %dma_wait3A_93 = tpu.memref_slice %arg12[%add3A_1, %dma_wait3A_92] : memref<10112x64xf32, #tpu.memory_space<vmem_shared>> -> memref<128x64xf32, #tpu.memory_space<vmem_shared>>
      %dma_wait3A_94 = arith.constant 0 : i32
      %dma_wait3A_95 = arith.constant 0 : i32
      %dma_wait3A_96 = tpu.memref_slice %arg9[%dma_wait3A_94, %dma_wait3A_95] : memref<128x64xf32, #tpu.memory_space<vmem>> -> memref<128x64xf32, #tpu.memory_space<vmem>>
      tpu.wait_dma2 semaphore(%run_scoped3A_76 : memref<!tpu.dma_semaphore, #tpu.memory_space<semaphore_mem>>) src(%dma_wait3A_96 : memref<128x64xf32, #tpu.memory_space<vmem>>) dst(%dma_wait3A_93 : memref<128x64xf32, #tpu.memory_space<vmem_shared>>)
      tpu.yield
    }) : () -> ()
    %mul3A_2 = arith.constant 632 : i32
    %mul3A_3 = arith.muli %arg1, %mul3A_2 : i32
    %add3A_4 = arith.constant 128 : i32
    %add3A_5 = arith.addi %mul3A_3, %add3A_4 : i32
    "tpu.region"() ({
      %run_scoped3A_76 = tpu.sem_alloc : memref<!tpu.dma_semaphore, #tpu.memory_space<semaphore_mem>>
      %dma_start3A_77 = arith.constant 0 : i32
      %dma_start3A_78 = arith.constant 0 : i32
      %dma_start3A_79 = tpu.memref_slice %arg9[%dma_start3A_77, %dma_start3A_78] : memref<128x64xf32, #tpu.memory_space<vmem>> -> memref<128x64xf32, #tpu.memory_space<vmem>>
      %dma_start3A_80 = arith.constant 0 : i32
      %dma_start3A_81 = tpu.memref_slice %arg12[%add3A_5, %dma_start3A_80] : memref<10112x64xf32, #tpu.memory_space<vmem_shared>> -> memref<128x64xf32, #tpu.memory_space<vmem_shared>>
      %dma_start3A_82 = arith.constant 0 : i32
      %dma_start3A_83 = tpu.memref_slice %arg12[%add3A_5, %dma_start3A_82] : memref<10112x64xf32, #tpu.memory_space<vmem_shared>> -> memref<128x64xf32, #tpu.memory_space<vmem_shared>>
      %dma_start3A_84 = arith.constant 0 : i32
      %dma_start3A_85 = arith.constant 0 : i32
      %dma_start3A_86 = tpu.memref_slice %arg9[%dma_start3A_84, %dma_start3A_85] : memref<128x64xf32, #tpu.memory_space<vmem>> -> memref<128x64xf32, #tpu.memory_space<vmem>>
      tpu.enqueue_dma source(%dma_start3A_86 : memref<128x64xf32, #tpu.memory_space<vmem>>) target(%dma_start3A_83 : memref<128x64xf32, #tpu.memory_space<vmem_shared>>) target_semaphore(%run_scoped3A_76 : memref<!tpu.dma_semaphore, #tpu.memory_space<semaphore_mem>>)
      %dma_wait3A_87 = arith.constant 0 : i32
      %dma_wait3A_88 = arith.constant 0 : i32
      %dma_wait3A_89 = tpu.memref_slice %arg9[%dma_wait3A_87, %dma_wait3A_88] : memref<128x64xf32, #tpu.memory_space<vmem>> -> memref<128x64xf32, #tpu.memory_space<vmem>>
      %dma_wait3A_90 = arith.constant 0 : i32
      %dma_wait3A_91 = tpu.memref_slice %arg12[%add3A_5, %dma_wait3A_90] : memref<10112x64xf32, #tpu.memory_space<vmem_shared>> -> memref<128x64xf32, #tpu.memory_space<vmem_shared>>
      %dma_wait3A_92 = arith.constant 0 : i32
      %dma_wait3A_93 = tpu.memref_slice %arg12[%add3A_5, %dma_wait3A_92] : memref<10112x64xf32, #tpu.memory_space<vmem_shared>> -> memref<128x64xf32, #tpu.memory_space<vmem_shared>>
      %dma_wait3A_94 = arith.constant 0 : i32
      %dma_wait3A_95 = arith.constant 0 : i32
      %dma_wait3A_96 = tpu.memref_slice %arg9[%dma_wait3A_94, %dma_wait3A_95] : memref<128x64xf32, #tpu.memory_space<vmem>> -> memref<128x64xf32, #tpu.memory_space<vmem>>
      tpu.wait_dma2 semaphore(%run_scoped3A_76 : memref<!tpu.dma_semaphore, #tpu.memory_space<semaphore_mem>>) src(%dma_wait3A_96 : memref<128x64xf32, #tpu.memory_space<vmem>>) dst(%dma_wait3A_93 : memref<128x64xf32, #tpu.memory_space<vmem_shared>>)
      tpu.yield
    }) : () -> ()
    %mul3A_6 = arith.constant 632 : i32
    %mul3A_7 = arith.muli %arg1, %mul3A_6 : i32
    %add3A_8 = arith.constant 256 : i32
    %add3A_9 = arith.addi %mul3A_7, %add3A_8 : i32
    "tpu.region"() ({
      %run_scoped3A_76 = tpu.sem_alloc : memref<!tpu.dma_semaphore, #tpu.memory_space<semaphore_mem>>
      %dma_start3A_77 = arith.constant 0 : i32
      %dma_start3A_78 = arith.constant 0 : i32
      %dma_start3A_79 = tpu.memref_slice %arg9[%dma_start3A_77, %dma_start3A_78] : memref<128x64xf32, #tpu.memory_space<vmem>> -> memref<128x64xf32, #tpu.memory_space<vmem>>
      %dma_start3A_80 = arith.constant 0 : i32
      %dma_start3A_81 = tpu.memref_slice %arg12[%add3A_9, %dma_start3A_80] : memref<10112x64xf32, #tpu.memory_space<vmem_shared>> -> memref<128x64xf32, #tpu.memory_space<vmem_shared>>
      %dma_start3A_82 = arith.constant 0 : i32
      %dma_start3A_83 = tpu.memref_slice %arg12[%add3A_9, %dma_start3A_82] : memref<10112x64xf32, #tpu.memory_space<vmem_shared>> -> memref<128x64xf32, #tpu.memory_space<vmem_shared>>
      %dma_start3A_84 = arith.constant 0 : i32
      %dma_start3A_85 = arith.constant 0 : i32
      %dma_start3A_86 = tpu.memref_slice %arg9[%dma_start3A_84, %dma_start3A_85] : memref<128x64xf32, #tpu.memory_space<vmem>> -> memref<128x64xf32, #tpu.memory_space<vmem>>
      tpu.enqueue_dma source(%dma_start3A_86 : memref<128x64xf32, #tpu.memory_space<vmem>>) target(%dma_start3A_83 : memref<128x64xf32, #tpu.memory_space<vmem_shared>>) target_semaphore(%run_scoped3A_76 : memref<!tpu.dma_semaphore, #tpu.memory_space<semaphore_mem>>)
      %dma_wait3A_87 = arith.constant 0 : i32
      %dma_wait3A_88 = arith.constant 0 : i32
      %dma_wait3A_89 = tpu.memref_slice %arg9[%dma_wait3A_87, %dma_wait3A_88] : memref<128x64xf32, #tpu.memory_space<vmem>> -> memref<128x64xf32, #tpu.memory_space<vmem>>
      %dma_wait3A_90 = arith.constant 0 : i32
      %dma_wait3A_91 = tpu.memref_slice %arg12[%add3A_9, %dma_wait3A_90] : memref<10112x64xf32, #tpu.memory_space<vmem_shared>> -> memref<128x64xf32, #tpu.memory_space<vmem_shared>>
      %dma_wait3A_92 = arith.constant 0 : i32
      %dma_wait3A_93 = tpu.memref_slice %arg12[%add3A_9, %dma_wait3A_92] : memref<10112x64xf32, #tpu.memory_space<vmem_shared>> -> memref<128x64xf32, #tpu.memory_space<vmem_shared>>
      %dma_wait3A_94 = arith.constant 0 : i32
      %dma_wait3A_95 = arith.constant 0 : i32
      %dma_wait3A_96 = tpu.memref_slice %arg9[%dma_wait3A_94, %dma_wait3A_95] : memref<128x64xf32, #tpu.memory_space<vmem>> -> memref<128x64xf32, #tpu.memory_space<vmem>>
      tpu.wait_dma2 semaphore(%run_scoped3A_76 : memref<!tpu.dma_semaphore, #tpu.memory_space<semaphore_mem>>) src(%dma_wait3A_96 : memref<128x64xf32, #tpu.memory_space<vmem>>) dst(%dma_wait3A_93 : memref<128x64xf32, #tpu.memory_space<vmem_shared>>)
      tpu.yield
    }) : () -> ()
    %mul3A_10 = arith.constant 632 : i32
    %mul3A_11 = arith.muli %arg1, %mul3A_10 : i32
    %add3A_12 = arith.constant 384 : i32
    %add3A_13 = arith.addi %mul3A_11, %add3A_12 : i32
    "tpu.region"() ({
      %run_scoped3A_76 = tpu.sem_alloc : memref<!tpu.dma_semaphore, #tpu.memory_space<semaphore_mem>>
      %dma_start3A_77 = arith.constant 0 : i32
      %dma_start3A_78 = arith.constant 0 : i32
      %dma_start3A_79 = tpu.memref_slice %arg9[%dma_start3A_77, %dma_start3A_78] : memref<128x64xf32, #tpu.memory_space<vmem>> -> memref<128x64xf32, #tpu.memory_space<vmem>>
      %dma_start3A_80 = arith.constant 0 : i32
      %dma_start3A_81 = tpu.memref_slice %arg12[%add3A_13, %dma_start3A_80] : memref<10112x64xf32, #tpu.memory_space<vmem_shared>> -> memref<128x64xf32, #tpu.memory_space<vmem_shared>>
      %dma_start3A_82 = arith.constant 0 : i32
      %dma_start3A_83 = tpu.memref_slice %arg12[%add3A_13, %dma_start3A_82] : memref<10112x64xf32, #tpu.memory_space<vmem_shared>> -> memref<128x64xf32, #tpu.memory_space<vmem_shared>>
      %dma_start3A_84 = arith.constant 0 : i32
      %dma_start3A_85 = arith.constant 0 : i32
      %dma_start3A_86 = tpu.memref_slice %arg9[%dma_start3A_84, %dma_start3A_85] : memref<128x64xf32, #tpu.memory_space<vmem>> -> memref<128x64xf32, #tpu.memory_space<vmem>>
      tpu.enqueue_dma source(%dma_start3A_86 : memref<128x64xf32, #tpu.memory_space<vmem>>) target(%dma_start3A_83 : memref<128x64xf32, #tpu.memory_space<vmem_shared>>) target_semaphore(%run_scoped3A_76 : memref<!tpu.dma_semaphore, #tpu.memory_space<semaphore_mem>>)
      %dma_wait3A_87 = arith.constant 0 : i32
      %dma_wait3A_88 = arith.constant 0 : i32
      %dma_wait3A_89 = tpu.memref_slice %arg9[%dma_wait3A_87, %dma_wait3A_88] : memref<128x64xf32, #tpu.memory_space<vmem>> -> memref<128x64xf32, #tpu.memory_space<vmem>>
      %dma_wait3A_90 = arith.constant 0 : i32
      %dma_wait3A_91 = tpu.memref_slice %arg12[%add3A_13, %dma_wait3A_90] : memref<10112x64xf32, #tpu.memory_space<vmem_shared>> -> memref<128x64xf32, #tpu.memory_space<vmem_shared>>
      %dma_wait3A_92 = arith.constant 0 : i32
      %dma_wait3A_93 = tpu.memref_slice %arg12[%add3A_13, %dma_wait3A_92] : memref<10112x64xf32, #tpu.memory_space<vmem_shared>> -> memref<128x64xf32, #tpu.memory_space<vmem_shared>>
      %dma_wait3A_94 = arith.constant 0 : i32
      %dma_wait3A_95 = arith.constant 0 : i32
      %dma_wait3A_96 = tpu.memref_slice %arg9[%dma_wait3A_94, %dma_wait3A_95] : memref<128x64xf32, #tpu.memory_space<vmem>> -> memref<128x64xf32, #tpu.memory_space<vmem>>
      tpu.wait_dma2 semaphore(%run_scoped3A_76 : memref<!tpu.dma_semaphore, #tpu.memory_space<semaphore_mem>>) src(%dma_wait3A_96 : memref<128x64xf32, #tpu.memory_space<vmem>>) dst(%dma_wait3A_93 : memref<128x64xf32, #tpu.memory_space<vmem_shared>>)
      tpu.yield
    }) : () -> ()
    %mul3A_14 = arith.constant 632 : i32
    %mul3A_15 = arith.muli %arg1, %mul3A_14 : i32
    %add3A_16 = arith.constant 512 : i32
    %add3A_17 = arith.addi %mul3A_15, %add3A_16 : i32
    "tpu.region"() ({
      %run_scoped3A_76 = tpu.sem_alloc : memref<!tpu.dma_semaphore, #tpu.memory_space<semaphore_mem>>
      %dma_start3A_77 = arith.constant 0 : i32
      %dma_start3A_78 = arith.constant 0 : i32
      %dma_start3A_79 = tpu.memref_slice %arg9[%dma_start3A_77, %dma_start3A_78] : memref<128x64xf32, #tpu.memory_space<vmem>> -> memref<120x64xf32, #tpu.memory_space<vmem>>
      %dma_start3A_80 = arith.constant 0 : i32
      %dma_start3A_81 = tpu.memref_slice %arg12[%add3A_17, %dma_start3A_80] : memref<10112x64xf32, #tpu.memory_space<vmem_shared>> -> memref<120x64xf32, #tpu.memory_space<vmem_shared>>
      %dma_start3A_82 = arith.constant 0 : i32
      %dma_start3A_83 = tpu.memref_slice %arg12[%add3A_17, %dma_start3A_82] : memref<10112x64xf32, #tpu.memory_space<vmem_shared>> -> memref<120x64xf32, #tpu.memory_space<vmem_shared>>
      %dma_start3A_84 = arith.constant 0 : i32
      %dma_start3A_85 = arith.constant 0 : i32
      %dma_start3A_86 = tpu.memref_slice %arg9[%dma_start3A_84, %dma_start3A_85] : memref<128x64xf32, #tpu.memory_space<vmem>> -> memref<120x64xf32, #tpu.memory_space<vmem>>
      tpu.enqueue_dma source(%dma_start3A_86 : memref<120x64xf32, #tpu.memory_space<vmem>>) target(%dma_start3A_83 : memref<120x64xf32, #tpu.memory_space<vmem_shared>>) target_semaphore(%run_scoped3A_76 : memref<!tpu.dma_semaphore, #tpu.memory_space<semaphore_mem>>)
      %dma_wait3A_87 = arith.constant 0 : i32
      %dma_wait3A_88 = arith.constant 0 : i32
      %dma_wait3A_89 = tpu.memref_slice %arg9[%dma_wait3A_87, %dma_wait3A_88] : memref<128x64xf32, #tpu.memory_space<vmem>> -> memref<120x64xf32, #tpu.memory_space<vmem>>
      %dma_wait3A_90 = arith.constant 0 : i32
      %dma_wait3A_91 = tpu.memref_slice %arg12[%add3A_17, %dma_wait3A_90] : memref<10112x64xf32, #tpu.memory_space<vmem_shared>> -> memref<120x64xf32, #tpu.memory_space<vmem_shared>>
      %dma_wait3A_92 = arith.constant 0 : i32
      %dma_wait3A_93 = tpu.memref_slice %arg12[%add3A_17, %dma_wait3A_92] : memref<10112x64xf32, #tpu.memory_space<vmem_shared>> -> memref<120x64xf32, #tpu.memory_space<vmem_shared>>
      %dma_wait3A_94 = arith.constant 0 : i32
      %dma_wait3A_95 = arith.constant 0 : i32
      %dma_wait3A_96 = tpu.memref_slice %arg9[%dma_wait3A_94, %dma_wait3A_95] : memref<128x64xf32, #tpu.memory_space<vmem>> -> memref<120x64xf32, #tpu.memory_space<vmem>>
      tpu.wait_dma2 semaphore(%run_scoped3A_76 : memref<!tpu.dma_semaphore, #tpu.memory_space<semaphore_mem>>) src(%dma_wait3A_96 : memref<120x64xf32, #tpu.memory_space<vmem>>) dst(%dma_wait3A_93 : memref<120x64xf32, #tpu.memory_space<vmem_shared>>)
      tpu.yield
    }) : () -> ()
    "tpu.region"() ({
      %run_scoped3A_76 = tpu.sem_alloc : memref<!tpu.dma_semaphore, #tpu.memory_space<semaphore_mem>>
      %dma_start3A_77 = arith.constant 0 : i32
      %dma_start3A_78 = arith.constant 0 : i32
      %dma_start3A_79 = tpu.memref_slice %arg3[%arg0, %arg1, %dma_start3A_77, %dma_start3A_78] : memref<2x16x159x128xi32, #tpu.memory_space<hbm>> -> memref<1x1x159x128xi32, #tpu.memory_space<hbm>>
      %dma_start3A_80 = tpu.memref_squeeze %dma_start3A_79 : memref<1x1x159x128xi32, #tpu.memory_space<hbm>> -> memref<159x128xi32, #tpu.memory_space<hbm>>
      %dma_start3A_81 = arith.constant 0 : i32
      %dma_start3A_82 = arith.constant 0 : i32
      %dma_start3A_83 = tpu.memref_slice %arg3[%arg0, %arg1, %dma_start3A_81, %dma_start3A_82] : memref<2x16x159x128xi32, #tpu.memory_space<hbm>> -> memref<1x1x159x128xi32, #tpu.memory_space<hbm>>
      %dma_start3A_84 = tpu.memref_squeeze %dma_start3A_83 : memref<1x1x159x128xi32, #tpu.memory_space<hbm>> -> memref<159x128xi32, #tpu.memory_space<hbm>>
      tpu.enqueue_dma source(%dma_start3A_84 : memref<159x128xi32, #tpu.memory_space<hbm>>) target(%arg7 : memref<159x128xi32, #tpu.memory_space<vmem>>) target_semaphore(%run_scoped3A_76 : memref<!tpu.dma_semaphore, #tpu.memory_space<semaphore_mem>>)
      %dma_wait3A_85 = arith.constant 0 : i32
      %dma_wait3A_86 = arith.constant 0 : i32
      %dma_wait3A_87 = tpu.memref_slice %arg3[%arg0, %arg1, %dma_wait3A_85, %dma_wait3A_86] : memref<2x16x159x128xi32, #tpu.memory_space<hbm>> -> memref<1x1x159x128xi32, #tpu.memory_space<hbm>>
      %dma_wait3A_88 = tpu.memref_squeeze %dma_wait3A_87 : memref<1x1x159x128xi32, #tpu.memory_space<hbm>> -> memref<159x128xi32, #tpu.memory_space<hbm>>
      %dma_wait3A_89 = arith.constant 0 : i32
      %dma_wait3A_90 = arith.constant 0 : i32
      %dma_wait3A_91 = tpu.memref_slice %arg3[%arg0, %arg1, %dma_wait3A_89, %dma_wait3A_90] : memref<2x16x159x128xi32, #tpu.memory_space<hbm>> -> memref<1x1x159x128xi32, #tpu.memory_space<hbm>>
      %dma_wait3A_92 = tpu.memref_squeeze %dma_wait3A_91 : memref<1x1x159x128xi32, #tpu.memory_space<hbm>> -> memref<159x128xi32, #tpu.memory_space<hbm>>
      tpu.wait_dma2 semaphore(%run_scoped3A_76 : memref<!tpu.dma_semaphore, #tpu.memory_space<semaphore_mem>>) src(%dma_wait3A_92 : memref<159x128xi32, #tpu.memory_space<hbm>>) dst(%arg7 : memref<159x128xi32, #tpu.memory_space<vmem>>)
      tpu.yield
    }) : () -> ()
    "tpu.region"() ({
      %run_scoped3A_76 = tpu.sem_alloc : memref<!tpu.dma_semaphore, #tpu.memory_space<semaphore_mem>>
      %dma_start3A_77 = arith.constant 0 : i32
      %dma_start3A_78 = arith.constant 0 : i32
      %dma_start3A_79 = tpu.memref_slice %arg4[%arg1, %dma_start3A_77, %dma_start3A_78] : memref<16x159x128xi32, #tpu.memory_space<hbm>> -> memref<1x159x128xi32, #tpu.memory_space<hbm>>
      %dma_start3A_80 = tpu.memref_squeeze %dma_start3A_79 : memref<1x159x128xi32, #tpu.memory_space<hbm>> -> memref<159x128xi32, #tpu.memory_space<hbm>>
      %dma_start3A_81 = arith.constant 0 : i32
      %dma_start3A_82 = arith.constant 0 : i32
      %dma_start3A_83 = tpu.memref_slice %arg4[%arg1, %dma_start3A_81, %dma_start3A_82] : memref<16x159x128xi32, #tpu.memory_space<hbm>> -> memref<1x159x128xi32, #tpu.memory_space<hbm>>
      %dma_start3A_84 = tpu.memref_squeeze %dma_start3A_83 : memref<1x159x128xi32, #tpu.memory_space<hbm>> -> memref<159x128xi32, #tpu.memory_space<hbm>>
      tpu.enqueue_dma source(%dma_start3A_84 : memref<159x128xi32, #tpu.memory_space<hbm>>) target(%arg8 : memref<159x128xi32, #tpu.memory_space<vmem>>) target_semaphore(%run_scoped3A_76 : memref<!tpu.dma_semaphore, #tpu.memory_space<semaphore_mem>>)
      %dma_wait3A_85 = arith.constant 0 : i32
      %dma_wait3A_86 = arith.constant 0 : i32
      %dma_wait3A_87 = tpu.memref_slice %arg4[%arg1, %dma_wait3A_85, %dma_wait3A_86] : memref<16x159x128xi32, #tpu.memory_space<hbm>> -> memref<1x159x128xi32, #tpu.memory_space<hbm>>
      %dma_wait3A_88 = tpu.memref_squeeze %dma_wait3A_87 : memref<1x159x128xi32, #tpu.memory_space<hbm>> -> memref<159x128xi32, #tpu.memory_space<hbm>>
      %dma_wait3A_89 = arith.constant 0 : i32
      %dma_wait3A_90 = arith.constant 0 : i32
      %dma_wait3A_91 = tpu.memref_slice %arg4[%arg1, %dma_wait3A_89, %dma_wait3A_90] : memref<16x159x128xi32, #tpu.memory_space<hbm>> -> memref<1x159x128xi32, #tpu.memory_space<hbm>>
      %dma_wait3A_92 = tpu.memref_squeeze %dma_wait3A_91 : memref<1x159x128xi32, #tpu.memory_space<hbm>> -> memref<159x128xi32, #tpu.memory_space<hbm>>
      tpu.wait_dma2 semaphore(%run_scoped3A_76 : memref<!tpu.dma_semaphore, #tpu.memory_space<semaphore_mem>>) src(%dma_wait3A_92 : memref<159x128xi32, #tpu.memory_space<hbm>>) dst(%arg8 : memref<159x128xi32, #tpu.memory_space<vmem>>)
      tpu.yield
    }) : () -> ()
    %barrier3A = arith.constant 0 : index
    tpu.barrier barrier_id(%barrier3A)
    %dma_start3A = arith.constant 0 : i32
    %dma_start3A_18 = arith.constant 0 : i32
    %dma_start3A_19 = tpu.memref_slice %arg7[%dma_start3A, %dma_start3A_18] : memref<159x128xi32, #tpu.memory_space<vmem>> -> memref<1x128xi32, #tpu.memory_space<vmem>>
    %dma_start3A_20 = tpu.memref_squeeze %dma_start3A_19 : memref<1x128xi32, #tpu.memory_space<vmem>> -> memref<128xi32, #tpu.memory_space<vmem>>
    %dma_start3A_21 = arith.constant 0 : i32
    %dma_start3A_22 = arith.constant 0 : i32
    %dma_start3A_23 = tpu.memref_slice %arg2[%dma_start3A_21, %dma_start3A_22] : memref<20000x64xf32, #tpu.memory_space<hbm>> -> memref<20000x64xf32, #tpu.memory_space<hbm>>
    tpu.enqueue_indirect_dma source(%dma_start3A_23 : memref<20000x64xf32, #tpu.memory_space<hbm>>) target(%arg9 : memref<128x64xf32, #tpu.memory_space<vmem>>) offsets(%dma_start3A_20 : memref<128xi32, #tpu.memory_space<vmem>>) semaphore(%arg11 : memref<!tpu.dma_semaphore, #tpu.memory_space<semaphore_mem>>)
    %scan3A = arith.constant 0 : i32
    %scan3A_24 = arith.constant 0 : i32
    %scan3A_25 = arith.constant 79 : i32
    %scan3A_26 = arith.addi %scan3A_24, %scan3A_25 : i32
    %scan3A_27 = arith.constant 1 : i32
    scf.for %scan3A_76 = %scan3A_24 to %scan3A_26 step %scan3A_27  : i32 {
      %mul3A_77 = arith.constant 2 : i32
      %mul3A_78 = arith.muli %mul3A_77, %scan3A_76 : i32
      %dma_wait3A_79 = arith.constant 0 : i32
      %dma_wait3A_80 = tpu.memref_slice %arg7[%mul3A_78, %dma_wait3A_79] : memref<159x128xi32, #tpu.memory_space<vmem>> -> memref<1x128xi32, #tpu.memory_space<vmem>>
      %dma_wait3A_81 = tpu.memref_squeeze %dma_wait3A_80 : memref<1x128xi32, #tpu.memory_space<vmem>> -> memref<128xi32, #tpu.memory_space<vmem>>
      %dma_wait3A_82 = arith.constant 0 : i32
      %dma_wait3A_83 = arith.constant 0 : i32
      %dma_wait3A_84 = tpu.memref_slice %arg2[%dma_wait3A_82, %dma_wait3A_83] : memref<20000x64xf32, #tpu.memory_space<hbm>> -> memref<20000x64xf32, #tpu.memory_space<hbm>>
      tpu.wait_indirect_dma semaphore(%arg11 : memref<!tpu.dma_semaphore, #tpu.memory_space<semaphore_mem>>) src(%dma_wait3A_84 : memref<20000x64xf32, #tpu.memory_space<hbm>>) dst(%arg9 : memref<128x64xf32, #tpu.memory_space<vmem>>)
      %add3A_85 = arith.constant 1 : i32
      %add3A_86 = arith.addi %mul3A_78, %add3A_85 : i32
      %dma_start3A_87 = arith.constant 0 : i32
      %dma_start3A_88 = tpu.memref_slice %arg7[%add3A_86, %dma_start3A_87] : memref<159x128xi32, #tpu.memory_space<vmem>> -> memref<1x128xi32, #tpu.memory_space<vmem>>
      %dma_start3A_89 = tpu.memref_squeeze %dma_start3A_88 : memref<1x128xi32, #tpu.memory_space<vmem>> -> memref<128xi32, #tpu.memory_space<vmem>>
      %dma_start3A_90 = arith.constant 0 : i32
      %dma_start3A_91 = arith.constant 0 : i32
      %dma_start3A_92 = tpu.memref_slice %arg2[%dma_start3A_90, %dma_start3A_91] : memref<20000x64xf32, #tpu.memory_space<hbm>> -> memref<20000x64xf32, #tpu.memory_space<hbm>>
      tpu.enqueue_indirect_dma source(%dma_start3A_92 : memref<20000x64xf32, #tpu.memory_space<hbm>>) target(%arg10 : memref<128x64xf32, #tpu.memory_space<vmem>>) offsets(%dma_start3A_89 : memref<128xi32, #tpu.memory_space<vmem>>) semaphore(%arg11 : memref<!tpu.dma_semaphore, #tpu.memory_space<semaphore_mem>>)
      %add3A_93 = arith.constant 1 : i32
      %add3A_94 = arith.addi %mul3A_78, %add3A_93 : i32
      %dma_wait3A_95 = arith.constant 0 : i32
      %dma_wait3A_96 = tpu.memref_slice %arg7[%add3A_94, %dma_wait3A_95] : memref<159x128xi32, #tpu.memory_space<vmem>> -> memref<1x128xi32, #tpu.memory_space<vmem>>
      %dma_wait3A_97 = tpu.memref_squeeze %dma_wait3A_96 : memref<1x128xi32, #tpu.memory_space<vmem>> -> memref<128xi32, #tpu.memory_space<vmem>>
      %dma_wait3A_98 = arith.constant 0 : i32
      %dma_wait3A_99 = arith.constant 0 : i32
      %dma_wait3A_100 = tpu.memref_slice %arg2[%dma_wait3A_98, %dma_wait3A_99] : memref<20000x64xf32, #tpu.memory_space<hbm>> -> memref<20000x64xf32, #tpu.memory_space<hbm>>
      tpu.wait_indirect_dma semaphore(%arg11 : memref<!tpu.dma_semaphore, #tpu.memory_space<semaphore_mem>>) src(%dma_wait3A_100 : memref<20000x64xf32, #tpu.memory_space<hbm>>) dst(%arg10 : memref<128x64xf32, #tpu.memory_space<vmem>>)
      %add3A_101 = arith.constant 2 : i32
      %add3A_102 = arith.addi %mul3A_78, %add3A_101 : i32
      %dma_start3A_103 = arith.constant 0 : i32
      %dma_start3A_104 = tpu.memref_slice %arg7[%add3A_102, %dma_start3A_103] : memref<159x128xi32, #tpu.memory_space<vmem>> -> memref<1x128xi32, #tpu.memory_space<vmem>>
      %dma_start3A_105 = tpu.memref_squeeze %dma_start3A_104 : memref<1x128xi32, #tpu.memory_space<vmem>> -> memref<128xi32, #tpu.memory_space<vmem>>
      %dma_start3A_106 = arith.constant 0 : i32
      %dma_start3A_107 = arith.constant 0 : i32
      %dma_start3A_108 = tpu.memref_slice %arg2[%dma_start3A_106, %dma_start3A_107] : memref<20000x64xf32, #tpu.memory_space<hbm>> -> memref<20000x64xf32, #tpu.memory_space<hbm>>
      tpu.enqueue_indirect_dma source(%dma_start3A_108 : memref<20000x64xf32, #tpu.memory_space<hbm>>) target(%arg9 : memref<128x64xf32, #tpu.memory_space<vmem>>) offsets(%dma_start3A_105 : memref<128xi32, #tpu.memory_space<vmem>>) semaphore(%arg11 : memref<!tpu.dma_semaphore, #tpu.memory_space<semaphore_mem>>)
    }
    %scan3A_28 = arith.constant 79 : i32
    %dma_wait3A = arith.constant 158 : i32
    %dma_wait3A_29 = arith.constant 0 : i32
    %dma_wait3A_30 = tpu.memref_slice %arg7[%dma_wait3A, %dma_wait3A_29] : memref<159x128xi32, #tpu.memory_space<vmem>> -> memref<1x128xi32, #tpu.memory_space<vmem>>
    %dma_wait3A_31 = tpu.memref_squeeze %dma_wait3A_30 : memref<1x128xi32, #tpu.memory_space<vmem>> -> memref<128xi32, #tpu.memory_space<vmem>>
    %dma_wait3A_32 = arith.constant 0 : i32
    %dma_wait3A_33 = arith.constant 0 : i32
    %dma_wait3A_34 = tpu.memref_slice %arg2[%dma_wait3A_32, %dma_wait3A_33] : memref<20000x64xf32, #tpu.memory_space<hbm>> -> memref<20000x64xf32, #tpu.memory_space<hbm>>
    tpu.wait_indirect_dma semaphore(%arg11 : memref<!tpu.dma_semaphore, #tpu.memory_space<semaphore_mem>>) src(%dma_wait3A_34 : memref<20000x64xf32, #tpu.memory_space<hbm>>) dst(%arg9 : memref<128x64xf32, #tpu.memory_space<vmem>>)
    %run_scoped3A = arith.constant 158 : i32
    "tpu.region"() ({
      %run_scoped3A_76 = tpu.sem_alloc : memref<!tpu.dma_semaphore, #tpu.memory_space<semaphore_mem>>
      %dma_start3A_77 = arith.constant 0 : i32
      %dma_start3A_78 = tpu.memref_slice %arg8[%run_scoped3A, %dma_start3A_77] : memref<159x128xi32, #tpu.memory_space<vmem>> -> memref<1x128xi32, #tpu.memory_space<vmem>>
      %dma_start3A_79 = tpu.memref_squeeze %dma_start3A_78 : memref<1x128xi32, #tpu.memory_space<vmem>> -> memref<128xi32, #tpu.memory_space<vmem>>
      %dma_start3A_80 = arith.constant 0 : i32
      %dma_start3A_81 = arith.constant 0 : i32
      %dma_start3A_82 = tpu.memref_slice %arg12[%dma_start3A_80, %dma_start3A_81] : memref<10112x64xf32, #tpu.memory_space<vmem_shared>> -> memref<10112x64xf32, #tpu.memory_space<vmem_shared>>
      tpu.enqueue_indirect_dma source(%arg9 : memref<128x64xf32, #tpu.memory_space<vmem>>) target(%dma_start3A_82 : memref<10112x64xf32, #tpu.memory_space<vmem_shared>>) offsets(%dma_start3A_79 : memref<128xi32, #tpu.memory_space<vmem>>) semaphore(%run_scoped3A_76 : memref<!tpu.dma_semaphore, #tpu.memory_space<semaphore_mem>>) {add = true}
      %dma_wait3A_83 = arith.constant 0 : i32
      %dma_wait3A_84 = tpu.memref_slice %arg8[%run_scoped3A, %dma_wait3A_83] : memref<159x128xi32, #tpu.memory_space<vmem>> -> memref<1x128xi32, #tpu.memory_space<vmem>>
      %dma_wait3A_85 = tpu.memref_squeeze %dma_wait3A_84 : memref<1x128xi32, #tpu.memory_space<vmem>> -> memref<128xi32, #tpu.memory_space<vmem>>
      %dma_wait3A_86 = arith.constant 0 : i32
      %dma_wait3A_87 = arith.constant 0 : i32
      %dma_wait3A_88 = tpu.memref_slice %arg12[%dma_wait3A_86, %dma_wait3A_87] : memref<10112x64xf32, #tpu.memory_space<vmem_shared>> -> memref<10112x64xf32, #tpu.memory_space<vmem_shared>>
      tpu.wait_indirect_dma semaphore(%run_scoped3A_76 : memref<!tpu.dma_semaphore, #tpu.memory_space<semaphore_mem>>) src(%arg9 : memref<128x64xf32, #tpu.memory_space<vmem>>) dst(%dma_wait3A_88 : memref<10112x64xf32, #tpu.memory_space<vmem_shared>>)
      tpu.yield
    }) : () -> ()
    %barrier3A_35 = arith.constant 0 : index
    tpu.barrier barrier_id(%barrier3A_35)
    %mul3A_36 = arith.constant 632 : i32
    %mul3A_37 = arith.muli %arg1, %mul3A_36 : i32
    %add3A_38 = arith.constant 0 : i32
    %add3A_39 = arith.addi %mul3A_37, %add3A_38 : i32
    "tpu.region"() ({
      %run_scoped3A_76 = tpu.sem_alloc : memref<!tpu.dma_semaphore, #tpu.memory_space<semaphore_mem>>
      %dma_start3A_77 = arith.constant 0 : i32
      %dma_start3A_78 = arith.constant 0 : i32
      %dma_start3A_79 = tpu.memref_slice %arg9[%dma_start3A_77, %dma_start3A_78] : memref<128x64xf32, #tpu.memory_space<vmem>> -> memref<128x64xf32, #tpu.memory_space<vmem>>
      %dma_start3A_80 = arith.constant 0 : i32
      %dma_start3A_81 = tpu.memref_slice %arg12[%add3A_39, %dma_start3A_80] : memref<10112x64xf32, #tpu.memory_space<vmem_shared>> -> memref<128x64xf32, #tpu.memory_space<vmem_shared>>
      %dma_start3A_82 = arith.constant 0 : i32
      %dma_start3A_83 = arith.constant 0 : i32
      %dma_start3A_84 = tpu.memref_slice %arg9[%dma_start3A_82, %dma_start3A_83] : memref<128x64xf32, #tpu.memory_space<vmem>> -> memref<128x64xf32, #tpu.memory_space<vmem>>
      %dma_start3A_85 = arith.constant 0 : i32
      %dma_start3A_86 = tpu.memref_slice %arg12[%add3A_39, %dma_start3A_85] : memref<10112x64xf32, #tpu.memory_space<vmem_shared>> -> memref<128x64xf32, #tpu.memory_space<vmem_shared>>
      tpu.enqueue_dma source(%dma_start3A_86 : memref<128x64xf32, #tpu.memory_space<vmem_shared>>) target(%dma_start3A_84 : memref<128x64xf32, #tpu.memory_space<vmem>>) target_semaphore(%run_scoped3A_76 : memref<!tpu.dma_semaphore, #tpu.memory_space<semaphore_mem>>)
      %dma_wait3A_87 = arith.constant 0 : i32
      %dma_wait3A_88 = arith.constant 0 : i32
      %dma_wait3A_89 = tpu.memref_slice %arg9[%dma_wait3A_87, %dma_wait3A_88] : memref<128x64xf32, #tpu.memory_space<vmem>> -> memref<128x64xf32, #tpu.memory_space<vmem>>
      %dma_wait3A_90 = arith.constant 0 : i32
      %dma_wait3A_91 = tpu.memref_slice %arg12[%add3A_39, %dma_wait3A_90] : memref<10112x64xf32, #tpu.memory_space<vmem_shared>> -> memref<128x64xf32, #tpu.memory_space<vmem_shared>>
      %dma_wait3A_92 = arith.constant 0 : i32
      %dma_wait3A_93 = arith.constant 0 : i32
      %dma_wait3A_94 = tpu.memref_slice %arg9[%dma_wait3A_92, %dma_wait3A_93] : memref<128x64xf32, #tpu.memory_space<vmem>> -> memref<128x64xf32, #tpu.memory_space<vmem>>
      %dma_wait3A_95 = arith.constant 0 : i32
      %dma_wait3A_96 = tpu.memref_slice %arg12[%add3A_39, %dma_wait3A_95] : memref<10112x64xf32, #tpu.memory_space<vmem_shared>> -> memref<128x64xf32, #tpu.memory_space<vmem_shared>>
      tpu.wait_dma2 semaphore(%run_scoped3A_76 : memref<!tpu.dma_semaphore, #tpu.memory_space<semaphore_mem>>) src(%dma_wait3A_96 : memref<128x64xf32, #tpu.memory_space<vmem_shared>>) dst(%dma_wait3A_94 : memref<128x64xf32, #tpu.memory_space<vmem>>)
      tpu.yield
    }) : () -> ()
    %mul3A_40 = arith.constant 632 : i32
    %mul3A_41 = arith.muli %arg1, %mul3A_40 : i32
    %add3A_42 = arith.constant 0 : i32
    %add3A_43 = arith.addi %mul3A_41, %add3A_42 : i32
    "tpu.region"() ({
      %run_scoped3A_76 = tpu.sem_alloc : memref<!tpu.dma_semaphore, #tpu.memory_space<semaphore_mem>>
      %dma_start3A_77 = arith.constant 0 : i32
      %dma_start3A_78 = arith.constant 0 : i32
      %dma_start3A_79 = tpu.memref_slice %arg9[%dma_start3A_77, %dma_start3A_78] : memref<128x64xf32, #tpu.memory_space<vmem>> -> memref<128x64xf32, #tpu.memory_space<vmem>>
      %dma_start3A_80 = arith.constant 0 : i32
      %dma_start3A_81 = tpu.memref_slice %arg6[%arg0, %add3A_43, %dma_start3A_80] : memref<2x10112x64xf32, #tpu.memory_space<hbm>> -> memref<1x128x64xf32, #tpu.memory_space<hbm>>
      %dma_start3A_82 = tpu.memref_squeeze %dma_start3A_81 : memref<1x128x64xf32, #tpu.memory_space<hbm>> -> memref<128x64xf32, #tpu.memory_space<hbm>>
      %dma_start3A_83 = arith.constant 0 : i32
      %dma_start3A_84 = tpu.memref_slice %arg6[%arg0, %add3A_43, %dma_start3A_83] : memref<2x10112x64xf32, #tpu.memory_space<hbm>> -> memref<1x128x64xf32, #tpu.memory_space<hbm>>
      %dma_start3A_85 = tpu.memref_squeeze %dma_start3A_84 : memref<1x128x64xf32, #tpu.memory_space<hbm>> -> memref<128x64xf32, #tpu.memory_space<hbm>>
      %dma_start3A_86 = arith.constant 0 : i32
      %dma_start3A_87 = arith.constant 0 : i32
      %dma_start3A_88 = tpu.memref_slice %arg9[%dma_start3A_86, %dma_start3A_87] : memref<128x64xf32, #tpu.memory_space<vmem>> -> memref<128x64xf32, #tpu.memory_space<vmem>>
      tpu.enqueue_dma source(%dma_start3A_88 : memref<128x64xf32, #tpu.memory_space<vmem>>) target(%dma_start3A_85 : memref<128x64xf32, #tpu.memory_space<hbm>>) target_semaphore(%run_scoped3A_76 : memref<!tpu.dma_semaphore, #tpu.memory_space<semaphore_mem>>)
      %dma_wait3A_89 = arith.constant 0 : i32
      %dma_wait3A_90 = arith.constant 0 : i32
      %dma_wait3A_91 = tpu.memref_slice %arg9[%dma_wait3A_89, %dma_wait3A_90] : memref<128x64xf32, #tpu.memory_space<vmem>> -> memref<128x64xf32, #tpu.memory_space<vmem>>
      %dma_wait3A_92 = arith.constant 0 : i32
      %dma_wait3A_93 = tpu.memref_slice %arg6[%arg0, %add3A_43, %dma_wait3A_92] : memref<2x10112x64xf32, #tpu.memory_space<hbm>> -> memref<1x128x64xf32, #tpu.memory_space<hbm>>
      %dma_wait3A_94 = tpu.memref_squeeze %dma_wait3A_93 : memref<1x128x64xf32, #tpu.memory_space<hbm>> -> memref<128x64xf32, #tpu.memory_space<hbm>>
      %dma_wait3A_95 = arith.constant 0 : i32
      %dma_wait3A_96 = tpu.memref_slice %arg6[%arg0, %add3A_43, %dma_wait3A_95] : memref<2x10112x64xf32, #tpu.memory_space<hbm>> -> memref<1x128x64xf32, #tpu.memory_space<hbm>>
      %dma_wait3A_97 = tpu.memref_squeeze %dma_wait3A_96 : memref<1x128x64xf32, #tpu.memory_space<hbm>> -> memref<128x64xf32, #tpu.memory_space<hbm>>
      %dma_wait3A_98 = arith.constant 0 : i32
      %dma_wait3A_99 = arith.constant 0 : i32
      %dma_wait3A_100 = tpu.memref_slice %arg9[%dma_wait3A_98, %dma_wait3A_99] : memref<128x64xf32, #tpu.memory_space<vmem>> -> memref<128x64xf32, #tpu.memory_space<vmem>>
      tpu.wait_dma2 semaphore(%run_scoped3A_76 : memref<!tpu.dma_semaphore, #tpu.memory_space<semaphore_mem>>) src(%dma_wait3A_100 : memref<128x64xf32, #tpu.memory_space<vmem>>) dst(%dma_wait3A_97 : memref<128x64xf32, #tpu.memory_space<hbm>>)
      tpu.yield
    }) : () -> ()
    %mul3A_44 = arith.constant 632 : i32
    %mul3A_45 = arith.muli %arg1, %mul3A_44 : i32
    %add3A_46 = arith.constant 128 : i32
    %add3A_47 = arith.addi %mul3A_45, %add3A_46 : i32
    "tpu.region"() ({
      %run_scoped3A_76 = tpu.sem_alloc : memref<!tpu.dma_semaphore, #tpu.memory_space<semaphore_mem>>
      %dma_start3A_77 = arith.constant 0 : i32
      %dma_start3A_78 = arith.constant 0 : i32
      %dma_start3A_79 = tpu.memref_slice %arg9[%dma_start3A_77, %dma_start3A_78] : memref<128x64xf32, #tpu.memory_space<vmem>> -> memref<128x64xf32, #tpu.memory_space<vmem>>
      %dma_start3A_80 = arith.constant 0 : i32
      %dma_start3A_81 = tpu.memref_slice %arg12[%add3A_47, %dma_start3A_80] : memref<10112x64xf32, #tpu.memory_space<vmem_shared>> -> memref<128x64xf32, #tpu.memory_space<vmem_shared>>
      %dma_start3A_82 = arith.constant 0 : i32
      %dma_start3A_83 = arith.constant 0 : i32
      %dma_start3A_84 = tpu.memref_slice %arg9[%dma_start3A_82, %dma_start3A_83] : memref<128x64xf32, #tpu.memory_space<vmem>> -> memref<128x64xf32, #tpu.memory_space<vmem>>
      %dma_start3A_85 = arith.constant 0 : i32
      %dma_start3A_86 = tpu.memref_slice %arg12[%add3A_47, %dma_start3A_85] : memref<10112x64xf32, #tpu.memory_space<vmem_shared>> -> memref<128x64xf32, #tpu.memory_space<vmem_shared>>
      tpu.enqueue_dma source(%dma_start3A_86 : memref<128x64xf32, #tpu.memory_space<vmem_shared>>) target(%dma_start3A_84 : memref<128x64xf32, #tpu.memory_space<vmem>>) target_semaphore(%run_scoped3A_76 : memref<!tpu.dma_semaphore, #tpu.memory_space<semaphore_mem>>)
      %dma_wait3A_87 = arith.constant 0 : i32
      %dma_wait3A_88 = arith.constant 0 : i32
      %dma_wait3A_89 = tpu.memref_slice %arg9[%dma_wait3A_87, %dma_wait3A_88] : memref<128x64xf32, #tpu.memory_space<vmem>> -> memref<128x64xf32, #tpu.memory_space<vmem>>
      %dma_wait3A_90 = arith.constant 0 : i32
      %dma_wait3A_91 = tpu.memref_slice %arg12[%add3A_47, %dma_wait3A_90] : memref<10112x64xf32, #tpu.memory_space<vmem_shared>> -> memref<128x64xf32, #tpu.memory_space<vmem_shared>>
      %dma_wait3A_92 = arith.constant 0 : i32
      %dma_wait3A_93 = arith.constant 0 : i32
      %dma_wait3A_94 = tpu.memref_slice %arg9[%dma_wait3A_92, %dma_wait3A_93] : memref<128x64xf32, #tpu.memory_space<vmem>> -> memref<128x64xf32, #tpu.memory_space<vmem>>
      %dma_wait3A_95 = arith.constant 0 : i32
      %dma_wait3A_96 = tpu.memref_slice %arg12[%add3A_47, %dma_wait3A_95] : memref<10112x64xf32, #tpu.memory_space<vmem_shared>> -> memref<128x64xf32, #tpu.memory_space<vmem_shared>>
      tpu.wait_dma2 semaphore(%run_scoped3A_76 : memref<!tpu.dma_semaphore, #tpu.memory_space<semaphore_mem>>) src(%dma_wait3A_96 : memref<128x64xf32, #tpu.memory_space<vmem_shared>>) dst(%dma_wait3A_94 : memref<128x64xf32, #tpu.memory_space<vmem>>)
      tpu.yield
    }) : () -> ()
    %mul3A_48 = arith.constant 632 : i32
    %mul3A_49 = arith.muli %arg1, %mul3A_48 : i32
    %add3A_50 = arith.constant 128 : i32
    %add3A_51 = arith.addi %mul3A_49, %add3A_50 : i32
    "tpu.region"() ({
      %run_scoped3A_76 = tpu.sem_alloc : memref<!tpu.dma_semaphore, #tpu.memory_space<semaphore_mem>>
      %dma_start3A_77 = arith.constant 0 : i32
      %dma_start3A_78 = arith.constant 0 : i32
      %dma_start3A_79 = tpu.memref_slice %arg9[%dma_start3A_77, %dma_start3A_78] : memref<128x64xf32, #tpu.memory_space<vmem>> -> memref<128x64xf32, #tpu.memory_space<vmem>>
      %dma_start3A_80 = arith.constant 0 : i32
      %dma_start3A_81 = tpu.memref_slice %arg6[%arg0, %add3A_51, %dma_start3A_80] : memref<2x10112x64xf32, #tpu.memory_space<hbm>> -> memref<1x128x64xf32, #tpu.memory_space<hbm>>
      %dma_start3A_82 = tpu.memref_squeeze %dma_start3A_81 : memref<1x128x64xf32, #tpu.memory_space<hbm>> -> memref<128x64xf32, #tpu.memory_space<hbm>>
      %dma_start3A_83 = arith.constant 0 : i32
      %dma_start3A_84 = tpu.memref_slice %arg6[%arg0, %add3A_51, %dma_start3A_83] : memref<2x10112x64xf32, #tpu.memory_space<hbm>> -> memref<1x128x64xf32, #tpu.memory_space<hbm>>
      %dma_start3A_85 = tpu.memref_squeeze %dma_start3A_84 : memref<1x128x64xf32, #tpu.memory_space<hbm>> -> memref<128x64xf32, #tpu.memory_space<hbm>>
      %dma_start3A_86 = arith.constant 0 : i32
      %dma_start3A_87 = arith.constant 0 : i32
      %dma_start3A_88 = tpu.memref_slice %arg9[%dma_start3A_86, %dma_start3A_87] : memref<128x64xf32, #tpu.memory_space<vmem>> -> memref<128x64xf32, #tpu.memory_space<vmem>>
      tpu.enqueue_dma source(%dma_start3A_88 : memref<128x64xf32, #tpu.memory_space<vmem>>) target(%dma_start3A_85 : memref<128x64xf32, #tpu.memory_space<hbm>>) target_semaphore(%run_scoped3A_76 : memref<!tpu.dma_semaphore, #tpu.memory_space<semaphore_mem>>)
      %dma_wait3A_89 = arith.constant 0 : i32
      %dma_wait3A_90 = arith.constant 0 : i32
      %dma_wait3A_91 = tpu.memref_slice %arg9[%dma_wait3A_89, %dma_wait3A_90] : memref<128x64xf32, #tpu.memory_space<vmem>> -> memref<128x64xf32, #tpu.memory_space<vmem>>
      %dma_wait3A_92 = arith.constant 0 : i32
      %dma_wait3A_93 = tpu.memref_slice %arg6[%arg0, %add3A_51, %dma_wait3A_92] : memref<2x10112x64xf32, #tpu.memory_space<hbm>> -> memref<1x128x64xf32, #tpu.memory_space<hbm>>
      %dma_wait3A_94 = tpu.memref_squeeze %dma_wait3A_93 : memref<1x128x64xf32, #tpu.memory_space<hbm>> -> memref<128x64xf32, #tpu.memory_space<hbm>>
      %dma_wait3A_95 = arith.constant 0 : i32
      %dma_wait3A_96 = tpu.memref_slice %arg6[%arg0, %add3A_51, %dma_wait3A_95] : memref<2x10112x64xf32, #tpu.memory_space<hbm>> -> memref<1x128x64xf32, #tpu.memory_space<hbm>>
      %dma_wait3A_97 = tpu.memref_squeeze %dma_wait3A_96 : memref<1x128x64xf32, #tpu.memory_space<hbm>> -> memref<128x64xf32, #tpu.memory_space<hbm>>
      %dma_wait3A_98 = arith.constant 0 : i32
      %dma_wait3A_99 = arith.constant 0 : i32
      %dma_wait3A_100 = tpu.memref_slice %arg9[%dma_wait3A_98, %dma_wait3A_99] : memref<128x64xf32, #tpu.memory_space<vmem>> -> memref<128x64xf32, #tpu.memory_space<vmem>>
      tpu.wait_dma2 semaphore(%run_scoped3A_76 : memref<!tpu.dma_semaphore, #tpu.memory_space<semaphore_mem>>) src(%dma_wait3A_100 : memref<128x64xf32, #tpu.memory_space<vmem>>) dst(%dma_wait3A_97 : memref<128x64xf32, #tpu.memory_space<hbm>>)
      tpu.yield
    }) : () -> ()
    %mul3A_52 = arith.constant 632 : i32
    %mul3A_53 = arith.muli %arg1, %mul3A_52 : i32
    %add3A_54 = arith.constant 256 : i32
    %add3A_55 = arith.addi %mul3A_53, %add3A_54 : i32
    "tpu.region"() ({
      %run_scoped3A_76 = tpu.sem_alloc : memref<!tpu.dma_semaphore, #tpu.memory_space<semaphore_mem>>
      %dma_start3A_77 = arith.constant 0 : i32
      %dma_start3A_78 = arith.constant 0 : i32
      %dma_start3A_79 = tpu.memref_slice %arg9[%dma_start3A_77, %dma_start3A_78] : memref<128x64xf32, #tpu.memory_space<vmem>> -> memref<128x64xf32, #tpu.memory_space<vmem>>
      %dma_start3A_80 = arith.constant 0 : i32
      %dma_start3A_81 = tpu.memref_slice %arg12[%add3A_55, %dma_start3A_80] : memref<10112x64xf32, #tpu.memory_space<vmem_shared>> -> memref<128x64xf32, #tpu.memory_space<vmem_shared>>
      %dma_start3A_82 = arith.constant 0 : i32
      %dma_start3A_83 = arith.constant 0 : i32
      %dma_start3A_84 = tpu.memref_slice %arg9[%dma_start3A_82, %dma_start3A_83] : memref<128x64xf32, #tpu.memory_space<vmem>> -> memref<128x64xf32, #tpu.memory_space<vmem>>
      %dma_start3A_85 = arith.constant 0 : i32
      %dma_start3A_86 = tpu.memref_slice %arg12[%add3A_55, %dma_start3A_85] : memref<10112x64xf32, #tpu.memory_space<vmem_shared>> -> memref<128x64xf32, #tpu.memory_space<vmem_shared>>
      tpu.enqueue_dma source(%dma_start3A_86 : memref<128x64xf32, #tpu.memory_space<vmem_shared>>) target(%dma_start3A_84 : memref<128x64xf32, #tpu.memory_space<vmem>>) target_semaphore(%run_scoped3A_76 : memref<!tpu.dma_semaphore, #tpu.memory_space<semaphore_mem>>)
      %dma_wait3A_87 = arith.constant 0 : i32
      %dma_wait3A_88 = arith.constant 0 : i32
      %dma_wait3A_89 = tpu.memref_slice %arg9[%dma_wait3A_87, %dma_wait3A_88] : memref<128x64xf32, #tpu.memory_space<vmem>> -> memref<128x64xf32, #tpu.memory_space<vmem>>
      %dma_wait3A_90 = arith.constant 0 : i32
      %dma_wait3A_91 = tpu.memref_slice %arg12[%add3A_55, %dma_wait3A_90] : memref<10112x64xf32, #tpu.memory_space<vmem_shared>> -> memref<128x64xf32, #tpu.memory_space<vmem_shared>>
      %dma_wait3A_92 = arith.constant 0 : i32
      %dma_wait3A_93 = arith.constant 0 : i32
      %dma_wait3A_94 = tpu.memref_slice %arg9[%dma_wait3A_92, %dma_wait3A_93] : memref<128x64xf32, #tpu.memory_space<vmem>> -> memref<128x64xf32, #tpu.memory_space<vmem>>
      %dma_wait3A_95 = arith.constant 0 : i32
      %dma_wait3A_96 = tpu.memref_slice %arg12[%add3A_55, %dma_wait3A_95] : memref<10112x64xf32, #tpu.memory_space<vmem_shared>> -> memref<128x64xf32, #tpu.memory_space<vmem_shared>>
      tpu.wait_dma2 semaphore(%run_scoped3A_76 : memref<!tpu.dma_semaphore, #tpu.memory_space<semaphore_mem>>) src(%dma_wait3A_96 : memref<128x64xf32, #tpu.memory_space<vmem_shared>>) dst(%dma_wait3A_94 : memref<128x64xf32, #tpu.memory_space<vmem>>)
      tpu.yield
    }) : () -> ()
    %mul3A_56 = arith.constant 632 : i32
    %mul3A_57 = arith.muli %arg1, %mul3A_56 : i32
    %add3A_58 = arith.constant 256 : i32
    %add3A_59 = arith.addi %mul3A_57, %add3A_58 : i32
    "tpu.region"() ({
      %run_scoped3A_76 = tpu.sem_alloc : memref<!tpu.dma_semaphore, #tpu.memory_space<semaphore_mem>>
      %dma_start3A_77 = arith.constant 0 : i32
      %dma_start3A_78 = arith.constant 0 : i32
      %dma_start3A_79 = tpu.memref_slice %arg9[%dma_start3A_77, %dma_start3A_78] : memref<128x64xf32, #tpu.memory_space<vmem>> -> memref<128x64xf32, #tpu.memory_space<vmem>>
      %dma_start3A_80 = arith.constant 0 : i32
      %dma_start3A_81 = tpu.memref_slice %arg6[%arg0, %add3A_59, %dma_start3A_80] : memref<2x10112x64xf32, #tpu.memory_space<hbm>> -> memref<1x128x64xf32, #tpu.memory_space<hbm>>
      %dma_start3A_82 = tpu.memref_squeeze %dma_start3A_81 : memref<1x128x64xf32, #tpu.memory_space<hbm>> -> memref<128x64xf32, #tpu.memory_space<hbm>>
      %dma_start3A_83 = arith.constant 0 : i32
      %dma_start3A_84 = tpu.memref_slice %arg6[%arg0, %add3A_59, %dma_start3A_83] : memref<2x10112x64xf32, #tpu.memory_space<hbm>> -> memref<1x128x64xf32, #tpu.memory_space<hbm>>
      %dma_start3A_85 = tpu.memref_squeeze %dma_start3A_84 : memref<1x128x64xf32, #tpu.memory_space<hbm>> -> memref<128x64xf32, #tpu.memory_space<hbm>>
      %dma_start3A_86 = arith.constant 0 : i32
      %dma_start3A_87 = arith.constant 0 : i32
      %dma_start3A_88 = tpu.memref_slice %arg9[%dma_start3A_86, %dma_start3A_87] : memref<128x64xf32, #tpu.memory_space<vmem>> -> memref<128x64xf32, #tpu.memory_space<vmem>>
      tpu.enqueue_dma source(%dma_start3A_88 : memref<128x64xf32, #tpu.memory_space<vmem>>) target(%dma_start3A_85 : memref<128x64xf32, #tpu.memory_space<hbm>>) target_semaphore(%run_scoped3A_76 : memref<!tpu.dma_semaphore, #tpu.memory_space<semaphore_mem>>)
      %dma_wait3A_89 = arith.constant 0 : i32
      %dma_wait3A_90 = arith.constant 0 : i32
      %dma_wait3A_91 = tpu.memref_slice %arg9[%dma_wait3A_89, %dma_wait3A_90] : memref<128x64xf32, #tpu.memory_space<vmem>> -> memref<128x64xf32, #tpu.memory_space<vmem>>
      %dma_wait3A_92 = arith.constant 0 : i32
      %dma_wait3A_93 = tpu.memref_slice %arg6[%arg0, %add3A_59, %dma_wait3A_92] : memref<2x10112x64xf32, #tpu.memory_space<hbm>> -> memref<1x128x64xf32, #tpu.memory_space<hbm>>
      %dma_wait3A_94 = tpu.memref_squeeze %dma_wait3A_93 : memref<1x128x64xf32, #tpu.memory_space<hbm>> -> memref<128x64xf32, #tpu.memory_space<hbm>>
      %dma_wait3A_95 = arith.constant 0 : i32
      %dma_wait3A_96 = tpu.memref_slice %arg6[%arg0, %add3A_59, %dma_wait3A_95] : memref<2x10112x64xf32, #tpu.memory_space<hbm>> -> memref<1x128x64xf32, #tpu.memory_space<hbm>>
      %dma_wait3A_97 = tpu.memref_squeeze %dma_wait3A_96 : memref<1x128x64xf32, #tpu.memory_space<hbm>> -> memref<128x64xf32, #tpu.memory_space<hbm>>
      %dma_wait3A_98 = arith.constant 0 : i32
      %dma_wait3A_99 = arith.constant 0 : i32
      %dma_wait3A_100 = tpu.memref_slice %arg9[%dma_wait3A_98, %dma_wait3A_99] : memref<128x64xf32, #tpu.memory_space<vmem>> -> memref<128x64xf32, #tpu.memory_space<vmem>>
      tpu.wait_dma2 semaphore(%run_scoped3A_76 : memref<!tpu.dma_semaphore, #tpu.memory_space<semaphore_mem>>) src(%dma_wait3A_100 : memref<128x64xf32, #tpu.memory_space<vmem>>) dst(%dma_wait3A_97 : memref<128x64xf32, #tpu.memory_space<hbm>>)
      tpu.yield
    }) : () -> ()
    %mul3A_60 = arith.constant 632 : i32
    %mul3A_61 = arith.muli %arg1, %mul3A_60 : i32
    %add3A_62 = arith.constant 384 : i32
    %add3A_63 = arith.addi %mul3A_61, %add3A_62 : i32
    "tpu.region"() ({
      %run_scoped3A_76 = tpu.sem_alloc : memref<!tpu.dma_semaphore, #tpu.memory_space<semaphore_mem>>
      %dma_start3A_77 = arith.constant 0 : i32
      %dma_start3A_78 = arith.constant 0 : i32
      %dma_start3A_79 = tpu.memref_slice %arg9[%dma_start3A_77, %dma_start3A_78] : memref<128x64xf32, #tpu.memory_space<vmem>> -> memref<128x64xf32, #tpu.memory_space<vmem>>
      %dma_start3A_80 = arith.constant 0 : i32
      %dma_start3A_81 = tpu.memref_slice %arg12[%add3A_63, %dma_start3A_80] : memref<10112x64xf32, #tpu.memory_space<vmem_shared>> -> memref<128x64xf32, #tpu.memory_space<vmem_shared>>
      %dma_start3A_82 = arith.constant 0 : i32
      %dma_start3A_83 = arith.constant 0 : i32
      %dma_start3A_84 = tpu.memref_slice %arg9[%dma_start3A_82, %dma_start3A_83] : memref<128x64xf32, #tpu.memory_space<vmem>> -> memref<128x64xf32, #tpu.memory_space<vmem>>
      %dma_start3A_85 = arith.constant 0 : i32
      %dma_start3A_86 = tpu.memref_slice %arg12[%add3A_63, %dma_start3A_85] : memref<10112x64xf32, #tpu.memory_space<vmem_shared>> -> memref<128x64xf32, #tpu.memory_space<vmem_shared>>
      tpu.enqueue_dma source(%dma_start3A_86 : memref<128x64xf32, #tpu.memory_space<vmem_shared>>) target(%dma_start3A_84 : memref<128x64xf32, #tpu.memory_space<vmem>>) target_semaphore(%run_scoped3A_76 : memref<!tpu.dma_semaphore, #tpu.memory_space<semaphore_mem>>)
      %dma_wait3A_87 = arith.constant 0 : i32
      %dma_wait3A_88 = arith.constant 0 : i32
      %dma_wait3A_89 = tpu.memref_slice %arg9[%dma_wait3A_87, %dma_wait3A_88] : memref<128x64xf32, #tpu.memory_space<vmem>> -> memref<128x64xf32, #tpu.memory_space<vmem>>
      %dma_wait3A_90 = arith.constant 0 : i32
      %dma_wait3A_91 = tpu.memref_slice %arg12[%add3A_63, %dma_wait3A_90] : memref<10112x64xf32, #tpu.memory_space<vmem_shared>> -> memref<128x64xf32, #tpu.memory_space<vmem_shared>>
      %dma_wait3A_92 = arith.constant 0 : i32
      %dma_wait3A_93 = arith.constant 0 : i32
      %dma_wait3A_94 = tpu.memref_slice %arg9[%dma_wait3A_92, %dma_wait3A_93] : memref<128x64xf32, #tpu.memory_space<vmem>> -> memref<128x64xf32, #tpu.memory_space<vmem>>
      %dma_wait3A_95 = arith.constant 0 : i32
      %dma_wait3A_96 = tpu.memref_slice %arg12[%add3A_63, %dma_wait3A_95] : memref<10112x64xf32, #tpu.memory_space<vmem_shared>> -> memref<128x64xf32, #tpu.memory_space<vmem_shared>>
      tpu.wait_dma2 semaphore(%run_scoped3A_76 : memref<!tpu.dma_semaphore, #tpu.memory_space<semaphore_mem>>) src(%dma_wait3A_96 : memref<128x64xf32, #tpu.memory_space<vmem_shared>>) dst(%dma_wait3A_94 : memref<128x64xf32, #tpu.memory_space<vmem>>)
      tpu.yield
    }) : () -> ()
    %mul3A_64 = arith.constant 632 : i32
    %mul3A_65 = arith.muli %arg1, %mul3A_64 : i32
    %add3A_66 = arith.constant 384 : i32
    %add3A_67 = arith.addi %mul3A_65, %add3A_66 : i32
    "tpu.region"() ({
      %run_scoped3A_76 = tpu.sem_alloc : memref<!tpu.dma_semaphore, #tpu.memory_space<semaphore_mem>>
      %dma_start3A_77 = arith.constant 0 : i32
      %dma_start3A_78 = arith.constant 0 : i32
      %dma_start3A_79 = tpu.memref_slice %arg9[%dma_start3A_77, %dma_start3A_78] : memref<128x64xf32, #tpu.memory_space<vmem>> -> memref<128x64xf32, #tpu.memory_space<vmem>>
      %dma_start3A_80 = arith.constant 0 : i32
      %dma_start3A_81 = tpu.memref_slice %arg6[%arg0, %add3A_67, %dma_start3A_80] : memref<2x10112x64xf32, #tpu.memory_space<hbm>> -> memref<1x128x64xf32, #tpu.memory_space<hbm>>
      %dma_start3A_82 = tpu.memref_squeeze %dma_start3A_81 : memref<1x128x64xf32, #tpu.memory_space<hbm>> -> memref<128x64xf32, #tpu.memory_space<hbm>>
      %dma_start3A_83 = arith.constant 0 : i32
      %dma_start3A_84 = tpu.memref_slice %arg6[%arg0, %add3A_67, %dma_start3A_83] : memref<2x10112x64xf32, #tpu.memory_space<hbm>> -> memref<1x128x64xf32, #tpu.memory_space<hbm>>
      %dma_start3A_85 = tpu.memref_squeeze %dma_start3A_84 : memref<1x128x64xf32, #tpu.memory_space<hbm>> -> memref<128x64xf32, #tpu.memory_space<hbm>>
      %dma_start3A_86 = arith.constant 0 : i32
      %dma_start3A_87 = arith.constant 0 : i32
      %dma_start3A_88 = tpu.memref_slice %arg9[%dma_start3A_86, %dma_start3A_87] : memref<128x64xf32, #tpu.memory_space<vmem>> -> memref<128x64xf32, #tpu.memory_space<vmem>>
      tpu.enqueue_dma source(%dma_start3A_88 : memref<128x64xf32, #tpu.memory_space<vmem>>) target(%dma_start3A_85 : memref<128x64xf32, #tpu.memory_space<hbm>>) target_semaphore(%run_scoped3A_76 : memref<!tpu.dma_semaphore, #tpu.memory_space<semaphore_mem>>)
      %dma_wait3A_89 = arith.constant 0 : i32
      %dma_wait3A_90 = arith.constant 0 : i32
      %dma_wait3A_91 = tpu.memref_slice %arg9[%dma_wait3A_89, %dma_wait3A_90] : memref<128x64xf32, #tpu.memory_space<vmem>> -> memref<128x64xf32, #tpu.memory_space<vmem>>
      %dma_wait3A_92 = arith.constant 0 : i32
      %dma_wait3A_93 = tpu.memref_slice %arg6[%arg0, %add3A_67, %dma_wait3A_92] : memref<2x10112x64xf32, #tpu.memory_space<hbm>> -> memref<1x128x64xf32, #tpu.memory_space<hbm>>
      %dma_wait3A_94 = tpu.memref_squeeze %dma_wait3A_93 : memref<1x128x64xf32, #tpu.memory_space<hbm>> -> memref<128x64xf32, #tpu.memory_space<hbm>>
      %dma_wait3A_95 = arith.constant 0 : i32
      %dma_wait3A_96 = tpu.memref_slice %arg6[%arg0, %add3A_67, %dma_wait3A_95] : memref<2x10112x64xf32, #tpu.memory_space<hbm>> -> memref<1x128x64xf32, #tpu.memory_space<hbm>>
      %dma_wait3A_97 = tpu.memref_squeeze %dma_wait3A_96 : memref<1x128x64xf32, #tpu.memory_space<hbm>> -> memref<128x64xf32, #tpu.memory_space<hbm>>
      %dma_wait3A_98 = arith.constant 0 : i32
      %dma_wait3A_99 = arith.constant 0 : i32
      %dma_wait3A_100 = tpu.memref_slice %arg9[%dma_wait3A_98, %dma_wait3A_99] : memref<128x64xf32, #tpu.memory_space<vmem>> -> memref<128x64xf32, #tpu.memory_space<vmem>>
      tpu.wait_dma2 semaphore(%run_scoped3A_76 : memref<!tpu.dma_semaphore, #tpu.memory_space<semaphore_mem>>) src(%dma_wait3A_100 : memref<128x64xf32, #tpu.memory_space<vmem>>) dst(%dma_wait3A_97 : memref<128x64xf32, #tpu.memory_space<hbm>>)
      tpu.yield
    }) : () -> ()
    %mul3A_68 = arith.constant 632 : i32
    %mul3A_69 = arith.muli %arg1, %mul3A_68 : i32
    %add3A_70 = arith.constant 512 : i32
    %add3A_71 = arith.addi %mul3A_69, %add3A_70 : i32
    "tpu.region"() ({
      %run_scoped3A_76 = tpu.sem_alloc : memref<!tpu.dma_semaphore, #tpu.memory_space<semaphore_mem>>
      %dma_start3A_77 = arith.constant 0 : i32
      %dma_start3A_78 = arith.constant 0 : i32
      %dma_start3A_79 = tpu.memref_slice %arg9[%dma_start3A_77, %dma_start3A_78] : memref<128x64xf32, #tpu.memory_space<vmem>> -> memref<120x64xf32, #tpu.memory_space<vmem>>
      %dma_start3A_80 = arith.constant 0 : i32
      %dma_start3A_81 = tpu.memref_slice %arg12[%add3A_71, %dma_start3A_80] : memref<10112x64xf32, #tpu.memory_space<vmem_shared>> -> memref<120x64xf32, #tpu.memory_space<vmem_shared>>
      %dma_start3A_82 = arith.constant 0 : i32
      %dma_start3A_83 = arith.constant 0 : i32
      %dma_start3A_84 = tpu.memref_slice %arg9[%dma_start3A_82, %dma_start3A_83] : memref<128x64xf32, #tpu.memory_space<vmem>> -> memref<120x64xf32, #tpu.memory_space<vmem>>
      %dma_start3A_85 = arith.constant 0 : i32
      %dma_start3A_86 = tpu.memref_slice %arg12[%add3A_71, %dma_start3A_85] : memref<10112x64xf32, #tpu.memory_space<vmem_shared>> -> memref<120x64xf32, #tpu.memory_space<vmem_shared>>
      tpu.enqueue_dma source(%dma_start3A_86 : memref<120x64xf32, #tpu.memory_space<vmem_shared>>) target(%dma_start3A_84 : memref<120x64xf32, #tpu.memory_space<vmem>>) target_semaphore(%run_scoped3A_76 : memref<!tpu.dma_semaphore, #tpu.memory_space<semaphore_mem>>)
      %dma_wait3A_87 = arith.constant 0 : i32
      %dma_wait3A_88 = arith.constant 0 : i32
      %dma_wait3A_89 = tpu.memref_slice %arg9[%dma_wait3A_87, %dma_wait3A_88] : memref<128x64xf32, #tpu.memory_space<vmem>> -> memref<120x64xf32, #tpu.memory_space<vmem>>
      %dma_wait3A_90 = arith.constant 0 : i32
      %dma_wait3A_91 = tpu.memref_slice %arg12[%add3A_71, %dma_wait3A_90] : memref<10112x64xf32, #tpu.memory_space<vmem_shared>> -> memref<120x64xf32, #tpu.memory_space<vmem_shared>>
      %dma_wait3A_92 = arith.constant 0 : i32
      %dma_wait3A_93 = arith.constant 0 : i32
      %dma_wait3A_94 = tpu.memref_slice %arg9[%dma_wait3A_92, %dma_wait3A_93] : memref<128x64xf32, #tpu.memory_space<vmem>> -> memref<120x64xf32, #tpu.memory_space<vmem>>
      %dma_wait3A_95 = arith.constant 0 : i32
      %dma_wait3A_96 = tpu.memref_slice %arg12[%add3A_71, %dma_wait3A_95] : memref<10112x64xf32, #tpu.memory_space<vmem_shared>> -> memref<120x64xf32, #tpu.memory_space<vmem_shared>>
      tpu.wait_dma2 semaphore(%run_scoped3A_76 : memref<!tpu.dma_semaphore, #tpu.memory_space<semaphore_mem>>) src(%dma_wait3A_96 : memref<120x64xf32, #tpu.memory_space<vmem_shared>>) dst(%dma_wait3A_94 : memref<120x64xf32, #tpu.memory_space<vmem>>)
      tpu.yield
    }) : () -> ()
    %mul3A_72 = arith.constant 632 : i32
    %mul3A_73 = arith.muli %arg1, %mul3A_72 : i32
    %add3A_74 = arith.constant 512 : i32
    %add3A_75 = arith.addi %mul3A_73, %add3A_74 : i32
    "tpu.region"() ({
      %run_scoped3A_76 = tpu.sem_alloc : memref<!tpu.dma_semaphore, #tpu.memory_space<semaphore_mem>>
      %dma_start3A_77 = arith.constant 0 : i32
      %dma_start3A_78 = arith.constant 0 : i32
      %dma_start3A_79 = tpu.memref_slice %arg9[%dma_start3A_77, %dma_start3A_78] : memref<128x64xf32, #tpu.memory_space<vmem>> -> memref<120x64xf32, #tpu.memory_space<vmem>>
      %dma_start3A_80 = arith.constant 0 : i32
      %dma_start3A_81 = tpu.memref_slice %arg6[%arg0, %add3A_75, %dma_start3A_80] : memref<2x10112x64xf32, #tpu.memory_space<hbm>> -> memref<1x120x64xf32, #tpu.memory_space<hbm>>
      %dma_start3A_82 = tpu.memref_squeeze %dma_start3A_81 : memref<1x120x64xf32, #tpu.memory_space<hbm>> -> memref<120x64xf32, #tpu.memory_space<hbm>>
      %dma_start3A_83 = arith.constant 0 : i32
      %dma_start3A_84 = tpu.memref_slice %arg6[%arg0, %add3A_75, %dma_start3A_83] : memref<2x10112x64xf32, #tpu.memory_space<hbm>> -> memref<1x120x64xf32, #tpu.memory_space<hbm>>
      %dma_start3A_85 = tpu.memref_squeeze %dma_start3A_84 : memref<1x120x64xf32, #tpu.memory_space<hbm>> -> memref<120x64xf32, #tpu.memory_space<hbm>>
      %dma_start3A_86 = arith.constant 0 : i32
      %dma_start3A_87 = arith.constant 0 : i32
      %dma_start3A_88 = tpu.memref_slice %arg9[%dma_start3A_86, %dma_start3A_87] : memref<128x64xf32, #tpu.memory_space<vmem>> -> memref<120x64xf32, #tpu.memory_space<vmem>>
      tpu.enqueue_dma source(%dma_start3A_88 : memref<120x64xf32, #tpu.memory_space<vmem>>) target(%dma_start3A_85 : memref<120x64xf32, #tpu.memory_space<hbm>>) target_semaphore(%run_scoped3A_76 : memref<!tpu.dma_semaphore, #tpu.memory_space<semaphore_mem>>)
      %dma_wait3A_89 = arith.constant 0 : i32
      %dma_wait3A_90 = arith.constant 0 : i32
      %dma_wait3A_91 = tpu.memref_slice %arg9[%dma_wait3A_89, %dma_wait3A_90] : memref<128x64xf32, #tpu.memory_space<vmem>> -> memref<120x64xf32, #tpu.memory_space<vmem>>
      %dma_wait3A_92 = arith.constant 0 : i32
      %dma_wait3A_93 = tpu.memref_slice %arg6[%arg0, %add3A_75, %dma_wait3A_92] : memref<2x10112x64xf32, #tpu.memory_space<hbm>> -> memref<1x120x64xf32, #tpu.memory_space<hbm>>
      %dma_wait3A_94 = tpu.memref_squeeze %dma_wait3A_93 : memref<1x120x64xf32, #tpu.memory_space<hbm>> -> memref<120x64xf32, #tpu.memory_space<hbm>>
      %dma_wait3A_95 = arith.constant 0 : i32
      %dma_wait3A_96 = tpu.memref_slice %arg6[%arg0, %add3A_75, %dma_wait3A_95] : memref<2x10112x64xf32, #tpu.memory_space<hbm>> -> memref<1x120x64xf32, #tpu.memory_space<hbm>>
      %dma_wait3A_97 = tpu.memref_squeeze %dma_wait3A_96 : memref<1x120x64xf32, #tpu.memory_space<hbm>> -> memref<120x64xf32, #tpu.memory_space<hbm>>
      %dma_wait3A_98 = arith.constant 0 : i32
      %dma_wait3A_99 = arith.constant 0 : i32
      %dma_wait3A_100 = tpu.memref_slice %arg9[%dma_wait3A_98, %dma_wait3A_99] : memref<128x64xf32, #tpu.memory_space<vmem>> -> memref<120x64xf32, #tpu.memory_space<vmem>>
      tpu.wait_dma2 semaphore(%run_scoped3A_76 : memref<!tpu.dma_semaphore, #tpu.memory_space<semaphore_mem>>) src(%dma_wait3A_100 : memref<120x64xf32, #tpu.memory_space<vmem>>) dst(%dma_wait3A_97 : memref<120x64xf32, #tpu.memory_space<hbm>>)
      tpu.yield
    }) : () -> ()
    return
  }
}

#map = affine_map<(d0, d1) -> (0, 0, 0)>
#map1 = affine_map<(d0, d1) -> (0)>
module attributes {stable_mosaic.version = 14 : i64} {
  func.func @_deg_kernel(%arg0: i32, %arg1: i32, %arg2: memref<32x79x128xi32, #tpu.memory_space<hbm>>, %arg3: memref<128xf32, #tpu.memory_space<hbm>>, %arg4: memref<632xf32, #tpu.memory_space<hbm>>, %arg5: memref<20224xf32, #tpu.memory_space<hbm>>, %arg6: memref<79x128xi32, #tpu.memory_space<vmem>>, %arg7: memref<128xf32, #tpu.memory_space<vmem>>, %arg8: memref<632xf32, #tpu.memory_space<vmem>>, %arg9: memref<10112xf32, #tpu.memory_space<vmem_shared>>) attributes {dimension_semantics = [#tpu.dimension_semantics<core_parallel>, #tpu.dimension_semantics<subcore_parallel>], iteration_bounds = array<i64: 2, 16>, scalar_prefetch = 0 : i64, scratch_operands = 4 : i64, tpu.core_type = #tpu.core_type<sc_vector_subcore>, window_params = [{transform_indices = #map}, {transform_indices = #map1}, {transform_indices = #map1}, {transform_indices = #map1}]} {
    %mul3A = arith.constant 16 : i32
    %mul3A_0 = arith.muli %arg0, %mul3A : i32
    %add3A = arith.addi %mul3A_0, %arg1 : i32
    "tpu.region"() ({
      %run_scoped3A = tpu.sem_alloc : memref<!tpu.dma_semaphore, #tpu.memory_space<semaphore_mem>>
      %dma_start3A = arith.constant 0 : i32
      %dma_start3A_16 = tpu.memref_slice %arg4[%dma_start3A] : memref<632xf32, #tpu.memory_space<hbm>> -> memref<632xf32, #tpu.memory_space<hbm>>
      %dma_start3A_17 = arith.constant 0 : i32
      %dma_start3A_18 = tpu.memref_slice %arg4[%dma_start3A_17] : memref<632xf32, #tpu.memory_space<hbm>> -> memref<632xf32, #tpu.memory_space<hbm>>
      tpu.enqueue_dma source(%dma_start3A_18 : memref<632xf32, #tpu.memory_space<hbm>>) target(%arg8 : memref<632xf32, #tpu.memory_space<vmem>>) target_semaphore(%run_scoped3A : memref<!tpu.dma_semaphore, #tpu.memory_space<semaphore_mem>>)
      %dma_wait3A = arith.constant 0 : i32
      %dma_wait3A_19 = tpu.memref_slice %arg4[%dma_wait3A] : memref<632xf32, #tpu.memory_space<hbm>> -> memref<632xf32, #tpu.memory_space<hbm>>
      %dma_wait3A_20 = arith.constant 0 : i32
      %dma_wait3A_21 = tpu.memref_slice %arg4[%dma_wait3A_20] : memref<632xf32, #tpu.memory_space<hbm>> -> memref<632xf32, #tpu.memory_space<hbm>>
      tpu.wait_dma2 semaphore(%run_scoped3A : memref<!tpu.dma_semaphore, #tpu.memory_space<semaphore_mem>>) src(%dma_wait3A_21 : memref<632xf32, #tpu.memory_space<hbm>>) dst(%arg8 : memref<632xf32, #tpu.memory_space<vmem>>)
      tpu.yield
    }) : () -> ()
    %mul3A_1 = arith.constant 632 : i32
    %mul3A_2 = arith.muli %arg1, %mul3A_1 : i32
    "tpu.region"() ({
      %run_scoped3A = tpu.sem_alloc : memref<!tpu.dma_semaphore, #tpu.memory_space<semaphore_mem>>
      %dma_start3A = tpu.memref_slice %arg9[%mul3A_2] : memref<10112xf32, #tpu.memory_space<vmem_shared>> -> memref<632xf32, #tpu.memory_space<vmem_shared>>
      %dma_start3A_16 = tpu.memref_slice %arg9[%mul3A_2] : memref<10112xf32, #tpu.memory_space<vmem_shared>> -> memref<632xf32, #tpu.memory_space<vmem_shared>>
      tpu.enqueue_dma source(%arg8 : memref<632xf32, #tpu.memory_space<vmem>>) target(%dma_start3A_16 : memref<632xf32, #tpu.memory_space<vmem_shared>>) target_semaphore(%run_scoped3A : memref<!tpu.dma_semaphore, #tpu.memory_space<semaphore_mem>>)
      %dma_wait3A = tpu.memref_slice %arg9[%mul3A_2] : memref<10112xf32, #tpu.memory_space<vmem_shared>> -> memref<632xf32, #tpu.memory_space<vmem_shared>>
      %dma_wait3A_17 = tpu.memref_slice %arg9[%mul3A_2] : memref<10112xf32, #tpu.memory_space<vmem_shared>> -> memref<632xf32, #tpu.memory_space<vmem_shared>>
      tpu.wait_dma2 semaphore(%run_scoped3A : memref<!tpu.dma_semaphore, #tpu.memory_space<semaphore_mem>>) src(%arg8 : memref<632xf32, #tpu.memory_space<vmem>>) dst(%dma_wait3A_17 : memref<632xf32, #tpu.memory_space<vmem_shared>>)
      tpu.yield
    }) : () -> ()
    "tpu.region"() ({
      %run_scoped3A = tpu.sem_alloc : memref<!tpu.dma_semaphore, #tpu.memory_space<semaphore_mem>>
      tpu.enqueue_dma source(%arg3 : memref<128xf32, #tpu.memory_space<hbm>>) target(%arg7 : memref<128xf32, #tpu.memory_space<vmem>>) target_semaphore(%run_scoped3A : memref<!tpu.dma_semaphore, #tpu.memory_space<semaphore_mem>>)
      tpu.wait_dma2 semaphore(%run_scoped3A : memref<!tpu.dma_semaphore, #tpu.memory_space<semaphore_mem>>) src(%arg3 : memref<128xf32, #tpu.memory_space<hbm>>) dst(%arg7 : memref<128xf32, #tpu.memory_space<vmem>>)
      tpu.yield
    }) : () -> ()
    "tpu.region"() ({
      %run_scoped3A = tpu.sem_alloc : memref<!tpu.dma_semaphore, #tpu.memory_space<semaphore_mem>>
      %dma_start3A = arith.constant 0 : i32
      %dma_start3A_16 = arith.constant 0 : i32
      %dma_start3A_17 = tpu.memref_slice %arg2[%add3A, %dma_start3A, %dma_start3A_16] : memref<32x79x128xi32, #tpu.memory_space<hbm>> -> memref<1x79x128xi32, #tpu.memory_space<hbm>>
      %dma_start3A_18 = tpu.memref_squeeze %dma_start3A_17 : memref<1x79x128xi32, #tpu.memory_space<hbm>> -> memref<79x128xi32, #tpu.memory_space<hbm>>
      %dma_start3A_19 = arith.constant 0 : i32
      %dma_start3A_20 = arith.constant 0 : i32
      %dma_start3A_21 = tpu.memref_slice %arg2[%add3A, %dma_start3A_19, %dma_start3A_20] : memref<32x79x128xi32, #tpu.memory_space<hbm>> -> memref<1x79x128xi32, #tpu.memory_space<hbm>>
      %dma_start3A_22 = tpu.memref_squeeze %dma_start3A_21 : memref<1x79x128xi32, #tpu.memory_space<hbm>> -> memref<79x128xi32, #tpu.memory_space<hbm>>
      tpu.enqueue_dma source(%dma_start3A_22 : memref<79x128xi32, #tpu.memory_space<hbm>>) target(%arg6 : memref<79x128xi32, #tpu.memory_space<vmem>>) target_semaphore(%run_scoped3A : memref<!tpu.dma_semaphore, #tpu.memory_space<semaphore_mem>>)
      %dma_wait3A = arith.constant 0 : i32
      %dma_wait3A_23 = arith.constant 0 : i32
      %dma_wait3A_24 = tpu.memref_slice %arg2[%add3A, %dma_wait3A, %dma_wait3A_23] : memref<32x79x128xi32, #tpu.memory_space<hbm>> -> memref<1x79x128xi32, #tpu.memory_space<hbm>>
      %dma_wait3A_25 = tpu.memref_squeeze %dma_wait3A_24 : memref<1x79x128xi32, #tpu.memory_space<hbm>> -> memref<79x128xi32, #tpu.memory_space<hbm>>
      %dma_wait3A_26 = arith.constant 0 : i32
      %dma_wait3A_27 = arith.constant 0 : i32
      %dma_wait3A_28 = tpu.memref_slice %arg2[%add3A, %dma_wait3A_26, %dma_wait3A_27] : memref<32x79x128xi32, #tpu.memory_space<hbm>> -> memref<1x79x128xi32, #tpu.memory_space<hbm>>
      %dma_wait3A_29 = tpu.memref_squeeze %dma_wait3A_28 : memref<1x79x128xi32, #tpu.memory_space<hbm>> -> memref<79x128xi32, #tpu.memory_space<hbm>>
      tpu.wait_dma2 semaphore(%run_scoped3A : memref<!tpu.dma_semaphore, #tpu.memory_space<semaphore_mem>>) src(%dma_wait3A_29 : memref<79x128xi32, #tpu.memory_space<hbm>>) dst(%arg6 : memref<79x128xi32, #tpu.memory_space<vmem>>)
      tpu.yield
    }) : () -> ()
    %barrier3A = arith.constant 0 : index
    tpu.barrier barrier_id(%barrier3A)
    %scan3A = arith.constant 0 : i32
    %scan3A_3 = arith.constant 0 : i32
    %scan3A_4 = arith.constant 79 : i32
    %scan3A_5 = arith.addi %scan3A_3, %scan3A_4 : i32
    %scan3A_6 = arith.constant 1 : i32
    scf.for %scan3A_16 = %scan3A_3 to %scan3A_5 step %scan3A_6  : i32 {
      "tpu.region"() ({
        %run_scoped3A = tpu.sem_alloc : memref<!tpu.dma_semaphore, #tpu.memory_space<semaphore_mem>>
        %dma_start3A = arith.constant 0 : i32
        %dma_start3A_17 = tpu.memref_slice %arg6[%scan3A_16, %dma_start3A] : memref<79x128xi32, #tpu.memory_space<vmem>> -> memref<1x128xi32, #tpu.memory_space<vmem>>
        %dma_start3A_18 = tpu.memref_squeeze %dma_start3A_17 : memref<1x128xi32, #tpu.memory_space<vmem>> -> memref<128xi32, #tpu.memory_space<vmem>>
        %dma_start3A_19 = arith.constant 0 : i32
        %dma_start3A_20 = tpu.memref_slice %arg9[%dma_start3A_19] : memref<10112xf32, #tpu.memory_space<vmem_shared>> -> memref<10112xf32, #tpu.memory_space<vmem_shared>>
        tpu.enqueue_indirect_dma source(%arg7 : memref<128xf32, #tpu.memory_space<vmem>>) target(%dma_start3A_20 : memref<10112xf32, #tpu.memory_space<vmem_shared>>) offsets(%dma_start3A_18 : memref<128xi32, #tpu.memory_space<vmem>>) semaphore(%run_scoped3A : memref<!tpu.dma_semaphore, #tpu.memory_space<semaphore_mem>>) {add = true}
        %dma_wait3A = arith.constant 0 : i32
        %dma_wait3A_21 = tpu.memref_slice %arg6[%scan3A_16, %dma_wait3A] : memref<79x128xi32, #tpu.memory_space<vmem>> -> memref<1x128xi32, #tpu.memory_space<vmem>>
        %dma_wait3A_22 = tpu.memref_squeeze %dma_wait3A_21 : memref<1x128xi32, #tpu.memory_space<vmem>> -> memref<128xi32, #tpu.memory_space<vmem>>
        %dma_wait3A_23 = arith.constant 0 : i32
        %dma_wait3A_24 = tpu.memref_slice %arg9[%dma_wait3A_23] : memref<10112xf32, #tpu.memory_space<vmem_shared>> -> memref<10112xf32, #tpu.memory_space<vmem_shared>>
        tpu.wait_indirect_dma semaphore(%run_scoped3A : memref<!tpu.dma_semaphore, #tpu.memory_space<semaphore_mem>>) src(%arg7 : memref<128xf32, #tpu.memory_space<vmem>>) dst(%dma_wait3A_24 : memref<10112xf32, #tpu.memory_space<vmem_shared>>)
        tpu.yield
      }) : () -> ()
    }
    %scan3A_7 = arith.constant 79 : i32
    %barrier3A_8 = arith.constant 0 : index
    tpu.barrier barrier_id(%barrier3A_8)
    %mul3A_9 = arith.constant 632 : i32
    %mul3A_10 = arith.muli %arg1, %mul3A_9 : i32
    "tpu.region"() ({
      %run_scoped3A = tpu.sem_alloc : memref<!tpu.dma_semaphore, #tpu.memory_space<semaphore_mem>>
      %dma_start3A = tpu.memref_slice %arg9[%mul3A_10] : memref<10112xf32, #tpu.memory_space<vmem_shared>> -> memref<632xf32, #tpu.memory_space<vmem_shared>>
      %dma_start3A_16 = tpu.memref_slice %arg9[%mul3A_10] : memref<10112xf32, #tpu.memory_space<vmem_shared>> -> memref<632xf32, #tpu.memory_space<vmem_shared>>
      tpu.enqueue_dma source(%dma_start3A_16 : memref<632xf32, #tpu.memory_space<vmem_shared>>) target(%arg8 : memref<632xf32, #tpu.memory_space<vmem>>) target_semaphore(%run_scoped3A : memref<!tpu.dma_semaphore, #tpu.memory_space<semaphore_mem>>)
      %dma_wait3A = tpu.memref_slice %arg9[%mul3A_10] : memref<10112xf32, #tpu.memory_space<vmem_shared>> -> memref<632xf32, #tpu.memory_space<vmem_shared>>
      %dma_wait3A_17 = tpu.memref_slice %arg9[%mul3A_10] : memref<10112xf32, #tpu.memory_space<vmem_shared>> -> memref<632xf32, #tpu.memory_space<vmem_shared>>
      tpu.wait_dma2 semaphore(%run_scoped3A : memref<!tpu.dma_semaphore, #tpu.memory_space<semaphore_mem>>) src(%dma_wait3A_17 : memref<632xf32, #tpu.memory_space<vmem_shared>>) dst(%arg8 : memref<632xf32, #tpu.memory_space<vmem>>)
      tpu.yield
    }) : () -> ()
    %mul3A_11 = arith.constant 10112 : i32
    %mul3A_12 = arith.muli %arg0, %mul3A_11 : i32
    %mul3A_13 = arith.constant 632 : i32
    %mul3A_14 = arith.muli %arg1, %mul3A_13 : i32
    %add3A_15 = arith.addi %mul3A_12, %mul3A_14 : i32
    "tpu.region"() ({
      %run_scoped3A = tpu.sem_alloc : memref<!tpu.dma_semaphore, #tpu.memory_space<semaphore_mem>>
      %dma_start3A = tpu.memref_slice %arg5[%add3A_15] : memref<20224xf32, #tpu.memory_space<hbm>> -> memref<632xf32, #tpu.memory_space<hbm>>
      %dma_start3A_16 = tpu.memref_slice %arg5[%add3A_15] : memref<20224xf32, #tpu.memory_space<hbm>> -> memref<632xf32, #tpu.memory_space<hbm>>
      tpu.enqueue_dma source(%arg8 : memref<632xf32, #tpu.memory_space<vmem>>) target(%dma_start3A_16 : memref<632xf32, #tpu.memory_space<hbm>>) target_semaphore(%run_scoped3A : memref<!tpu.dma_semaphore, #tpu.memory_space<semaphore_mem>>)
      %dma_wait3A = tpu.memref_slice %arg5[%add3A_15] : memref<20224xf32, #tpu.memory_space<hbm>> -> memref<632xf32, #tpu.memory_space<hbm>>
      %dma_wait3A_17 = tpu.memref_slice %arg5[%add3A_15] : memref<20224xf32, #tpu.memory_space<hbm>> -> memref<632xf32, #tpu.memory_space<hbm>>
      tpu.wait_dma2 semaphore(%run_scoped3A : memref<!tpu.dma_semaphore, #tpu.memory_space<semaphore_mem>>) src(%arg8 : memref<632xf32, #tpu.memory_space<vmem>>) dst(%dma_wait3A_17 : memref<632xf32, #tpu.memory_space<hbm>>)
      tpu.yield
    }) : () -> ()
    return
  }
}

#map = affine_map<(d0, d1) -> (0, 0)>
#map1 = affine_map<(d0, d1) -> (0, 0, 0, 0)>
#map2 = affine_map<(d0, d1) -> (0, 0, 0)>
module attributes {stable_mosaic.version = 14 : i64} {
  func.func @_agg_kernel(%arg0: i32, %arg1: i32, %arg2: memref<20000x64xf32, #tpu.memory_space<hbm>>, %arg3: memref<2x16x159x128xi32, #tpu.memory_space<hbm>>, %arg4: memref<16x159x128xi32, #tpu.memory_space<hbm>>, %arg5: memref<128x64xf32, #tpu.memory_space<hbm>>, %arg6: memref<2x10112x64xf32, #tpu.memory_space<hbm>>, %arg7: memref<159x128xi32, #tpu.memory_space<vmem>>, %arg8: memref<159x128xi32, #tpu.memory_space<vmem>>, %arg9: memref<128x64xf32, #tpu.memory_space<vmem>>, %arg10: memref<128x64xf32, #tpu.memory_space<vmem>>, %arg11: memref<!tpu.dma_semaphore, #tpu.memory_space<semaphore_mem>>, %arg12: memref<10112x64xf32, #tpu.memory_space<vmem_shared>>) attributes {dimension_semantics = [#tpu.dimension_semantics<core_parallel>, #tpu.dimension_semantics<subcore_parallel>], iteration_bounds = array<i64: 2, 16>, scalar_prefetch = 0 : i64, scratch_operands = 6 : i64, tpu.core_type = #tpu.core_type<sc_vector_subcore>, window_params = [{transform_indices = #map}, {transform_indices = #map1}, {transform_indices = #map2}, {transform_indices = #map}, {transform_indices = #map2}]} {
    "tpu.region"() ({
      %run_scoped3A_76 = tpu.sem_alloc : memref<!tpu.dma_semaphore, #tpu.memory_space<semaphore_mem>>
      tpu.enqueue_dma source(%arg5 : memref<128x64xf32, #tpu.memory_space<hbm>>) target(%arg9 : memref<128x64xf32, #tpu.memory_space<vmem>>) target_semaphore(%run_scoped3A_76 : memref<!tpu.dma_semaphore, #tpu.memory_space<semaphore_mem>>)
      tpu.wait_dma2 semaphore(%run_scoped3A_76 : memref<!tpu.dma_semaphore, #tpu.memory_space<semaphore_mem>>) src(%arg5 : memref<128x64xf32, #tpu.memory_space<hbm>>) dst(%arg9 : memref<128x64xf32, #tpu.memory_space<vmem>>)
      tpu.yield
    }) : () -> ()
    %mul3A = arith.constant 632 : i32
    %mul3A_0 = arith.muli %arg1, %mul3A : i32
    %add3A = arith.constant 0 : i32
    %add3A_1 = arith.addi %mul3A_0, %add3A : i32
    "tpu.region"() ({
      %run_scoped3A_76 = tpu.sem_alloc : memref<!tpu.dma_semaphore, #tpu.memory_space<semaphore_mem>>
      %dma_start3A_77 = arith.constant 0 : i32
      %dma_start3A_78 = arith.constant 0 : i32
      %dma_start3A_79 = tpu.memref_slice %arg9[%dma_start3A_77, %dma_start3A_78] : memref<128x64xf32, #tpu.memory_space<vmem>> -> memref<128x64xf32, #tpu.memory_space<vmem>>
      %dma_start3A_80 = arith.constant 0 : i32
      %dma_start3A_81 = tpu.memref_slice %arg12[%add3A_1, %dma_start3A_80] : memref<10112x64xf32, #tpu.memory_space<vmem_shared>> -> memref<128x64xf32, #tpu.memory_space<vmem_shared>>
      %dma_start3A_82 = arith.constant 0 : i32
      %dma_start3A_83 = tpu.memref_slice %arg12[%add3A_1, %dma_start3A_82] : memref<10112x64xf32, #tpu.memory_space<vmem_shared>> -> memref<128x64xf32, #tpu.memory_space<vmem_shared>>
      %dma_start3A_84 = arith.constant 0 : i32
      %dma_start3A_85 = arith.constant 0 : i32
      %dma_start3A_86 = tpu.memref_slice %arg9[%dma_start3A_84, %dma_start3A_85] : memref<128x64xf32, #tpu.memory_space<vmem>> -> memref<128x64xf32, #tpu.memory_space<vmem>>
      tpu.enqueue_dma source(%dma_start3A_86 : memref<128x64xf32, #tpu.memory_space<vmem>>) target(%dma_start3A_83 : memref<128x64xf32, #tpu.memory_space<vmem_shared>>) target_semaphore(%run_scoped3A_76 : memref<!tpu.dma_semaphore, #tpu.memory_space<semaphore_mem>>)
      %dma_wait3A_87 = arith.constant 0 : i32
      %dma_wait3A_88 = arith.constant 0 : i32
      %dma_wait3A_89 = tpu.memref_slice %arg9[%dma_wait3A_87, %dma_wait3A_88] : memref<128x64xf32, #tpu.memory_space<vmem>> -> memref<128x64xf32, #tpu.memory_space<vmem>>
      %dma_wait3A_90 = arith.constant 0 : i32
      %dma_wait3A_91 = tpu.memref_slice %arg12[%add3A_1, %dma_wait3A_90] : memref<10112x64xf32, #tpu.memory_space<vmem_shared>> -> memref<128x64xf32, #tpu.memory_space<vmem_shared>>
      %dma_wait3A_92 = arith.constant 0 : i32
      %dma_wait3A_93 = tpu.memref_slice %arg12[%add3A_1, %dma_wait3A_92] : memref<10112x64xf32, #tpu.memory_space<vmem_shared>> -> memref<128x64xf32, #tpu.memory_space<vmem_shared>>
      %dma_wait3A_94 = arith.constant 0 : i32
      %dma_wait3A_95 = arith.constant 0 : i32
      %dma_wait3A_96 = tpu.memref_slice %arg9[%dma_wait3A_94, %dma_wait3A_95] : memref<128x64xf32, #tpu.memory_space<vmem>> -> memref<128x64xf32, #tpu.memory_space<vmem>>
      tpu.wait_dma2 semaphore(%run_scoped3A_76 : memref<!tpu.dma_semaphore, #tpu.memory_space<semaphore_mem>>) src(%dma_wait3A_96 : memref<128x64xf32, #tpu.memory_space<vmem>>) dst(%dma_wait3A_93 : memref<128x64xf32, #tpu.memory_space<vmem_shared>>)
      tpu.yield
    }) : () -> ()
    %mul3A_2 = arith.constant 632 : i32
    %mul3A_3 = arith.muli %arg1, %mul3A_2 : i32
    %add3A_4 = arith.constant 128 : i32
    %add3A_5 = arith.addi %mul3A_3, %add3A_4 : i32
    "tpu.region"() ({
      %run_scoped3A_76 = tpu.sem_alloc : memref<!tpu.dma_semaphore, #tpu.memory_space<semaphore_mem>>
      %dma_start3A_77 = arith.constant 0 : i32
      %dma_start3A_78 = arith.constant 0 : i32
      %dma_start3A_79 = tpu.memref_slice %arg9[%dma_start3A_77, %dma_start3A_78] : memref<128x64xf32, #tpu.memory_space<vmem>> -> memref<128x64xf32, #tpu.memory_space<vmem>>
      %dma_start3A_80 = arith.constant 0 : i32
      %dma_start3A_81 = tpu.memref_slice %arg12[%add3A_5, %dma_start3A_80] : memref<10112x64xf32, #tpu.memory_space<vmem_shared>> -> memref<128x64xf32, #tpu.memory_space<vmem_shared>>
      %dma_start3A_82 = arith.constant 0 : i32
      %dma_start3A_83 = tpu.memref_slice %arg12[%add3A_5, %dma_start3A_82] : memref<10112x64xf32, #tpu.memory_space<vmem_shared>> -> memref<128x64xf32, #tpu.memory_space<vmem_shared>>
      %dma_start3A_84 = arith.constant 0 : i32
      %dma_start3A_85 = arith.constant 0 : i32
      %dma_start3A_86 = tpu.memref_slice %arg9[%dma_start3A_84, %dma_start3A_85] : memref<128x64xf32, #tpu.memory_space<vmem>> -> memref<128x64xf32, #tpu.memory_space<vmem>>
      tpu.enqueue_dma source(%dma_start3A_86 : memref<128x64xf32, #tpu.memory_space<vmem>>) target(%dma_start3A_83 : memref<128x64xf32, #tpu.memory_space<vmem_shared>>) target_semaphore(%run_scoped3A_76 : memref<!tpu.dma_semaphore, #tpu.memory_space<semaphore_mem>>)
      %dma_wait3A_87 = arith.constant 0 : i32
      %dma_wait3A_88 = arith.constant 0 : i32
      %dma_wait3A_89 = tpu.memref_slice %arg9[%dma_wait3A_87, %dma_wait3A_88] : memref<128x64xf32, #tpu.memory_space<vmem>> -> memref<128x64xf32, #tpu.memory_space<vmem>>
      %dma_wait3A_90 = arith.constant 0 : i32
      %dma_wait3A_91 = tpu.memref_slice %arg12[%add3A_5, %dma_wait3A_90] : memref<10112x64xf32, #tpu.memory_space<vmem_shared>> -> memref<128x64xf32, #tpu.memory_space<vmem_shared>>
      %dma_wait3A_92 = arith.constant 0 : i32
      %dma_wait3A_93 = tpu.memref_slice %arg12[%add3A_5, %dma_wait3A_92] : memref<10112x64xf32, #tpu.memory_space<vmem_shared>> -> memref<128x64xf32, #tpu.memory_space<vmem_shared>>
      %dma_wait3A_94 = arith.constant 0 : i32
      %dma_wait3A_95 = arith.constant 0 : i32
      %dma_wait3A_96 = tpu.memref_slice %arg9[%dma_wait3A_94, %dma_wait3A_95] : memref<128x64xf32, #tpu.memory_space<vmem>> -> memref<128x64xf32, #tpu.memory_space<vmem>>
      tpu.wait_dma2 semaphore(%run_scoped3A_76 : memref<!tpu.dma_semaphore, #tpu.memory_space<semaphore_mem>>) src(%dma_wait3A_96 : memref<128x64xf32, #tpu.memory_space<vmem>>) dst(%dma_wait3A_93 : memref<128x64xf32, #tpu.memory_space<vmem_shared>>)
      tpu.yield
    }) : () -> ()
    %mul3A_6 = arith.constant 632 : i32
    %mul3A_7 = arith.muli %arg1, %mul3A_6 : i32
    %add3A_8 = arith.constant 256 : i32
    %add3A_9 = arith.addi %mul3A_7, %add3A_8 : i32
    "tpu.region"() ({
      %run_scoped3A_76 = tpu.sem_alloc : memref<!tpu.dma_semaphore, #tpu.memory_space<semaphore_mem>>
      %dma_start3A_77 = arith.constant 0 : i32
      %dma_start3A_78 = arith.constant 0 : i32
      %dma_start3A_79 = tpu.memref_slice %arg9[%dma_start3A_77, %dma_start3A_78] : memref<128x64xf32, #tpu.memory_space<vmem>> -> memref<128x64xf32, #tpu.memory_space<vmem>>
      %dma_start3A_80 = arith.constant 0 : i32
      %dma_start3A_81 = tpu.memref_slice %arg12[%add3A_9, %dma_start3A_80] : memref<10112x64xf32, #tpu.memory_space<vmem_shared>> -> memref<128x64xf32, #tpu.memory_space<vmem_shared>>
      %dma_start3A_82 = arith.constant 0 : i32
      %dma_start3A_83 = tpu.memref_slice %arg12[%add3A_9, %dma_start3A_82] : memref<10112x64xf32, #tpu.memory_space<vmem_shared>> -> memref<128x64xf32, #tpu.memory_space<vmem_shared>>
      %dma_start3A_84 = arith.constant 0 : i32
      %dma_start3A_85 = arith.constant 0 : i32
      %dma_start3A_86 = tpu.memref_slice %arg9[%dma_start3A_84, %dma_start3A_85] : memref<128x64xf32, #tpu.memory_space<vmem>> -> memref<128x64xf32, #tpu.memory_space<vmem>>
      tpu.enqueue_dma source(%dma_start3A_86 : memref<128x64xf32, #tpu.memory_space<vmem>>) target(%dma_start3A_83 : memref<128x64xf32, #tpu.memory_space<vmem_shared>>) target_semaphore(%run_scoped3A_76 : memref<!tpu.dma_semaphore, #tpu.memory_space<semaphore_mem>>)
      %dma_wait3A_87 = arith.constant 0 : i32
      %dma_wait3A_88 = arith.constant 0 : i32
      %dma_wait3A_89 = tpu.memref_slice %arg9[%dma_wait3A_87, %dma_wait3A_88] : memref<128x64xf32, #tpu.memory_space<vmem>> -> memref<128x64xf32, #tpu.memory_space<vmem>>
      %dma_wait3A_90 = arith.constant 0 : i32
      %dma_wait3A_91 = tpu.memref_slice %arg12[%add3A_9, %dma_wait3A_90] : memref<10112x64xf32, #tpu.memory_space<vmem_shared>> -> memref<128x64xf32, #tpu.memory_space<vmem_shared>>
      %dma_wait3A_92 = arith.constant 0 : i32
      %dma_wait3A_93 = tpu.memref_slice %arg12[%add3A_9, %dma_wait3A_92] : memref<10112x64xf32, #tpu.memory_space<vmem_shared>> -> memref<128x64xf32, #tpu.memory_space<vmem_shared>>
      %dma_wait3A_94 = arith.constant 0 : i32
      %dma_wait3A_95 = arith.constant 0 : i32
      %dma_wait3A_96 = tpu.memref_slice %arg9[%dma_wait3A_94, %dma_wait3A_95] : memref<128x64xf32, #tpu.memory_space<vmem>> -> memref<128x64xf32, #tpu.memory_space<vmem>>
      tpu.wait_dma2 semaphore(%run_scoped3A_76 : memref<!tpu.dma_semaphore, #tpu.memory_space<semaphore_mem>>) src(%dma_wait3A_96 : memref<128x64xf32, #tpu.memory_space<vmem>>) dst(%dma_wait3A_93 : memref<128x64xf32, #tpu.memory_space<vmem_shared>>)
      tpu.yield
    }) : () -> ()
    %mul3A_10 = arith.constant 632 : i32
    %mul3A_11 = arith.muli %arg1, %mul3A_10 : i32
    %add3A_12 = arith.constant 384 : i32
    %add3A_13 = arith.addi %mul3A_11, %add3A_12 : i32
    "tpu.region"() ({
      %run_scoped3A_76 = tpu.sem_alloc : memref<!tpu.dma_semaphore, #tpu.memory_space<semaphore_mem>>
      %dma_start3A_77 = arith.constant 0 : i32
      %dma_start3A_78 = arith.constant 0 : i32
      %dma_start3A_79 = tpu.memref_slice %arg9[%dma_start3A_77, %dma_start3A_78] : memref<128x64xf32, #tpu.memory_space<vmem>> -> memref<128x64xf32, #tpu.memory_space<vmem>>
      %dma_start3A_80 = arith.constant 0 : i32
      %dma_start3A_81 = tpu.memref_slice %arg12[%add3A_13, %dma_start3A_80] : memref<10112x64xf32, #tpu.memory_space<vmem_shared>> -> memref<128x64xf32, #tpu.memory_space<vmem_shared>>
      %dma_start3A_82 = arith.constant 0 : i32
      %dma_start3A_83 = tpu.memref_slice %arg12[%add3A_13, %dma_start3A_82] : memref<10112x64xf32, #tpu.memory_space<vmem_shared>> -> memref<128x64xf32, #tpu.memory_space<vmem_shared>>
      %dma_start3A_84 = arith.constant 0 : i32
      %dma_start3A_85 = arith.constant 0 : i32
      %dma_start3A_86 = tpu.memref_slice %arg9[%dma_start3A_84, %dma_start3A_85] : memref<128x64xf32, #tpu.memory_space<vmem>> -> memref<128x64xf32, #tpu.memory_space<vmem>>
      tpu.enqueue_dma source(%dma_start3A_86 : memref<128x64xf32, #tpu.memory_space<vmem>>) target(%dma_start3A_83 : memref<128x64xf32, #tpu.memory_space<vmem_shared>>) target_semaphore(%run_scoped3A_76 : memref<!tpu.dma_semaphore, #tpu.memory_space<semaphore_mem>>)
      %dma_wait3A_87 = arith.constant 0 : i32
      %dma_wait3A_88 = arith.constant 0 : i32
      %dma_wait3A_89 = tpu.memref_slice %arg9[%dma_wait3A_87, %dma_wait3A_88] : memref<128x64xf32, #tpu.memory_space<vmem>> -> memref<128x64xf32, #tpu.memory_space<vmem>>
      %dma_wait3A_90 = arith.constant 0 : i32
      %dma_wait3A_91 = tpu.memref_slice %arg12[%add3A_13, %dma_wait3A_90] : memref<10112x64xf32, #tpu.memory_space<vmem_shared>> -> memref<128x64xf32, #tpu.memory_space<vmem_shared>>
      %dma_wait3A_92 = arith.constant 0 : i32
      %dma_wait3A_93 = tpu.memref_slice %arg12[%add3A_13, %dma_wait3A_92] : memref<10112x64xf32, #tpu.memory_space<vmem_shared>> -> memref<128x64xf32, #tpu.memory_space<vmem_shared>>
      %dma_wait3A_94 = arith.constant 0 : i32
      %dma_wait3A_95 = arith.constant 0 : i32
      %dma_wait3A_96 = tpu.memref_slice %arg9[%dma_wait3A_94, %dma_wait3A_95] : memref<128x64xf32, #tpu.memory_space<vmem>> -> memref<128x64xf32, #tpu.memory_space<vmem>>
      tpu.wait_dma2 semaphore(%run_scoped3A_76 : memref<!tpu.dma_semaphore, #tpu.memory_space<semaphore_mem>>) src(%dma_wait3A_96 : memref<128x64xf32, #tpu.memory_space<vmem>>) dst(%dma_wait3A_93 : memref<128x64xf32, #tpu.memory_space<vmem_shared>>)
      tpu.yield
    }) : () -> ()
    %mul3A_14 = arith.constant 632 : i32
    %mul3A_15 = arith.muli %arg1, %mul3A_14 : i32
    %add3A_16 = arith.constant 512 : i32
    %add3A_17 = arith.addi %mul3A_15, %add3A_16 : i32
    "tpu.region"() ({
      %run_scoped3A_76 = tpu.sem_alloc : memref<!tpu.dma_semaphore, #tpu.memory_space<semaphore_mem>>
      %dma_start3A_77 = arith.constant 0 : i32
      %dma_start3A_78 = arith.constant 0 : i32
      %dma_start3A_79 = tpu.memref_slice %arg9[%dma_start3A_77, %dma_start3A_78] : memref<128x64xf32, #tpu.memory_space<vmem>> -> memref<120x64xf32, #tpu.memory_space<vmem>>
      %dma_start3A_80 = arith.constant 0 : i32
      %dma_start3A_81 = tpu.memref_slice %arg12[%add3A_17, %dma_start3A_80] : memref<10112x64xf32, #tpu.memory_space<vmem_shared>> -> memref<120x64xf32, #tpu.memory_space<vmem_shared>>
      %dma_start3A_82 = arith.constant 0 : i32
      %dma_start3A_83 = tpu.memref_slice %arg12[%add3A_17, %dma_start3A_82] : memref<10112x64xf32, #tpu.memory_space<vmem_shared>> -> memref<120x64xf32, #tpu.memory_space<vmem_shared>>
      %dma_start3A_84 = arith.constant 0 : i32
      %dma_start3A_85 = arith.constant 0 : i32
      %dma_start3A_86 = tpu.memref_slice %arg9[%dma_start3A_84, %dma_start3A_85] : memref<128x64xf32, #tpu.memory_space<vmem>> -> memref<120x64xf32, #tpu.memory_space<vmem>>
      tpu.enqueue_dma source(%dma_start3A_86 : memref<120x64xf32, #tpu.memory_space<vmem>>) target(%dma_start3A_83 : memref<120x64xf32, #tpu.memory_space<vmem_shared>>) target_semaphore(%run_scoped3A_76 : memref<!tpu.dma_semaphore, #tpu.memory_space<semaphore_mem>>)
      %dma_wait3A_87 = arith.constant 0 : i32
      %dma_wait3A_88 = arith.constant 0 : i32
      %dma_wait3A_89 = tpu.memref_slice %arg9[%dma_wait3A_87, %dma_wait3A_88] : memref<128x64xf32, #tpu.memory_space<vmem>> -> memref<120x64xf32, #tpu.memory_space<vmem>>
      %dma_wait3A_90 = arith.constant 0 : i32
      %dma_wait3A_91 = tpu.memref_slice %arg12[%add3A_17, %dma_wait3A_90] : memref<10112x64xf32, #tpu.memory_space<vmem_shared>> -> memref<120x64xf32, #tpu.memory_space<vmem_shared>>
      %dma_wait3A_92 = arith.constant 0 : i32
      %dma_wait3A_93 = tpu.memref_slice %arg12[%add3A_17, %dma_wait3A_92] : memref<10112x64xf32, #tpu.memory_space<vmem_shared>> -> memref<120x64xf32, #tpu.memory_space<vmem_shared>>
      %dma_wait3A_94 = arith.constant 0 : i32
      %dma_wait3A_95 = arith.constant 0 : i32
      %dma_wait3A_96 = tpu.memref_slice %arg9[%dma_wait3A_94, %dma_wait3A_95] : memref<128x64xf32, #tpu.memory_space<vmem>> -> memref<120x64xf32, #tpu.memory_space<vmem>>
      tpu.wait_dma2 semaphore(%run_scoped3A_76 : memref<!tpu.dma_semaphore, #tpu.memory_space<semaphore_mem>>) src(%dma_wait3A_96 : memref<120x64xf32, #tpu.memory_space<vmem>>) dst(%dma_wait3A_93 : memref<120x64xf32, #tpu.memory_space<vmem_shared>>)
      tpu.yield
    }) : () -> ()
    "tpu.region"() ({
      %run_scoped3A_76 = tpu.sem_alloc : memref<!tpu.dma_semaphore, #tpu.memory_space<semaphore_mem>>
      %dma_start3A_77 = arith.constant 0 : i32
      %dma_start3A_78 = arith.constant 0 : i32
      %dma_start3A_79 = tpu.memref_slice %arg3[%arg0, %arg1, %dma_start3A_77, %dma_start3A_78] : memref<2x16x159x128xi32, #tpu.memory_space<hbm>> -> memref<1x1x159x128xi32, #tpu.memory_space<hbm>>
      %dma_start3A_80 = tpu.memref_squeeze %dma_start3A_79 : memref<1x1x159x128xi32, #tpu.memory_space<hbm>> -> memref<159x128xi32, #tpu.memory_space<hbm>>
      %dma_start3A_81 = arith.constant 0 : i32
      %dma_start3A_82 = arith.constant 0 : i32
      %dma_start3A_83 = tpu.memref_slice %arg3[%arg0, %arg1, %dma_start3A_81, %dma_start3A_82] : memref<2x16x159x128xi32, #tpu.memory_space<hbm>> -> memref<1x1x159x128xi32, #tpu.memory_space<hbm>>
      %dma_start3A_84 = tpu.memref_squeeze %dma_start3A_83 : memref<1x1x159x128xi32, #tpu.memory_space<hbm>> -> memref<159x128xi32, #tpu.memory_space<hbm>>
      tpu.enqueue_dma source(%dma_start3A_84 : memref<159x128xi32, #tpu.memory_space<hbm>>) target(%arg7 : memref<159x128xi32, #tpu.memory_space<vmem>>) target_semaphore(%run_scoped3A_76 : memref<!tpu.dma_semaphore, #tpu.memory_space<semaphore_mem>>)
      %dma_wait3A_85 = arith.constant 0 : i32
      %dma_wait3A_86 = arith.constant 0 : i32
      %dma_wait3A_87 = tpu.memref_slice %arg3[%arg0, %arg1, %dma_wait3A_85, %dma_wait3A_86] : memref<2x16x159x128xi32, #tpu.memory_space<hbm>> -> memref<1x1x159x128xi32, #tpu.memory_space<hbm>>
      %dma_wait3A_88 = tpu.memref_squeeze %dma_wait3A_87 : memref<1x1x159x128xi32, #tpu.memory_space<hbm>> -> memref<159x128xi32, #tpu.memory_space<hbm>>
      %dma_wait3A_89 = arith.constant 0 : i32
      %dma_wait3A_90 = arith.constant 0 : i32
      %dma_wait3A_91 = tpu.memref_slice %arg3[%arg0, %arg1, %dma_wait3A_89, %dma_wait3A_90] : memref<2x16x159x128xi32, #tpu.memory_space<hbm>> -> memref<1x1x159x128xi32, #tpu.memory_space<hbm>>
      %dma_wait3A_92 = tpu.memref_squeeze %dma_wait3A_91 : memref<1x1x159x128xi32, #tpu.memory_space<hbm>> -> memref<159x128xi32, #tpu.memory_space<hbm>>
      tpu.wait_dma2 semaphore(%run_scoped3A_76 : memref<!tpu.dma_semaphore, #tpu.memory_space<semaphore_mem>>) src(%dma_wait3A_92 : memref<159x128xi32, #tpu.memory_space<hbm>>) dst(%arg7 : memref<159x128xi32, #tpu.memory_space<vmem>>)
      tpu.yield
    }) : () -> ()
    "tpu.region"() ({
      %run_scoped3A_76 = tpu.sem_alloc : memref<!tpu.dma_semaphore, #tpu.memory_space<semaphore_mem>>
      %dma_start3A_77 = arith.constant 0 : i32
      %dma_start3A_78 = arith.constant 0 : i32
      %dma_start3A_79 = tpu.memref_slice %arg4[%arg1, %dma_start3A_77, %dma_start3A_78] : memref<16x159x128xi32, #tpu.memory_space<hbm>> -> memref<1x159x128xi32, #tpu.memory_space<hbm>>
      %dma_start3A_80 = tpu.memref_squeeze %dma_start3A_79 : memref<1x159x128xi32, #tpu.memory_space<hbm>> -> memref<159x128xi32, #tpu.memory_space<hbm>>
      %dma_start3A_81 = arith.constant 0 : i32
      %dma_start3A_82 = arith.constant 0 : i32
      %dma_start3A_83 = tpu.memref_slice %arg4[%arg1, %dma_start3A_81, %dma_start3A_82] : memref<16x159x128xi32, #tpu.memory_space<hbm>> -> memref<1x159x128xi32, #tpu.memory_space<hbm>>
      %dma_start3A_84 = tpu.memref_squeeze %dma_start3A_83 : memref<1x159x128xi32, #tpu.memory_space<hbm>> -> memref<159x128xi32, #tpu.memory_space<hbm>>
      tpu.enqueue_dma source(%dma_start3A_84 : memref<159x128xi32, #tpu.memory_space<hbm>>) target(%arg8 : memref<159x128xi32, #tpu.memory_space<vmem>>) target_semaphore(%run_scoped3A_76 : memref<!tpu.dma_semaphore, #tpu.memory_space<semaphore_mem>>)
      %dma_wait3A_85 = arith.constant 0 : i32
      %dma_wait3A_86 = arith.constant 0 : i32
      %dma_wait3A_87 = tpu.memref_slice %arg4[%arg1, %dma_wait3A_85, %dma_wait3A_86] : memref<16x159x128xi32, #tpu.memory_space<hbm>> -> memref<1x159x128xi32, #tpu.memory_space<hbm>>
      %dma_wait3A_88 = tpu.memref_squeeze %dma_wait3A_87 : memref<1x159x128xi32, #tpu.memory_space<hbm>> -> memref<159x128xi32, #tpu.memory_space<hbm>>
      %dma_wait3A_89 = arith.constant 0 : i32
      %dma_wait3A_90 = arith.constant 0 : i32
      %dma_wait3A_91 = tpu.memref_slice %arg4[%arg1, %dma_wait3A_89, %dma_wait3A_90] : memref<16x159x128xi32, #tpu.memory_space<hbm>> -> memref<1x159x128xi32, #tpu.memory_space<hbm>>
      %dma_wait3A_92 = tpu.memref_squeeze %dma_wait3A_91 : memref<1x159x128xi32, #tpu.memory_space<hbm>> -> memref<159x128xi32, #tpu.memory_space<hbm>>
      tpu.wait_dma2 semaphore(%run_scoped3A_76 : memref<!tpu.dma_semaphore, #tpu.memory_space<semaphore_mem>>) src(%dma_wait3A_92 : memref<159x128xi32, #tpu.memory_space<hbm>>) dst(%arg8 : memref<159x128xi32, #tpu.memory_space<vmem>>)
      tpu.yield
    }) : () -> ()
    %barrier3A = arith.constant 0 : index
    tpu.barrier barrier_id(%barrier3A)
    %dma_start3A = arith.constant 0 : i32
    %dma_start3A_18 = arith.constant 0 : i32
    %dma_start3A_19 = tpu.memref_slice %arg7[%dma_start3A, %dma_start3A_18] : memref<159x128xi32, #tpu.memory_space<vmem>> -> memref<1x128xi32, #tpu.memory_space<vmem>>
    %dma_start3A_20 = tpu.memref_squeeze %dma_start3A_19 : memref<1x128xi32, #tpu.memory_space<vmem>> -> memref<128xi32, #tpu.memory_space<vmem>>
    %dma_start3A_21 = arith.constant 0 : i32
    %dma_start3A_22 = arith.constant 0 : i32
    %dma_start3A_23 = tpu.memref_slice %arg2[%dma_start3A_21, %dma_start3A_22] : memref<20000x64xf32, #tpu.memory_space<hbm>> -> memref<20000x64xf32, #tpu.memory_space<hbm>>
    tpu.enqueue_indirect_dma source(%dma_start3A_23 : memref<20000x64xf32, #tpu.memory_space<hbm>>) target(%arg9 : memref<128x64xf32, #tpu.memory_space<vmem>>) offsets(%dma_start3A_20 : memref<128xi32, #tpu.memory_space<vmem>>) semaphore(%arg11 : memref<!tpu.dma_semaphore, #tpu.memory_space<semaphore_mem>>)
    %scan3A = arith.constant 0 : i32
    %scan3A_24 = arith.constant 0 : i32
    %scan3A_25 = arith.constant 79 : i32
    %scan3A_26 = arith.addi %scan3A_24, %scan3A_25 : i32
    %scan3A_27 = arith.constant 1 : i32
    scf.for %scan3A_76 = %scan3A_24 to %scan3A_26 step %scan3A_27  : i32 {
      %mul3A_77 = arith.constant 2 : i32
      %mul3A_78 = arith.muli %mul3A_77, %scan3A_76 : i32
      %dma_wait3A_79 = arith.constant 0 : i32
      %dma_wait3A_80 = tpu.memref_slice %arg7[%mul3A_78, %dma_wait3A_79] : memref<159x128xi32, #tpu.memory_space<vmem>> -> memref<1x128xi32, #tpu.memory_space<vmem>>
      %dma_wait3A_81 = tpu.memref_squeeze %dma_wait3A_80 : memref<1x128xi32, #tpu.memory_space<vmem>> -> memref<128xi32, #tpu.memory_space<vmem>>
      %dma_wait3A_82 = arith.constant 0 : i32
      %dma_wait3A_83 = arith.constant 0 : i32
      %dma_wait3A_84 = tpu.memref_slice %arg2[%dma_wait3A_82, %dma_wait3A_83] : memref<20000x64xf32, #tpu.memory_space<hbm>> -> memref<20000x64xf32, #tpu.memory_space<hbm>>
      tpu.wait_indirect_dma semaphore(%arg11 : memref<!tpu.dma_semaphore, #tpu.memory_space<semaphore_mem>>) src(%dma_wait3A_84 : memref<20000x64xf32, #tpu.memory_space<hbm>>) dst(%arg9 : memref<128x64xf32, #tpu.memory_space<vmem>>)
      %add3A_85 = arith.constant 1 : i32
      %add3A_86 = arith.addi %mul3A_78, %add3A_85 : i32
      %dma_start3A_87 = arith.constant 0 : i32
      %dma_start3A_88 = tpu.memref_slice %arg7[%add3A_86, %dma_start3A_87] : memref<159x128xi32, #tpu.memory_space<vmem>> -> memref<1x128xi32, #tpu.memory_space<vmem>>
      %dma_start3A_89 = tpu.memref_squeeze %dma_start3A_88 : memref<1x128xi32, #tpu.memory_space<vmem>> -> memref<128xi32, #tpu.memory_space<vmem>>
      %dma_start3A_90 = arith.constant 0 : i32
      %dma_start3A_91 = arith.constant 0 : i32
      %dma_start3A_92 = tpu.memref_slice %arg2[%dma_start3A_90, %dma_start3A_91] : memref<20000x64xf32, #tpu.memory_space<hbm>> -> memref<20000x64xf32, #tpu.memory_space<hbm>>
      tpu.enqueue_indirect_dma source(%dma_start3A_92 : memref<20000x64xf32, #tpu.memory_space<hbm>>) target(%arg10 : memref<128x64xf32, #tpu.memory_space<vmem>>) offsets(%dma_start3A_89 : memref<128xi32, #tpu.memory_space<vmem>>) semaphore(%arg11 : memref<!tpu.dma_semaphore, #tpu.memory_space<semaphore_mem>>)
      %add3A_93 = arith.constant 1 : i32
      %add3A_94 = arith.addi %mul3A_78, %add3A_93 : i32
      %dma_wait3A_95 = arith.constant 0 : i32
      %dma_wait3A_96 = tpu.memref_slice %arg7[%add3A_94, %dma_wait3A_95] : memref<159x128xi32, #tpu.memory_space<vmem>> -> memref<1x128xi32, #tpu.memory_space<vmem>>
      %dma_wait3A_97 = tpu.memref_squeeze %dma_wait3A_96 : memref<1x128xi32, #tpu.memory_space<vmem>> -> memref<128xi32, #tpu.memory_space<vmem>>
      %dma_wait3A_98 = arith.constant 0 : i32
      %dma_wait3A_99 = arith.constant 0 : i32
      %dma_wait3A_100 = tpu.memref_slice %arg2[%dma_wait3A_98, %dma_wait3A_99] : memref<20000x64xf32, #tpu.memory_space<hbm>> -> memref<20000x64xf32, #tpu.memory_space<hbm>>
      tpu.wait_indirect_dma semaphore(%arg11 : memref<!tpu.dma_semaphore, #tpu.memory_space<semaphore_mem>>) src(%dma_wait3A_100 : memref<20000x64xf32, #tpu.memory_space<hbm>>) dst(%arg10 : memref<128x64xf32, #tpu.memory_space<vmem>>)
      %add3A_101 = arith.constant 2 : i32
      %add3A_102 = arith.addi %mul3A_78, %add3A_101 : i32
      %dma_start3A_103 = arith.constant 0 : i32
      %dma_start3A_104 = tpu.memref_slice %arg7[%add3A_102, %dma_start3A_103] : memref<159x128xi32, #tpu.memory_space<vmem>> -> memref<1x128xi32, #tpu.memory_space<vmem>>
      %dma_start3A_105 = tpu.memref_squeeze %dma_start3A_104 : memref<1x128xi32, #tpu.memory_space<vmem>> -> memref<128xi32, #tpu.memory_space<vmem>>
      %dma_start3A_106 = arith.constant 0 : i32
      %dma_start3A_107 = arith.constant 0 : i32
      %dma_start3A_108 = tpu.memref_slice %arg2[%dma_start3A_106, %dma_start3A_107] : memref<20000x64xf32, #tpu.memory_space<hbm>> -> memref<20000x64xf32, #tpu.memory_space<hbm>>
      tpu.enqueue_indirect_dma source(%dma_start3A_108 : memref<20000x64xf32, #tpu.memory_space<hbm>>) target(%arg9 : memref<128x64xf32, #tpu.memory_space<vmem>>) offsets(%dma_start3A_105 : memref<128xi32, #tpu.memory_space<vmem>>) semaphore(%arg11 : memref<!tpu.dma_semaphore, #tpu.memory_space<semaphore_mem>>)
    }
    %scan3A_28 = arith.constant 79 : i32
    %dma_wait3A = arith.constant 158 : i32
    %dma_wait3A_29 = arith.constant 0 : i32
    %dma_wait3A_30 = tpu.memref_slice %arg7[%dma_wait3A, %dma_wait3A_29] : memref<159x128xi32, #tpu.memory_space<vmem>> -> memref<1x128xi32, #tpu.memory_space<vmem>>
    %dma_wait3A_31 = tpu.memref_squeeze %dma_wait3A_30 : memref<1x128xi32, #tpu.memory_space<vmem>> -> memref<128xi32, #tpu.memory_space<vmem>>
    %dma_wait3A_32 = arith.constant 0 : i32
    %dma_wait3A_33 = arith.constant 0 : i32
    %dma_wait3A_34 = tpu.memref_slice %arg2[%dma_wait3A_32, %dma_wait3A_33] : memref<20000x64xf32, #tpu.memory_space<hbm>> -> memref<20000x64xf32, #tpu.memory_space<hbm>>
    tpu.wait_indirect_dma semaphore(%arg11 : memref<!tpu.dma_semaphore, #tpu.memory_space<semaphore_mem>>) src(%dma_wait3A_34 : memref<20000x64xf32, #tpu.memory_space<hbm>>) dst(%arg9 : memref<128x64xf32, #tpu.memory_space<vmem>>)
    %run_scoped3A = arith.constant 158 : i32
    "tpu.region"() ({
      %run_scoped3A_76 = tpu.sem_alloc : memref<!tpu.dma_semaphore, #tpu.memory_space<semaphore_mem>>
      %dma_start3A_77 = arith.constant 0 : i32
      %dma_start3A_78 = tpu.memref_slice %arg8[%run_scoped3A, %dma_start3A_77] : memref<159x128xi32, #tpu.memory_space<vmem>> -> memref<1x128xi32, #tpu.memory_space<vmem>>
      %dma_start3A_79 = tpu.memref_squeeze %dma_start3A_78 : memref<1x128xi32, #tpu.memory_space<vmem>> -> memref<128xi32, #tpu.memory_space<vmem>>
      %dma_start3A_80 = arith.constant 0 : i32
      %dma_start3A_81 = arith.constant 0 : i32
      %dma_start3A_82 = tpu.memref_slice %arg12[%dma_start3A_80, %dma_start3A_81] : memref<10112x64xf32, #tpu.memory_space<vmem_shared>> -> memref<10112x64xf32, #tpu.memory_space<vmem_shared>>
      tpu.enqueue_indirect_dma source(%arg9 : memref<128x64xf32, #tpu.memory_space<vmem>>) target(%dma_start3A_82 : memref<10112x64xf32, #tpu.memory_space<vmem_shared>>) offsets(%dma_start3A_79 : memref<128xi32, #tpu.memory_space<vmem>>) semaphore(%run_scoped3A_76 : memref<!tpu.dma_semaphore, #tpu.memory_space<semaphore_mem>>) {add = true}
      %dma_wait3A_83 = arith.constant 0 : i32
      %dma_wait3A_84 = tpu.memref_slice %arg8[%run_scoped3A, %dma_wait3A_83] : memref<159x128xi32, #tpu.memory_space<vmem>> -> memref<1x128xi32, #tpu.memory_space<vmem>>
      %dma_wait3A_85 = tpu.memref_squeeze %dma_wait3A_84 : memref<1x128xi32, #tpu.memory_space<vmem>> -> memref<128xi32, #tpu.memory_space<vmem>>
      %dma_wait3A_86 = arith.constant 0 : i32
      %dma_wait3A_87 = arith.constant 0 : i32
      %dma_wait3A_88 = tpu.memref_slice %arg12[%dma_wait3A_86, %dma_wait3A_87] : memref<10112x64xf32, #tpu.memory_space<vmem_shared>> -> memref<10112x64xf32, #tpu.memory_space<vmem_shared>>
      tpu.wait_indirect_dma semaphore(%run_scoped3A_76 : memref<!tpu.dma_semaphore, #tpu.memory_space<semaphore_mem>>) src(%arg9 : memref<128x64xf32, #tpu.memory_space<vmem>>) dst(%dma_wait3A_88 : memref<10112x64xf32, #tpu.memory_space<vmem_shared>>)
      tpu.yield
    }) : () -> ()
    %barrier3A_35 = arith.constant 0 : index
    tpu.barrier barrier_id(%barrier3A_35)
    %mul3A_36 = arith.constant 632 : i32
    %mul3A_37 = arith.muli %arg1, %mul3A_36 : i32
    %add3A_38 = arith.constant 0 : i32
    %add3A_39 = arith.addi %mul3A_37, %add3A_38 : i32
    "tpu.region"() ({
      %run_scoped3A_76 = tpu.sem_alloc : memref<!tpu.dma_semaphore, #tpu.memory_space<semaphore_mem>>
      %dma_start3A_77 = arith.constant 0 : i32
      %dma_start3A_78 = arith.constant 0 : i32
      %dma_start3A_79 = tpu.memref_slice %arg9[%dma_start3A_77, %dma_start3A_78] : memref<128x64xf32, #tpu.memory_space<vmem>> -> memref<128x64xf32, #tpu.memory_space<vmem>>
      %dma_start3A_80 = arith.constant 0 : i32
      %dma_start3A_81 = tpu.memref_slice %arg12[%add3A_39, %dma_start3A_80] : memref<10112x64xf32, #tpu.memory_space<vmem_shared>> -> memref<128x64xf32, #tpu.memory_space<vmem_shared>>
      %dma_start3A_82 = arith.constant 0 : i32
      %dma_start3A_83 = arith.constant 0 : i32
      %dma_start3A_84 = tpu.memref_slice %arg9[%dma_start3A_82, %dma_start3A_83] : memref<128x64xf32, #tpu.memory_space<vmem>> -> memref<128x64xf32, #tpu.memory_space<vmem>>
      %dma_start3A_85 = arith.constant 0 : i32
      %dma_start3A_86 = tpu.memref_slice %arg12[%add3A_39, %dma_start3A_85] : memref<10112x64xf32, #tpu.memory_space<vmem_shared>> -> memref<128x64xf32, #tpu.memory_space<vmem_shared>>
      tpu.enqueue_dma source(%dma_start3A_86 : memref<128x64xf32, #tpu.memory_space<vmem_shared>>) target(%dma_start3A_84 : memref<128x64xf32, #tpu.memory_space<vmem>>) target_semaphore(%run_scoped3A_76 : memref<!tpu.dma_semaphore, #tpu.memory_space<semaphore_mem>>)
      %dma_wait3A_87 = arith.constant 0 : i32
      %dma_wait3A_88 = arith.constant 0 : i32
      %dma_wait3A_89 = tpu.memref_slice %arg9[%dma_wait3A_87, %dma_wait3A_88] : memref<128x64xf32, #tpu.memory_space<vmem>> -> memref<128x64xf32, #tpu.memory_space<vmem>>
      %dma_wait3A_90 = arith.constant 0 : i32
      %dma_wait3A_91 = tpu.memref_slice %arg12[%add3A_39, %dma_wait3A_90] : memref<10112x64xf32, #tpu.memory_space<vmem_shared>> -> memref<128x64xf32, #tpu.memory_space<vmem_shared>>
      %dma_wait3A_92 = arith.constant 0 : i32
      %dma_wait3A_93 = arith.constant 0 : i32
      %dma_wait3A_94 = tpu.memref_slice %arg9[%dma_wait3A_92, %dma_wait3A_93] : memref<128x64xf32, #tpu.memory_space<vmem>> -> memref<128x64xf32, #tpu.memory_space<vmem>>
      %dma_wait3A_95 = arith.constant 0 : i32
      %dma_wait3A_96 = tpu.memref_slice %arg12[%add3A_39, %dma_wait3A_95] : memref<10112x64xf32, #tpu.memory_space<vmem_shared>> -> memref<128x64xf32, #tpu.memory_space<vmem_shared>>
      tpu.wait_dma2 semaphore(%run_scoped3A_76 : memref<!tpu.dma_semaphore, #tpu.memory_space<semaphore_mem>>) src(%dma_wait3A_96 : memref<128x64xf32, #tpu.memory_space<vmem_shared>>) dst(%dma_wait3A_94 : memref<128x64xf32, #tpu.memory_space<vmem>>)
      tpu.yield
    }) : () -> ()
    %mul3A_40 = arith.constant 632 : i32
    %mul3A_41 = arith.muli %arg1, %mul3A_40 : i32
    %add3A_42 = arith.constant 0 : i32
    %add3A_43 = arith.addi %mul3A_41, %add3A_42 : i32
    "tpu.region"() ({
      %run_scoped3A_76 = tpu.sem_alloc : memref<!tpu.dma_semaphore, #tpu.memory_space<semaphore_mem>>
      %dma_start3A_77 = arith.constant 0 : i32
      %dma_start3A_78 = arith.constant 0 : i32
      %dma_start3A_79 = tpu.memref_slice %arg9[%dma_start3A_77, %dma_start3A_78] : memref<128x64xf32, #tpu.memory_space<vmem>> -> memref<128x64xf32, #tpu.memory_space<vmem>>
      %dma_start3A_80 = arith.constant 0 : i32
      %dma_start3A_81 = tpu.memref_slice %arg6[%arg0, %add3A_43, %dma_start3A_80] : memref<2x10112x64xf32, #tpu.memory_space<hbm>> -> memref<1x128x64xf32, #tpu.memory_space<hbm>>
      %dma_start3A_82 = tpu.memref_squeeze %dma_start3A_81 : memref<1x128x64xf32, #tpu.memory_space<hbm>> -> memref<128x64xf32, #tpu.memory_space<hbm>>
      %dma_start3A_83 = arith.constant 0 : i32
      %dma_start3A_84 = tpu.memref_slice %arg6[%arg0, %add3A_43, %dma_start3A_83] : memref<2x10112x64xf32, #tpu.memory_space<hbm>> -> memref<1x128x64xf32, #tpu.memory_space<hbm>>
      %dma_start3A_85 = tpu.memref_squeeze %dma_start3A_84 : memref<1x128x64xf32, #tpu.memory_space<hbm>> -> memref<128x64xf32, #tpu.memory_space<hbm>>
      %dma_start3A_86 = arith.constant 0 : i32
      %dma_start3A_87 = arith.constant 0 : i32
      %dma_start3A_88 = tpu.memref_slice %arg9[%dma_start3A_86, %dma_start3A_87] : memref<128x64xf32, #tpu.memory_space<vmem>> -> memref<128x64xf32, #tpu.memory_space<vmem>>
      tpu.enqueue_dma source(%dma_start3A_88 : memref<128x64xf32, #tpu.memory_space<vmem>>) target(%dma_start3A_85 : memref<128x64xf32, #tpu.memory_space<hbm>>) target_semaphore(%run_scoped3A_76 : memref<!tpu.dma_semaphore, #tpu.memory_space<semaphore_mem>>)
      %dma_wait3A_89 = arith.constant 0 : i32
      %dma_wait3A_90 = arith.constant 0 : i32
      %dma_wait3A_91 = tpu.memref_slice %arg9[%dma_wait3A_89, %dma_wait3A_90] : memref<128x64xf32, #tpu.memory_space<vmem>> -> memref<128x64xf32, #tpu.memory_space<vmem>>
      %dma_wait3A_92 = arith.constant 0 : i32
      %dma_wait3A_93 = tpu.memref_slice %arg6[%arg0, %add3A_43, %dma_wait3A_92] : memref<2x10112x64xf32, #tpu.memory_space<hbm>> -> memref<1x128x64xf32, #tpu.memory_space<hbm>>
      %dma_wait3A_94 = tpu.memref_squeeze %dma_wait3A_93 : memref<1x128x64xf32, #tpu.memory_space<hbm>> -> memref<128x64xf32, #tpu.memory_space<hbm>>
      %dma_wait3A_95 = arith.constant 0 : i32
      %dma_wait3A_96 = tpu.memref_slice %arg6[%arg0, %add3A_43, %dma_wait3A_95] : memref<2x10112x64xf32, #tpu.memory_space<hbm>> -> memref<1x128x64xf32, #tpu.memory_space<hbm>>
      %dma_wait3A_97 = tpu.memref_squeeze %dma_wait3A_96 : memref<1x128x64xf32, #tpu.memory_space<hbm>> -> memref<128x64xf32, #tpu.memory_space<hbm>>
      %dma_wait3A_98 = arith.constant 0 : i32
      %dma_wait3A_99 = arith.constant 0 : i32
      %dma_wait3A_100 = tpu.memref_slice %arg9[%dma_wait3A_98, %dma_wait3A_99] : memref<128x64xf32, #tpu.memory_space<vmem>> -> memref<128x64xf32, #tpu.memory_space<vmem>>
      tpu.wait_dma2 semaphore(%run_scoped3A_76 : memref<!tpu.dma_semaphore, #tpu.memory_space<semaphore_mem>>) src(%dma_wait3A_100 : memref<128x64xf32, #tpu.memory_space<vmem>>) dst(%dma_wait3A_97 : memref<128x64xf32, #tpu.memory_space<hbm>>)
      tpu.yield
    }) : () -> ()
    %mul3A_44 = arith.constant 632 : i32
    %mul3A_45 = arith.muli %arg1, %mul3A_44 : i32
    %add3A_46 = arith.constant 128 : i32
    %add3A_47 = arith.addi %mul3A_45, %add3A_46 : i32
    "tpu.region"() ({
      %run_scoped3A_76 = tpu.sem_alloc : memref<!tpu.dma_semaphore, #tpu.memory_space<semaphore_mem>>
      %dma_start3A_77 = arith.constant 0 : i32
      %dma_start3A_78 = arith.constant 0 : i32
      %dma_start3A_79 = tpu.memref_slice %arg9[%dma_start3A_77, %dma_start3A_78] : memref<128x64xf32, #tpu.memory_space<vmem>> -> memref<128x64xf32, #tpu.memory_space<vmem>>
      %dma_start3A_80 = arith.constant 0 : i32
      %dma_start3A_81 = tpu.memref_slice %arg12[%add3A_47, %dma_start3A_80] : memref<10112x64xf32, #tpu.memory_space<vmem_shared>> -> memref<128x64xf32, #tpu.memory_space<vmem_shared>>
      %dma_start3A_82 = arith.constant 0 : i32
      %dma_start3A_83 = arith.constant 0 : i32
      %dma_start3A_84 = tpu.memref_slice %arg9[%dma_start3A_82, %dma_start3A_83] : memref<128x64xf32, #tpu.memory_space<vmem>> -> memref<128x64xf32, #tpu.memory_space<vmem>>
      %dma_start3A_85 = arith.constant 0 : i32
      %dma_start3A_86 = tpu.memref_slice %arg12[%add3A_47, %dma_start3A_85] : memref<10112x64xf32, #tpu.memory_space<vmem_shared>> -> memref<128x64xf32, #tpu.memory_space<vmem_shared>>
      tpu.enqueue_dma source(%dma_start3A_86 : memref<128x64xf32, #tpu.memory_space<vmem_shared>>) target(%dma_start3A_84 : memref<128x64xf32, #tpu.memory_space<vmem>>) target_semaphore(%run_scoped3A_76 : memref<!tpu.dma_semaphore, #tpu.memory_space<semaphore_mem>>)
      %dma_wait3A_87 = arith.constant 0 : i32
      %dma_wait3A_88 = arith.constant 0 : i32
      %dma_wait3A_89 = tpu.memref_slice %arg9[%dma_wait3A_87, %dma_wait3A_88] : memref<128x64xf32, #tpu.memory_space<vmem>> -> memref<128x64xf32, #tpu.memory_space<vmem>>
      %dma_wait3A_90 = arith.constant 0 : i32
      %dma_wait3A_91 = tpu.memref_slice %arg12[%add3A_47, %dma_wait3A_90] : memref<10112x64xf32, #tpu.memory_space<vmem_shared>> -> memref<128x64xf32, #tpu.memory_space<vmem_shared>>
      %dma_wait3A_92 = arith.constant 0 : i32
      %dma_wait3A_93 = arith.constant 0 : i32
      %dma_wait3A_94 = tpu.memref_slice %arg9[%dma_wait3A_92, %dma_wait3A_93] : memref<128x64xf32, #tpu.memory_space<vmem>> -> memref<128x64xf32, #tpu.memory_space<vmem>>
      %dma_wait3A_95 = arith.constant 0 : i32
      %dma_wait3A_96 = tpu.memref_slice %arg12[%add3A_47, %dma_wait3A_95] : memref<10112x64xf32, #tpu.memory_space<vmem_shared>> -> memref<128x64xf32, #tpu.memory_space<vmem_shared>>
      tpu.wait_dma2 semaphore(%run_scoped3A_76 : memref<!tpu.dma_semaphore, #tpu.memory_space<semaphore_mem>>) src(%dma_wait3A_96 : memref<128x64xf32, #tpu.memory_space<vmem_shared>>) dst(%dma_wait3A_94 : memref<128x64xf32, #tpu.memory_space<vmem>>)
      tpu.yield
    }) : () -> ()
    %mul3A_48 = arith.constant 632 : i32
    %mul3A_49 = arith.muli %arg1, %mul3A_48 : i32
    %add3A_50 = arith.constant 128 : i32
    %add3A_51 = arith.addi %mul3A_49, %add3A_50 : i32
    "tpu.region"() ({
      %run_scoped3A_76 = tpu.sem_alloc : memref<!tpu.dma_semaphore, #tpu.memory_space<semaphore_mem>>
      %dma_start3A_77 = arith.constant 0 : i32
      %dma_start3A_78 = arith.constant 0 : i32
      %dma_start3A_79 = tpu.memref_slice %arg9[%dma_start3A_77, %dma_start3A_78] : memref<128x64xf32, #tpu.memory_space<vmem>> -> memref<128x64xf32, #tpu.memory_space<vmem>>
      %dma_start3A_80 = arith.constant 0 : i32
      %dma_start3A_81 = tpu.memref_slice %arg6[%arg0, %add3A_51, %dma_start3A_80] : memref<2x10112x64xf32, #tpu.memory_space<hbm>> -> memref<1x128x64xf32, #tpu.memory_space<hbm>>
      %dma_start3A_82 = tpu.memref_squeeze %dma_start3A_81 : memref<1x128x64xf32, #tpu.memory_space<hbm>> -> memref<128x64xf32, #tpu.memory_space<hbm>>
      %dma_start3A_83 = arith.constant 0 : i32
      %dma_start3A_84 = tpu.memref_slice %arg6[%arg0, %add3A_51, %dma_start3A_83] : memref<2x10112x64xf32, #tpu.memory_space<hbm>> -> memref<1x128x64xf32, #tpu.memory_space<hbm>>
      %dma_start3A_85 = tpu.memref_squeeze %dma_start3A_84 : memref<1x128x64xf32, #tpu.memory_space<hbm>> -> memref<128x64xf32, #tpu.memory_space<hbm>>
      %dma_start3A_86 = arith.constant 0 : i32
      %dma_start3A_87 = arith.constant 0 : i32
      %dma_start3A_88 = tpu.memref_slice %arg9[%dma_start3A_86, %dma_start3A_87] : memref<128x64xf32, #tpu.memory_space<vmem>> -> memref<128x64xf32, #tpu.memory_space<vmem>>
      tpu.enqueue_dma source(%dma_start3A_88 : memref<128x64xf32, #tpu.memory_space<vmem>>) target(%dma_start3A_85 : memref<128x64xf32, #tpu.memory_space<hbm>>) target_semaphore(%run_scoped3A_76 : memref<!tpu.dma_semaphore, #tpu.memory_space<semaphore_mem>>)
      %dma_wait3A_89 = arith.constant 0 : i32
      %dma_wait3A_90 = arith.constant 0 : i32
      %dma_wait3A_91 = tpu.memref_slice %arg9[%dma_wait3A_89, %dma_wait3A_90] : memref<128x64xf32, #tpu.memory_space<vmem>> -> memref<128x64xf32, #tpu.memory_space<vmem>>
      %dma_wait3A_92 = arith.constant 0 : i32
      %dma_wait3A_93 = tpu.memref_slice %arg6[%arg0, %add3A_51, %dma_wait3A_92] : memref<2x10112x64xf32, #tpu.memory_space<hbm>> -> memref<1x128x64xf32, #tpu.memory_space<hbm>>
      %dma_wait3A_94 = tpu.memref_squeeze %dma_wait3A_93 : memref<1x128x64xf32, #tpu.memory_space<hbm>> -> memref<128x64xf32, #tpu.memory_space<hbm>>
      %dma_wait3A_95 = arith.constant 0 : i32
      %dma_wait3A_96 = tpu.memref_slice %arg6[%arg0, %add3A_51, %dma_wait3A_95] : memref<2x10112x64xf32, #tpu.memory_space<hbm>> -> memref<1x128x64xf32, #tpu.memory_space<hbm>>
      %dma_wait3A_97 = tpu.memref_squeeze %dma_wait3A_96 : memref<1x128x64xf32, #tpu.memory_space<hbm>> -> memref<128x64xf32, #tpu.memory_space<hbm>>
      %dma_wait3A_98 = arith.constant 0 : i32
      %dma_wait3A_99 = arith.constant 0 : i32
      %dma_wait3A_100 = tpu.memref_slice %arg9[%dma_wait3A_98, %dma_wait3A_99] : memref<128x64xf32, #tpu.memory_space<vmem>> -> memref<128x64xf32, #tpu.memory_space<vmem>>
      tpu.wait_dma2 semaphore(%run_scoped3A_76 : memref<!tpu.dma_semaphore, #tpu.memory_space<semaphore_mem>>) src(%dma_wait3A_100 : memref<128x64xf32, #tpu.memory_space<vmem>>) dst(%dma_wait3A_97 : memref<128x64xf32, #tpu.memory_space<hbm>>)
      tpu.yield
    }) : () -> ()
    %mul3A_52 = arith.constant 632 : i32
    %mul3A_53 = arith.muli %arg1, %mul3A_52 : i32
    %add3A_54 = arith.constant 256 : i32
    %add3A_55 = arith.addi %mul3A_53, %add3A_54 : i32
    "tpu.region"() ({
      %run_scoped3A_76 = tpu.sem_alloc : memref<!tpu.dma_semaphore, #tpu.memory_space<semaphore_mem>>
      %dma_start3A_77 = arith.constant 0 : i32
      %dma_start3A_78 = arith.constant 0 : i32
      %dma_start3A_79 = tpu.memref_slice %arg9[%dma_start3A_77, %dma_start3A_78] : memref<128x64xf32, #tpu.memory_space<vmem>> -> memref<128x64xf32, #tpu.memory_space<vmem>>
      %dma_start3A_80 = arith.constant 0 : i32
      %dma_start3A_81 = tpu.memref_slice %arg12[%add3A_55, %dma_start3A_80] : memref<10112x64xf32, #tpu.memory_space<vmem_shared>> -> memref<128x64xf32, #tpu.memory_space<vmem_shared>>
      %dma_start3A_82 = arith.constant 0 : i32
      %dma_start3A_83 = arith.constant 0 : i32
      %dma_start3A_84 = tpu.memref_slice %arg9[%dma_start3A_82, %dma_start3A_83] : memref<128x64xf32, #tpu.memory_space<vmem>> -> memref<128x64xf32, #tpu.memory_space<vmem>>
      %dma_start3A_85 = arith.constant 0 : i32
      %dma_start3A_86 = tpu.memref_slice %arg12[%add3A_55, %dma_start3A_85] : memref<10112x64xf32, #tpu.memory_space<vmem_shared>> -> memref<128x64xf32, #tpu.memory_space<vmem_shared>>
      tpu.enqueue_dma source(%dma_start3A_86 : memref<128x64xf32, #tpu.memory_space<vmem_shared>>) target(%dma_start3A_84 : memref<128x64xf32, #tpu.memory_space<vmem>>) target_semaphore(%run_scoped3A_76 : memref<!tpu.dma_semaphore, #tpu.memory_space<semaphore_mem>>)
      %dma_wait3A_87 = arith.constant 0 : i32
      %dma_wait3A_88 = arith.constant 0 : i32
      %dma_wait3A_89 = tpu.memref_slice %arg9[%dma_wait3A_87, %dma_wait3A_88] : memref<128x64xf32, #tpu.memory_space<vmem>> -> memref<128x64xf32, #tpu.memory_space<vmem>>
      %dma_wait3A_90 = arith.constant 0 : i32
      %dma_wait3A_91 = tpu.memref_slice %arg12[%add3A_55, %dma_wait3A_90] : memref<10112x64xf32, #tpu.memory_space<vmem_shared>> -> memref<128x64xf32, #tpu.memory_space<vmem_shared>>
      %dma_wait3A_92 = arith.constant 0 : i32
      %dma_wait3A_93 = arith.constant 0 : i32
      %dma_wait3A_94 = tpu.memref_slice %arg9[%dma_wait3A_92, %dma_wait3A_93] : memref<128x64xf32, #tpu.memory_space<vmem>> -> memref<128x64xf32, #tpu.memory_space<vmem>>
      %dma_wait3A_95 = arith.constant 0 : i32
      %dma_wait3A_96 = tpu.memref_slice %arg12[%add3A_55, %dma_wait3A_95] : memref<10112x64xf32, #tpu.memory_space<vmem_shared>> -> memref<128x64xf32, #tpu.memory_space<vmem_shared>>
      tpu.wait_dma2 semaphore(%run_scoped3A_76 : memref<!tpu.dma_semaphore, #tpu.memory_space<semaphore_mem>>) src(%dma_wait3A_96 : memref<128x64xf32, #tpu.memory_space<vmem_shared>>) dst(%dma_wait3A_94 : memref<128x64xf32, #tpu.memory_space<vmem>>)
      tpu.yield
    }) : () -> ()
    %mul3A_56 = arith.constant 632 : i32
    %mul3A_57 = arith.muli %arg1, %mul3A_56 : i32
    %add3A_58 = arith.constant 256 : i32
    %add3A_59 = arith.addi %mul3A_57, %add3A_58 : i32
    "tpu.region"() ({
      %run_scoped3A_76 = tpu.sem_alloc : memref<!tpu.dma_semaphore, #tpu.memory_space<semaphore_mem>>
      %dma_start3A_77 = arith.constant 0 : i32
      %dma_start3A_78 = arith.constant 0 : i32
      %dma_start3A_79 = tpu.memref_slice %arg9[%dma_start3A_77, %dma_start3A_78] : memref<128x64xf32, #tpu.memory_space<vmem>> -> memref<128x64xf32, #tpu.memory_space<vmem>>
      %dma_start3A_80 = arith.constant 0 : i32
      %dma_start3A_81 = tpu.memref_slice %arg6[%arg0, %add3A_59, %dma_start3A_80] : memref<2x10112x64xf32, #tpu.memory_space<hbm>> -> memref<1x128x64xf32, #tpu.memory_space<hbm>>
      %dma_start3A_82 = tpu.memref_squeeze %dma_start3A_81 : memref<1x128x64xf32, #tpu.memory_space<hbm>> -> memref<128x64xf32, #tpu.memory_space<hbm>>
      %dma_start3A_83 = arith.constant 0 : i32
      %dma_start3A_84 = tpu.memref_slice %arg6[%arg0, %add3A_59, %dma_start3A_83] : memref<2x10112x64xf32, #tpu.memory_space<hbm>> -> memref<1x128x64xf32, #tpu.memory_space<hbm>>
      %dma_start3A_85 = tpu.memref_squeeze %dma_start3A_84 : memref<1x128x64xf32, #tpu.memory_space<hbm>> -> memref<128x64xf32, #tpu.memory_space<hbm>>
      %dma_start3A_86 = arith.constant 0 : i32
      %dma_start3A_87 = arith.constant 0 : i32
      %dma_start3A_88 = tpu.memref_slice %arg9[%dma_start3A_86, %dma_start3A_87] : memref<128x64xf32, #tpu.memory_space<vmem>> -> memref<128x64xf32, #tpu.memory_space<vmem>>
      tpu.enqueue_dma source(%dma_start3A_88 : memref<128x64xf32, #tpu.memory_space<vmem>>) target(%dma_start3A_85 : memref<128x64xf32, #tpu.memory_space<hbm>>) target_semaphore(%run_scoped3A_76 : memref<!tpu.dma_semaphore, #tpu.memory_space<semaphore_mem>>)
      %dma_wait3A_89 = arith.constant 0 : i32
      %dma_wait3A_90 = arith.constant 0 : i32
      %dma_wait3A_91 = tpu.memref_slice %arg9[%dma_wait3A_89, %dma_wait3A_90] : memref<128x64xf32, #tpu.memory_space<vmem>> -> memref<128x64xf32, #tpu.memory_space<vmem>>
      %dma_wait3A_92 = arith.constant 0 : i32
      %dma_wait3A_93 = tpu.memref_slice %arg6[%arg0, %add3A_59, %dma_wait3A_92] : memref<2x10112x64xf32, #tpu.memory_space<hbm>> -> memref<1x128x64xf32, #tpu.memory_space<hbm>>
      %dma_wait3A_94 = tpu.memref_squeeze %dma_wait3A_93 : memref<1x128x64xf32, #tpu.memory_space<hbm>> -> memref<128x64xf32, #tpu.memory_space<hbm>>
      %dma_wait3A_95 = arith.constant 0 : i32
      %dma_wait3A_96 = tpu.memref_slice %arg6[%arg0, %add3A_59, %dma_wait3A_95] : memref<2x10112x64xf32, #tpu.memory_space<hbm>> -> memref<1x128x64xf32, #tpu.memory_space<hbm>>
      %dma_wait3A_97 = tpu.memref_squeeze %dma_wait3A_96 : memref<1x128x64xf32, #tpu.memory_space<hbm>> -> memref<128x64xf32, #tpu.memory_space<hbm>>
      %dma_wait3A_98 = arith.constant 0 : i32
      %dma_wait3A_99 = arith.constant 0 : i32
      %dma_wait3A_100 = tpu.memref_slice %arg9[%dma_wait3A_98, %dma_wait3A_99] : memref<128x64xf32, #tpu.memory_space<vmem>> -> memref<128x64xf32, #tpu.memory_space<vmem>>
      tpu.wait_dma2 semaphore(%run_scoped3A_76 : memref<!tpu.dma_semaphore, #tpu.memory_space<semaphore_mem>>) src(%dma_wait3A_100 : memref<128x64xf32, #tpu.memory_space<vmem>>) dst(%dma_wait3A_97 : memref<128x64xf32, #tpu.memory_space<hbm>>)
      tpu.yield
    }) : () -> ()
    %mul3A_60 = arith.constant 632 : i32
    %mul3A_61 = arith.muli %arg1, %mul3A_60 : i32
    %add3A_62 = arith.constant 384 : i32
    %add3A_63 = arith.addi %mul3A_61, %add3A_62 : i32
    "tpu.region"() ({
      %run_scoped3A_76 = tpu.sem_alloc : memref<!tpu.dma_semaphore, #tpu.memory_space<semaphore_mem>>
      %dma_start3A_77 = arith.constant 0 : i32
      %dma_start3A_78 = arith.constant 0 : i32
      %dma_start3A_79 = tpu.memref_slice %arg9[%dma_start3A_77, %dma_start3A_78] : memref<128x64xf32, #tpu.memory_space<vmem>> -> memref<128x64xf32, #tpu.memory_space<vmem>>
      %dma_start3A_80 = arith.constant 0 : i32
      %dma_start3A_81 = tpu.memref_slice %arg12[%add3A_63, %dma_start3A_80] : memref<10112x64xf32, #tpu.memory_space<vmem_shared>> -> memref<128x64xf32, #tpu.memory_space<vmem_shared>>
      %dma_start3A_82 = arith.constant 0 : i32
      %dma_start3A_83 = arith.constant 0 : i32
      %dma_start3A_84 = tpu.memref_slice %arg9[%dma_start3A_82, %dma_start3A_83] : memref<128x64xf32, #tpu.memory_space<vmem>> -> memref<128x64xf32, #tpu.memory_space<vmem>>
      %dma_start3A_85 = arith.constant 0 : i32
      %dma_start3A_86 = tpu.memref_slice %arg12[%add3A_63, %dma_start3A_85] : memref<10112x64xf32, #tpu.memory_space<vmem_shared>> -> memref<128x64xf32, #tpu.memory_space<vmem_shared>>
      tpu.enqueue_dma source(%dma_start3A_86 : memref<128x64xf32, #tpu.memory_space<vmem_shared>>) target(%dma_start3A_84 : memref<128x64xf32, #tpu.memory_space<vmem>>) target_semaphore(%run_scoped3A_76 : memref<!tpu.dma_semaphore, #tpu.memory_space<semaphore_mem>>)
      %dma_wait3A_87 = arith.constant 0 : i32
      %dma_wait3A_88 = arith.constant 0 : i32
      %dma_wait3A_89 = tpu.memref_slice %arg9[%dma_wait3A_87, %dma_wait3A_88] : memref<128x64xf32, #tpu.memory_space<vmem>> -> memref<128x64xf32, #tpu.memory_space<vmem>>
      %dma_wait3A_90 = arith.constant 0 : i32
      %dma_wait3A_91 = tpu.memref_slice %arg12[%add3A_63, %dma_wait3A_90] : memref<10112x64xf32, #tpu.memory_space<vmem_shared>> -> memref<128x64xf32, #tpu.memory_space<vmem_shared>>
      %dma_wait3A_92 = arith.constant 0 : i32
      %dma_wait3A_93 = arith.constant 0 : i32
      %dma_wait3A_94 = tpu.memref_slice %arg9[%dma_wait3A_92, %dma_wait3A_93] : memref<128x64xf32, #tpu.memory_space<vmem>> -> memref<128x64xf32, #tpu.memory_space<vmem>>
      %dma_wait3A_95 = arith.constant 0 : i32
      %dma_wait3A_96 = tpu.memref_slice %arg12[%add3A_63, %dma_wait3A_95] : memref<10112x64xf32, #tpu.memory_space<vmem_shared>> -> memref<128x64xf32, #tpu.memory_space<vmem_shared>>
      tpu.wait_dma2 semaphore(%run_scoped3A_76 : memref<!tpu.dma_semaphore, #tpu.memory_space<semaphore_mem>>) src(%dma_wait3A_96 : memref<128x64xf32, #tpu.memory_space<vmem_shared>>) dst(%dma_wait3A_94 : memref<128x64xf32, #tpu.memory_space<vmem>>)
      tpu.yield
    }) : () -> ()
    %mul3A_64 = arith.constant 632 : i32
    %mul3A_65 = arith.muli %arg1, %mul3A_64 : i32
    %add3A_66 = arith.constant 384 : i32
    %add3A_67 = arith.addi %mul3A_65, %add3A_66 : i32
    "tpu.region"() ({
      %run_scoped3A_76 = tpu.sem_alloc : memref<!tpu.dma_semaphore, #tpu.memory_space<semaphore_mem>>
      %dma_start3A_77 = arith.constant 0 : i32
      %dma_start3A_78 = arith.constant 0 : i32
      %dma_start3A_79 = tpu.memref_slice %arg9[%dma_start3A_77, %dma_start3A_78] : memref<128x64xf32, #tpu.memory_space<vmem>> -> memref<128x64xf32, #tpu.memory_space<vmem>>
      %dma_start3A_80 = arith.constant 0 : i32
      %dma_start3A_81 = tpu.memref_slice %arg6[%arg0, %add3A_67, %dma_start3A_80] : memref<2x10112x64xf32, #tpu.memory_space<hbm>> -> memref<1x128x64xf32, #tpu.memory_space<hbm>>
      %dma_start3A_82 = tpu.memref_squeeze %dma_start3A_81 : memref<1x128x64xf32, #tpu.memory_space<hbm>> -> memref<128x64xf32, #tpu.memory_space<hbm>>
      %dma_start3A_83 = arith.constant 0 : i32
      %dma_start3A_84 = tpu.memref_slice %arg6[%arg0, %add3A_67, %dma_start3A_83] : memref<2x10112x64xf32, #tpu.memory_space<hbm>> -> memref<1x128x64xf32, #tpu.memory_space<hbm>>
      %dma_start3A_85 = tpu.memref_squeeze %dma_start3A_84 : memref<1x128x64xf32, #tpu.memory_space<hbm>> -> memref<128x64xf32, #tpu.memory_space<hbm>>
      %dma_start3A_86 = arith.constant 0 : i32
      %dma_start3A_87 = arith.constant 0 : i32
      %dma_start3A_88 = tpu.memref_slice %arg9[%dma_start3A_86, %dma_start3A_87] : memref<128x64xf32, #tpu.memory_space<vmem>> -> memref<128x64xf32, #tpu.memory_space<vmem>>
      tpu.enqueue_dma source(%dma_start3A_88 : memref<128x64xf32, #tpu.memory_space<vmem>>) target(%dma_start3A_85 : memref<128x64xf32, #tpu.memory_space<hbm>>) target_semaphore(%run_scoped3A_76 : memref<!tpu.dma_semaphore, #tpu.memory_space<semaphore_mem>>)
      %dma_wait3A_89 = arith.constant 0 : i32
      %dma_wait3A_90 = arith.constant 0 : i32
      %dma_wait3A_91 = tpu.memref_slice %arg9[%dma_wait3A_89, %dma_wait3A_90] : memref<128x64xf32, #tpu.memory_space<vmem>> -> memref<128x64xf32, #tpu.memory_space<vmem>>
      %dma_wait3A_92 = arith.constant 0 : i32
      %dma_wait3A_93 = tpu.memref_slice %arg6[%arg0, %add3A_67, %dma_wait3A_92] : memref<2x10112x64xf32, #tpu.memory_space<hbm>> -> memref<1x128x64xf32, #tpu.memory_space<hbm>>
      %dma_wait3A_94 = tpu.memref_squeeze %dma_wait3A_93 : memref<1x128x64xf32, #tpu.memory_space<hbm>> -> memref<128x64xf32, #tpu.memory_space<hbm>>
      %dma_wait3A_95 = arith.constant 0 : i32
      %dma_wait3A_96 = tpu.memref_slice %arg6[%arg0, %add3A_67, %dma_wait3A_95] : memref<2x10112x64xf32, #tpu.memory_space<hbm>> -> memref<1x128x64xf32, #tpu.memory_space<hbm>>
      %dma_wait3A_97 = tpu.memref_squeeze %dma_wait3A_96 : memref<1x128x64xf32, #tpu.memory_space<hbm>> -> memref<128x64xf32, #tpu.memory_space<hbm>>
      %dma_wait3A_98 = arith.constant 0 : i32
      %dma_wait3A_99 = arith.constant 0 : i32
      %dma_wait3A_100 = tpu.memref_slice %arg9[%dma_wait3A_98, %dma_wait3A_99] : memref<128x64xf32, #tpu.memory_space<vmem>> -> memref<128x64xf32, #tpu.memory_space<vmem>>
      tpu.wait_dma2 semaphore(%run_scoped3A_76 : memref<!tpu.dma_semaphore, #tpu.memory_space<semaphore_mem>>) src(%dma_wait3A_100 : memref<128x64xf32, #tpu.memory_space<vmem>>) dst(%dma_wait3A_97 : memref<128x64xf32, #tpu.memory_space<hbm>>)
      tpu.yield
    }) : () -> ()
    %mul3A_68 = arith.constant 632 : i32
    %mul3A_69 = arith.muli %arg1, %mul3A_68 : i32
    %add3A_70 = arith.constant 512 : i32
    %add3A_71 = arith.addi %mul3A_69, %add3A_70 : i32
    "tpu.region"() ({
      %run_scoped3A_76 = tpu.sem_alloc : memref<!tpu.dma_semaphore, #tpu.memory_space<semaphore_mem>>
      %dma_start3A_77 = arith.constant 0 : i32
      %dma_start3A_78 = arith.constant 0 : i32
      %dma_start3A_79 = tpu.memref_slice %arg9[%dma_start3A_77, %dma_start3A_78] : memref<128x64xf32, #tpu.memory_space<vmem>> -> memref<120x64xf32, #tpu.memory_space<vmem>>
      %dma_start3A_80 = arith.constant 0 : i32
      %dma_start3A_81 = tpu.memref_slice %arg12[%add3A_71, %dma_start3A_80] : memref<10112x64xf32, #tpu.memory_space<vmem_shared>> -> memref<120x64xf32, #tpu.memory_space<vmem_shared>>
      %dma_start3A_82 = arith.constant 0 : i32
      %dma_start3A_83 = arith.constant 0 : i32
      %dma_start3A_84 = tpu.memref_slice %arg9[%dma_start3A_82, %dma_start3A_83] : memref<128x64xf32, #tpu.memory_space<vmem>> -> memref<120x64xf32, #tpu.memory_space<vmem>>
      %dma_start3A_85 = arith.constant 0 : i32
      %dma_start3A_86 = tpu.memref_slice %arg12[%add3A_71, %dma_start3A_85] : memref<10112x64xf32, #tpu.memory_space<vmem_shared>> -> memref<120x64xf32, #tpu.memory_space<vmem_shared>>
      tpu.enqueue_dma source(%dma_start3A_86 : memref<120x64xf32, #tpu.memory_space<vmem_shared>>) target(%dma_start3A_84 : memref<120x64xf32, #tpu.memory_space<vmem>>) target_semaphore(%run_scoped3A_76 : memref<!tpu.dma_semaphore, #tpu.memory_space<semaphore_mem>>)
      %dma_wait3A_87 = arith.constant 0 : i32
      %dma_wait3A_88 = arith.constant 0 : i32
      %dma_wait3A_89 = tpu.memref_slice %arg9[%dma_wait3A_87, %dma_wait3A_88] : memref<128x64xf32, #tpu.memory_space<vmem>> -> memref<120x64xf32, #tpu.memory_space<vmem>>
      %dma_wait3A_90 = arith.constant 0 : i32
      %dma_wait3A_91 = tpu.memref_slice %arg12[%add3A_71, %dma_wait3A_90] : memref<10112x64xf32, #tpu.memory_space<vmem_shared>> -> memref<120x64xf32, #tpu.memory_space<vmem_shared>>
      %dma_wait3A_92 = arith.constant 0 : i32
      %dma_wait3A_93 = arith.constant 0 : i32
      %dma_wait3A_94 = tpu.memref_slice %arg9[%dma_wait3A_92, %dma_wait3A_93] : memref<128x64xf32, #tpu.memory_space<vmem>> -> memref<120x64xf32, #tpu.memory_space<vmem>>
      %dma_wait3A_95 = arith.constant 0 : i32
      %dma_wait3A_96 = tpu.memref_slice %arg12[%add3A_71, %dma_wait3A_95] : memref<10112x64xf32, #tpu.memory_space<vmem_shared>> -> memref<120x64xf32, #tpu.memory_space<vmem_shared>>
      tpu.wait_dma2 semaphore(%run_scoped3A_76 : memref<!tpu.dma_semaphore, #tpu.memory_space<semaphore_mem>>) src(%dma_wait3A_96 : memref<120x64xf32, #tpu.memory_space<vmem_shared>>) dst(%dma_wait3A_94 : memref<120x64xf32, #tpu.memory_space<vmem>>)
      tpu.yield
    }) : () -> ()
    %mul3A_72 = arith.constant 632 : i32
    %mul3A_73 = arith.muli %arg1, %mul3A_72 : i32
    %add3A_74 = arith.constant 512 : i32
    %add3A_75 = arith.addi %mul3A_73, %add3A_74 : i32
    "tpu.region"() ({
      %run_scoped3A_76 = tpu.sem_alloc : memref<!tpu.dma_semaphore, #tpu.memory_space<semaphore_mem>>
      %dma_start3A_77 = arith.constant 0 : i32
      %dma_start3A_78 = arith.constant 0 : i32
      %dma_start3A_79 = tpu.memref_slice %arg9[%dma_start3A_77, %dma_start3A_78] : memref<128x64xf32, #tpu.memory_space<vmem>> -> memref<120x64xf32, #tpu.memory_space<vmem>>
      %dma_start3A_80 = arith.constant 0 : i32
      %dma_start3A_81 = tpu.memref_slice %arg6[%arg0, %add3A_75, %dma_start3A_80] : memref<2x10112x64xf32, #tpu.memory_space<hbm>> -> memref<1x120x64xf32, #tpu.memory_space<hbm>>
      %dma_start3A_82 = tpu.memref_squeeze %dma_start3A_81 : memref<1x120x64xf32, #tpu.memory_space<hbm>> -> memref<120x64xf32, #tpu.memory_space<hbm>>
      %dma_start3A_83 = arith.constant 0 : i32
      %dma_start3A_84 = tpu.memref_slice %arg6[%arg0, %add3A_75, %dma_start3A_83] : memref<2x10112x64xf32, #tpu.memory_space<hbm>> -> memref<1x120x64xf32, #tpu.memory_space<hbm>>
      %dma_start3A_85 = tpu.memref_squeeze %dma_start3A_84 : memref<1x120x64xf32, #tpu.memory_space<hbm>> -> memref<120x64xf32, #tpu.memory_space<hbm>>
      %dma_start3A_86 = arith.constant 0 : i32
      %dma_start3A_87 = arith.constant 0 : i32
      %dma_start3A_88 = tpu.memref_slice %arg9[%dma_start3A_86, %dma_start3A_87] : memref<128x64xf32, #tpu.memory_space<vmem>> -> memref<120x64xf32, #tpu.memory_space<vmem>>
      tpu.enqueue_dma source(%dma_start3A_88 : memref<120x64xf32, #tpu.memory_space<vmem>>) target(%dma_start3A_85 : memref<120x64xf32, #tpu.memory_space<hbm>>) target_semaphore(%run_scoped3A_76 : memref<!tpu.dma_semaphore, #tpu.memory_space<semaphore_mem>>)
      %dma_wait3A_89 = arith.constant 0 : i32
      %dma_wait3A_90 = arith.constant 0 : i32
      %dma_wait3A_91 = tpu.memref_slice %arg9[%dma_wait3A_89, %dma_wait3A_90] : memref<128x64xf32, #tpu.memory_space<vmem>> -> memref<120x64xf32, #tpu.memory_space<vmem>>
      %dma_wait3A_92 = arith.constant 0 : i32
      %dma_wait3A_93 = tpu.memref_slice %arg6[%arg0, %add3A_75, %dma_wait3A_92] : memref<2x10112x64xf32, #tpu.memory_space<hbm>> -> memref<1x120x64xf32, #tpu.memory_space<hbm>>
      %dma_wait3A_94 = tpu.memref_squeeze %dma_wait3A_93 : memref<1x120x64xf32, #tpu.memory_space<hbm>> -> memref<120x64xf32, #tpu.memory_space<hbm>>
      %dma_wait3A_95 = arith.constant 0 : i32
      %dma_wait3A_96 = tpu.memref_slice %arg6[%arg0, %add3A_75, %dma_wait3A_95] : memref<2x10112x64xf32, #tpu.memory_space<hbm>> -> memref<1x120x64xf32, #tpu.memory_space<hbm>>
      %dma_wait3A_97 = tpu.memref_squeeze %dma_wait3A_96 : memref<1x120x64xf32, #tpu.memory_space<hbm>> -> memref<120x64xf32, #tpu.memory_space<hbm>>
      %dma_wait3A_98 = arith.constant 0 : i32
      %dma_wait3A_99 = arith.constant 0 : i32
      %dma_wait3A_100 = tpu.memref_slice %arg9[%dma_wait3A_98, %dma_wait3A_99] : memref<128x64xf32, #tpu.memory_space<vmem>> -> memref<120x64xf32, #tpu.memory_space<vmem>>
      tpu.wait_dma2 semaphore(%run_scoped3A_76 : memref<!tpu.dma_semaphore, #tpu.memory_space<semaphore_mem>>) src(%dma_wait3A_100 : memref<120x64xf32, #tpu.memory_space<vmem>>) dst(%dma_wait3A_97 : memref<120x64xf32, #tpu.memory_space<hbm>>)
      tpu.yield
    }) : () -> ()
    return
  }
}

module attributes {stable_mosaic.version = 14 : i64} {
  func.func @_dense1_body(%arg0: i32, %arg1: memref<2x1000x1xf32, #tpu.memory_space<vmem>>, %arg2: memref<1000x128xf32, #tpu.memory_space<vmem>>, %arg3: memref<128x128xf32, #tpu.memory_space<vmem>>, %arg4: memref<2x1000x64xf32, #tpu.memory_space<vmem>>) attributes {dimension_semantics = [#tpu.dimension_semantics<arbitrary>], iteration_bounds = array<i64: 10>, scalar_prefetch = 0 : i64, scratch_operands = 0 : i64, tpu.core_type = #tpu.core_type<tc>, window_params = [{transform_indices = @transform_0, window_bounds = array<i64: 2, 1000, 1>}, {transform_indices = @transform_1, window_bounds = array<i64: 1000, 128>}, {pipeline_mode = #tpu.pipeline_mode<synchronous>, transform_indices = @transform_2, window_bounds = array<i64: 128, 128>}, {transform_indices = @transform_3, window_bounds = array<i64: 2, 1000, 64>}]} {
    %get3A = arith.constant 0 : index
    %get3A_0 = arith.constant 0 : index
    %get3A_1 = arith.constant 0 : index
    %get3A_2 = vector.load %arg1[%get3A, %get3A_0, %get3A_1] : memref<2x1000x1xf32, #tpu.memory_space<vmem>>, vector<1x1000x1xf32>
    %get3A_3 = vector.shape_cast %get3A_2 : vector<1x1000x1xf32> to vector<1000x1xf32>
    %get3A_4 = arith.constant 1 : index
    %get3A_5 = arith.constant 0 : index
    %get3A_6 = arith.constant 0 : index
    %get3A_7 = vector.load %arg1[%get3A_4, %get3A_5, %get3A_6] : memref<2x1000x1xf32, #tpu.memory_space<vmem>>, vector<1x1000x1xf32>
    %get3A_8 = vector.shape_cast %get3A_7 : vector<1x1000x1xf32> to vector<1000x1xf32>
    %add3A = arith.addf %get3A_3, %get3A_8 : vector<1000x1xf32>
    %add3A_9 = arith.constant 1.000000e+00 : f32
    %add3A_10 = vector.broadcast %add3A_9 : f32 to vector<1000x1xf32>
    %add3A_11 = arith.addf %add3A, %add3A_10 : vector<1000x1xf32>
    %rsqrt3A = math.rsqrt %add3A_11 : vector<1000x1xf32>
    %get3A_12 = arith.constant 0 : index
    %get3A_13 = arith.constant 0 : index
    %get3A_14 = vector.load %arg2[%get3A_12, %get3A_13] : memref<1000x128xf32, #tpu.memory_space<vmem>>, vector<1000x128xf32>
    %get3A_15 = arith.constant 0 : index
    %get3A_16 = arith.constant 0 : index
    %get3A_17 = vector.load %arg3[%get3A_15, %get3A_16] : memref<128x128xf32, #tpu.memory_space<vmem>>, vector<128x128xf32>
    %dot_general3A = arith.constant dense<0.000000e+00> : vector<1000x128xf32>
    %dot_general3A_18 = tpu.matmul %get3A_14, %get3A_17, %dot_general3A {dimension_numbers = #tpu.dot_dimension_numbers<[1], [0], [0], [1], [0, 0, 1, 1], [], []>, transpose_lhs_hint = false} : vector<1000x128xf32>, vector<128x128xf32>, vector<1000x128xf32> -> vector<1000x128xf32>
    %mul3A = vector.broadcast %rsqrt3A : vector<1000x1xf32> to vector<1000x128xf32>
    %mul3A_19 = arith.mulf %dot_general3A_18, %mul3A : vector<1000x128xf32>
    %slice3A = vector.extract_strided_slice %mul3A_19 {offsets = [0, 0], sizes = [1000, 64], strides = [1, 1]} : vector<1000x128xf32> to vector<1000x64xf32>
    %swap3A = arith.constant 0 : index
    %swap3A_20 = arith.constant 0 : index
    %swap3A_21 = arith.constant 0 : index
    %swap3A_22 = vector.load %arg4[%swap3A, %swap3A_20, %swap3A_21] : memref<2x1000x64xf32, #tpu.memory_space<vmem>>, vector<1x1000x64xf32>
    %swap3A_23 = vector.shape_cast %swap3A_22 : vector<1x1000x64xf32> to vector<1000x64xf32>
    %swap3A_24 = vector.shape_cast %slice3A : vector<1000x64xf32> to vector<1x1000x64xf32>
    tpu.vector_store %arg4[%swap3A, %swap3A_20, %swap3A_21], %swap3A_24 {strides = array<i32>} : memref<2x1000x64xf32, #tpu.memory_space<vmem>>, vector<1x1000x64xf32>,
    %slice3A_25 = vector.extract_strided_slice %mul3A_19 {offsets = [0, 64], sizes = [1000, 64], strides = [1, 1]} : vector<1000x128xf32> to vector<1000x64xf32>
    %swap3A_26 = arith.constant 1 : index
    %swap3A_27 = arith.constant 0 : index
    %swap3A_28 = arith.constant 0 : index
    %swap3A_29 = vector.load %arg4[%swap3A_26, %swap3A_27, %swap3A_28] : memref<2x1000x64xf32, #tpu.memory_space<vmem>>, vector<1x1000x64xf32>
    %swap3A_30 = vector.shape_cast %swap3A_29 : vector<1x1000x64xf32> to vector<1000x64xf32>
    %swap3A_31 = vector.shape_cast %slice3A_25 : vector<1000x64xf32> to vector<1x1000x64xf32>
    tpu.vector_store %arg4[%swap3A_26, %swap3A_27, %swap3A_28], %swap3A_31 {strides = array<i32>} : memref<2x1000x64xf32, #tpu.memory_space<vmem>>, vector<1x1000x64xf32>,
    return
  }
  func.func @transform_0(%arg0: i32) -> (i32, i32, i32) {
    %c0_i32 = arith.constant 0 : i32
    %c0_i32_0 = arith.constant 0 : i32
    %c0_i32_1 = arith.constant 0 : i32
    return %c0_i32, %arg0, %c0_i32_0 : i32, i32, i32
  }
  func.func @transform_1(%arg0: i32) -> (i32, i32) {
    %c0_i32 = arith.constant 0 : i32
    %c0_i32_0 = arith.constant 0 : i32
    return %arg0, %c0_i32 : i32, i32
  }
  func.func @transform_2(%arg0: i32) -> (i32, i32) {
    %c0_i32 = arith.constant 0 : i32
    %c0_i32_0 = arith.constant 0 : i32
    %c0_i32_1 = arith.constant 0 : i32
    return %c0_i32, %c0_i32_0 : i32, i32
  }
  func.func @transform_3(%arg0: i32) -> (i32, i32, i32) {
    %c0_i32 = arith.constant 0 : i32
    %c0_i32_0 = arith.constant 0 : i32
    %c0_i32_1 = arith.constant 0 : i32
    return %c0_i32, %arg0, %c0_i32_0 : i32, i32, i32
  }
}

module attributes {stable_mosaic.version = 14 : i64} {
  func.func @_dense2_body(%arg0: i32, %arg1: memref<2x1000x1xf32, #tpu.memory_space<vmem>>, %arg2: memref<2x1000x64xf32, #tpu.memory_space<vmem>>, %arg3: memref<2x1000x64xf32, #tpu.memory_space<vmem>>, %arg4: memref<1x128xf32, #tpu.memory_space<vmem>>, %arg5: memref<1x128xf32, #tpu.memory_space<vmem>>, %arg6: memref<1x128xf32, #tpu.memory_space<vmem>>, %arg7: memref<128x128xf32, #tpu.memory_space<vmem>>, %arg8: memref<2x1000x64xf32, #tpu.memory_space<vmem>>) attributes {dimension_semantics = [#tpu.dimension_semantics<arbitrary>], iteration_bounds = array<i64: 10>, scalar_prefetch = 0 : i64, scratch_operands = 0 : i64, tpu.core_type = #tpu.core_type<tc>, window_params = [{transform_indices = @transform_0, window_bounds = array<i64: 2, 1000, 1>}, {transform_indices = @transform_1, window_bounds = array<i64: 2, 1000, 64>}, {transform_indices = @transform_2, window_bounds = array<i64: 2, 1000, 64>}, {pipeline_mode = #tpu.pipeline_mode<synchronous>, transform_indices = @transform_3, window_bounds = array<i64: 1, 128>}, {pipeline_mode = #tpu.pipeline_mode<synchronous>, transform_indices = @transform_4, window_bounds = array<i64: 1, 128>}, {pipeline_mode = #tpu.pipeline_mode<synchronous>, transform_indices = @transform_5, window_bounds = array<i64: 1, 128>}, {pipeline_mode = #tpu.pipeline_mode<synchronous>, transform_indices = @transform_6, window_bounds = array<i64: 128, 128>}, {transform_indices = @transform_7, window_bounds = array<i64: 2, 1000, 64>}]} {
    %get3A = arith.constant 0 : index
    %get3A_0 = arith.constant 0 : index
    %get3A_1 = arith.constant 0 : index
    %get3A_2 = vector.load %arg1[%get3A, %get3A_0, %get3A_1] : memref<2x1000x1xf32, #tpu.memory_space<vmem>>, vector<1x1000x1xf32>
    %get3A_3 = vector.shape_cast %get3A_2 : vector<1x1000x1xf32> to vector<1000x1xf32>
    %get3A_4 = arith.constant 1 : index
    %get3A_5 = arith.constant 0 : index
    %get3A_6 = arith.constant 0 : index
    %get3A_7 = vector.load %arg1[%get3A_4, %get3A_5, %get3A_6] : memref<2x1000x1xf32, #tpu.memory_space<vmem>>, vector<1x1000x1xf32>
    %get3A_8 = vector.shape_cast %get3A_7 : vector<1x1000x1xf32> to vector<1000x1xf32>
    %add3A = arith.addf %get3A_3, %get3A_8 : vector<1000x1xf32>
    %add3A_9 = arith.constant 1.000000e+00 : f32
    %add3A_10 = vector.broadcast %add3A_9 : f32 to vector<1000x1xf32>
    %add3A_11 = arith.addf %add3A, %add3A_10 : vector<1000x1xf32>
    %rsqrt3A = math.rsqrt %add3A_11 : vector<1000x1xf32>
    %get3A_12 = arith.constant 0 : index
    %get3A_13 = arith.constant 0 : index
    %get3A_14 = arith.constant 0 : index
    %get3A_15 = vector.load %arg2[%get3A_12, %get3A_13, %get3A_14] : memref<2x1000x64xf32, #tpu.memory_space<vmem>>, vector<1x1000x64xf32>
    %get3A_16 = vector.shape_cast %get3A_15 : vector<1x1000x64xf32> to vector<1000x64xf32>
    %get3A_17 = arith.constant 0 : index
    %get3A_18 = arith.constant 0 : index
    %get3A_19 = arith.constant 0 : index
    %get3A_20 = vector.load %arg3[%get3A_17, %get3A_18, %get3A_19] : memref<2x1000x64xf32, #tpu.memory_space<vmem>>, vector<1x1000x64xf32>
    %get3A_21 = vector.shape_cast %get3A_20 : vector<1x1000x64xf32> to vector<1000x64xf32>
    %add3A_22 = arith.addf %get3A_16, %get3A_21 : vector<1000x64xf32>
    %get3A_23 = arith.constant 1 : index
    %get3A_24 = arith.constant 0 : index
    %get3A_25 = arith.constant 0 : index
    %get3A_26 = vector.load %arg2[%get3A_23, %get3A_24, %get3A_25] : memref<2x1000x64xf32, #tpu.memory_space<vmem>>, vector<1x1000x64xf32>
    %get3A_27 = vector.shape_cast %get3A_26 : vector<1x1000x64xf32> to vector<1000x64xf32>
    %get3A_28 = arith.constant 1 : index
    %get3A_29 = arith.constant 0 : index
    %get3A_30 = arith.constant 0 : index
    %get3A_31 = vector.load %arg3[%get3A_28, %get3A_29, %get3A_30] : memref<2x1000x64xf32, #tpu.memory_space<vmem>>, vector<1x1000x64xf32>
    %get3A_32 = vector.shape_cast %get3A_31 : vector<1x1000x64xf32> to vector<1000x64xf32>
    %add3A_33 = arith.addf %get3A_27, %get3A_32 : vector<1000x64xf32>
    %concatenate3A = tpu.concatenate %add3A_22, %add3A_33 in 1 : vector<1000x64xf32>, vector<1000x64xf32> -> vector<1000x128xf32>
    %mul3A = vector.broadcast %rsqrt3A : vector<1000x1xf32> to vector<1000x128xf32>
    %mul3A_34 = arith.mulf %concatenate3A, %mul3A : vector<1000x128xf32>
    %get3A_35 = arith.constant 0 : index
    %get3A_36 = arith.constant 0 : index
    %get3A_37 = vector.load %arg4[%get3A_35, %get3A_36] : memref<1x128xf32, #tpu.memory_space<vmem>>, vector<1x128xf32>
    %add3A_38 = vector.broadcast %get3A_37 : vector<1x128xf32> to vector<1000x128xf32>
    %add3A_39 = arith.addf %mul3A_34, %add3A_38 : vector<1000x128xf32>
    %get3A_40 = arith.constant 0 : index
    %get3A_41 = arith.constant 0 : index
    %get3A_42 = vector.load %arg5[%get3A_40, %get3A_41] : memref<1x128xf32, #tpu.memory_space<vmem>>, vector<1x128xf32>
    %mul3A_43 = arith.constant 0.999994993 : f32
    %mul3A_44 = vector.broadcast %mul3A_43 : f32 to vector<1x128xf32>
    %mul3A_45 = arith.mulf %get3A_42, %mul3A_44 : vector<1x128xf32>
    %mul3A_46 = vector.broadcast %mul3A_45 : vector<1x128xf32> to vector<1000x128xf32>
    %mul3A_47 = arith.mulf %add3A_39, %mul3A_46 : vector<1000x128xf32>
    %get3A_48 = arith.constant 0 : index
    %get3A_49 = arith.constant 0 : index
    %get3A_50 = vector.load %arg6[%get3A_48, %get3A_49] : memref<1x128xf32, #tpu.memory_space<vmem>>, vector<1x128xf32>
    %add3A_51 = vector.broadcast %get3A_50 : vector<1x128xf32> to vector<1000x128xf32>
    %add3A_52 = arith.addf %mul3A_47, %add3A_51 : vector<1000x128xf32>
    %max3A = arith.constant 0.000000e+00 : f32
    %max3A_53 = vector.broadcast %max3A : f32 to vector<1000x128xf32>
    %max3A_54 = arith.maximumf %add3A_52, %max3A_53 : vector<1000x128xf32>
    %get3A_55 = arith.constant 0 : index
    %get3A_56 = arith.constant 0 : index
    %get3A_57 = vector.load %arg7[%get3A_55, %get3A_56] : memref<128x128xf32, #tpu.memory_space<vmem>>, vector<128x128xf32>
    %dot_general3A = arith.constant dense<0.000000e+00> : vector<1000x128xf32>
    %dot_general3A_58 = tpu.matmul %max3A_54, %get3A_57, %dot_general3A {dimension_numbers = #tpu.dot_dimension_numbers<[1], [0], [0], [1], [0, 0, 1, 1], [], []>, transpose_lhs_hint = false} : vector<1000x128xf32>, vector<128x128xf32>, vector<1000x128xf32> -> vector<1000x128xf32>
    %mul3A_59 = vector.broadcast %rsqrt3A : vector<1000x1xf32> to vector<1000x128xf32>
    %mul3A_60 = arith.mulf %dot_general3A_58, %mul3A_59 : vector<1000x128xf32>
    %slice3A = vector.extract_strided_slice %mul3A_60 {offsets = [0, 0], sizes = [1000, 64], strides = [1, 1]} : vector<1000x128xf32> to vector<1000x64xf32>
    %swap3A = arith.constant 0 : index
    %swap3A_61 = arith.constant 0 : index
    %swap3A_62 = arith.constant 0 : index
    %swap3A_63 = vector.load %arg8[%swap3A, %swap3A_61, %swap3A_62] : memref<2x1000x64xf32, #tpu.memory_space<vmem>>, vector<1x1000x64xf32>
    %swap3A_64 = vector.shape_cast %swap3A_63 : vector<1x1000x64xf32> to vector<1000x64xf32>
    %swap3A_65 = vector.shape_cast %slice3A : vector<1000x64xf32> to vector<1x1000x64xf32>
    tpu.vector_store %arg8[%swap3A, %swap3A_61, %swap3A_62], %swap3A_65 {strides = array<i32>} : memref<2x1000x64xf32, #tpu.memory_space<vmem>>, vector<1x1000x64xf32>,
    %slice3A_66 = vector.extract_strided_slice %mul3A_60 {offsets = [0, 64], sizes = [1000, 64], strides = [1, 1]} : vector<1000x128xf32> to vector<1000x64xf32>
    %swap3A_67 = arith.constant 1 : index
    %swap3A_68 = arith.constant 0 : index
    %swap3A_69 = arith.constant 0 : index
    %swap3A_70 = vector.load %arg8[%swap3A_67, %swap3A_68, %swap3A_69] : memref<2x1000x64xf32, #tpu.memory_space<vmem>>, vector<1x1000x64xf32>
    %swap3A_71 = vector.shape_cast %swap3A_70 : vector<1x1000x64xf32> to vector<1000x64xf32>
    %swap3A_72 = vector.shape_cast %slice3A_66 : vector<1000x64xf32> to vector<1x1000x64xf32>
    tpu.vector_store %arg8[%swap3A_67, %swap3A_68, %swap3A_69], %swap3A_72 {strides = array<i32>} : memref<2x1000x64xf32, #tpu.memory_space<vmem>>, vector<1x1000x64xf32>,
    return
  }
  func.func @transform_0(%arg0: i32) -> (i32, i32, i32) {
    %c0_i32 = arith.constant 0 : i32
    %c0_i32_0 = arith.constant 0 : i32
    %c0_i32_1 = arith.constant 0 : i32
    return %c0_i32, %arg0, %c0_i32_0 : i32, i32, i32
  }
  func.func @transform_1(%arg0: i32) -> (i32, i32, i32) {
    %c0_i32 = arith.constant 0 : i32
    %c0_i32_0 = arith.constant 0 : i32
    %c0_i32_1 = arith.constant 0 : i32
    return %c0_i32, %arg0, %c0_i32_0 : i32, i32, i32
  }
  func.func @transform_2(%arg0: i32) -> (i32, i32, i32) {
    %c0_i32 = arith.constant 0 : i32
    %c0_i32_0 = arith.constant 0 : i32
    %c0_i32_1 = arith.constant 0 : i32
    return %c0_i32, %arg0, %c0_i32_0 : i32, i32, i32
  }
  func.func @transform_3(%arg0: i32) -> (i32, i32) {
    %c0_i32 = arith.constant 0 : i32
    %c0_i32_0 = arith.constant 0 : i32
    %c0_i32_1 = arith.constant 0 : i32
    return %c0_i32, %c0_i32_0 : i32, i32
  }
  func.func @transform_4(%arg0: i32) -> (i32, i32) {
    %c0_i32 = arith.constant 0 : i32
    %c0_i32_0 = arith.constant 0 : i32
    %c0_i32_1 = arith.constant 0 : i32
    return %c0_i32, %c0_i32_0 : i32, i32
  }
  func.func @transform_5(%arg0: i32) -> (i32, i32) {
    %c0_i32 = arith.constant 0 : i32
    %c0_i32_0 = arith.constant 0 : i32
    %c0_i32_1 = arith.constant 0 : i32
    return %c0_i32, %c0_i32_0 : i32, i32
  }
  func.func @transform_6(%arg0: i32) -> (i32, i32) {
    %c0_i32 = arith.constant 0 : i32
    %c0_i32_0 = arith.constant 0 : i32
    %c0_i32_1 = arith.constant 0 : i32
    return %c0_i32, %c0_i32_0 : i32, i32
  }
  func.func @transform_7(%arg0: i32) -> (i32, i32, i32) {
    %c0_i32 = arith.constant 0 : i32
    %c0_i32_0 = arith.constant 0 : i32
    %c0_i32_1 = arith.constant 0 : i32
    return %c0_i32, %arg0, %c0_i32_0 : i32, i32, i32
  }
}

module attributes {stable_mosaic.version = 14 : i64} {
  func.func @_dense3_body(%arg0: i32, %arg1: memref<2x1000x1xf32, #tpu.memory_space<vmem>>, %arg2: memref<2x1000x64xf32, #tpu.memory_space<vmem>>, %arg3: memref<2x1000x64xf32, #tpu.memory_space<vmem>>, %arg4: memref<1x128xf32, #tpu.memory_space<vmem>>, %arg5: memref<1000x128xf32, #tpu.memory_space<vmem>>) attributes {dimension_semantics = [#tpu.dimension_semantics<arbitrary>], iteration_bounds = array<i64: 10>, scalar_prefetch = 0 : i64, scratch_operands = 0 : i64, tpu.core_type = #tpu.core_type<tc>, window_params = [{transform_indices = @transform_0, window_bounds = array<i64: 2, 1000, 1>}, {transform_indices = @transform_1, window_bounds = array<i64: 2, 1000, 64>}, {transform_indices = @transform_2, window_bounds = array<i64: 2, 1000, 64>}, {pipeline_mode = #tpu.pipeline_mode<synchronous>, transform_indices = @transform_3, window_bounds = array<i64: 1, 128>}, {transform_indices = @transform_4, window_bounds = array<i64: 1000, 128>}]} {
    %get3A = arith.constant 0 : index
    %get3A_0 = arith.constant 0 : index
    %get3A_1 = arith.constant 0 : index
    %get3A_2 = vector.load %arg1[%get3A, %get3A_0, %get3A_1] : memref<2x1000x1xf32, #tpu.memory_space<vmem>>, vector<1x1000x1xf32>
    %get3A_3 = vector.shape_cast %get3A_2 : vector<1x1000x1xf32> to vector<1000x1xf32>
    %get3A_4 = arith.constant 1 : index
    %get3A_5 = arith.constant 0 : index
    %get3A_6 = arith.constant 0 : index
    %get3A_7 = vector.load %arg1[%get3A_4, %get3A_5, %get3A_6] : memref<2x1000x1xf32, #tpu.memory_space<vmem>>, vector<1x1000x1xf32>
    %get3A_8 = vector.shape_cast %get3A_7 : vector<1x1000x1xf32> to vector<1000x1xf32>
    %add3A = arith.addf %get3A_3, %get3A_8 : vector<1000x1xf32>
    %add3A_9 = arith.constant 1.000000e+00 : f32
    %add3A_10 = vector.broadcast %add3A_9 : f32 to vector<1000x1xf32>
    %add3A_11 = arith.addf %add3A, %add3A_10 : vector<1000x1xf32>
    %rsqrt3A = math.rsqrt %add3A_11 : vector<1000x1xf32>
    %get3A_12 = arith.constant 0 : index
    %get3A_13 = arith.constant 0 : index
    %get3A_14 = arith.constant 0 : index
    %get3A_15 = vector.load %arg2[%get3A_12, %get3A_13, %get3A_14] : memref<2x1000x64xf32, #tpu.memory_space<vmem>>, vector<1x1000x64xf32>
    %get3A_16 = vector.shape_cast %get3A_15 : vector<1x1000x64xf32> to vector<1000x64xf32>
    %get3A_17 = arith.constant 0 : index
    %get3A_18 = arith.constant 0 : index
    %get3A_19 = arith.constant 0 : index
    %get3A_20 = vector.load %arg3[%get3A_17, %get3A_18, %get3A_19] : memref<2x1000x64xf32, #tpu.memory_space<vmem>>, vector<1x1000x64xf32>
    %get3A_21 = vector.shape_cast %get3A_20 : vector<1x1000x64xf32> to vector<1000x64xf32>
    %add3A_22 = arith.addf %get3A_16, %get3A_21 : vector<1000x64xf32>
    %get3A_23 = arith.constant 1 : index
    %get3A_24 = arith.constant 0 : index
    %get3A_25 = arith.constant 0 : index
    %get3A_26 = vector.load %arg2[%get3A_23, %get3A_24, %get3A_25] : memref<2x1000x64xf32, #tpu.memory_space<vmem>>, vector<1x1000x64xf32>
    %get3A_27 = vector.shape_cast %get3A_26 : vector<1x1000x64xf32> to vector<1000x64xf32>
    %get3A_28 = arith.constant 1 : index
    %get3A_29 = arith.constant 0 : index
    %get3A_30 = arith.constant 0 : index
    %get3A_31 = vector.load %arg3[%get3A_28, %get3A_29, %get3A_30] : memref<2x1000x64xf32, #tpu.memory_space<vmem>>, vector<1x1000x64xf32>
    %get3A_32 = vector.shape_cast %get3A_31 : vector<1x1000x64xf32> to vector<1000x64xf32>
    %add3A_33 = arith.addf %get3A_27, %get3A_32 : vector<1000x64xf32>
    %concatenate3A = tpu.concatenate %add3A_22, %add3A_33 in 1 : vector<1000x64xf32>, vector<1000x64xf32> -> vector<1000x128xf32>
    %mul3A = vector.broadcast %rsqrt3A : vector<1000x1xf32> to vector<1000x128xf32>
    %mul3A_34 = arith.mulf %concatenate3A, %mul3A : vector<1000x128xf32>
    %get3A_35 = arith.constant 0 : index
    %get3A_36 = arith.constant 0 : index
    %get3A_37 = vector.load %arg4[%get3A_35, %get3A_36] : memref<1x128xf32, #tpu.memory_space<vmem>>, vector<1x128xf32>
    %add3A_38 = vector.broadcast %get3A_37 : vector<1x128xf32> to vector<1000x128xf32>
    %add3A_39 = arith.addf %mul3A_34, %add3A_38 : vector<1000x128xf32>
    %swap3A = arith.constant 0 : index
    %swap3A_40 = arith.constant 0 : index
    %swap3A_41 = vector.load %arg5[%swap3A, %swap3A_40] : memref<1000x128xf32, #tpu.memory_space<vmem>>, vector<1000x128xf32>
    tpu.vector_store %arg5[%swap3A, %swap3A_40], %add3A_39 {strides = array<i32>} : memref<1000x128xf32, #tpu.memory_space<vmem>>, vector<1000x128xf32>,
    return
  }
  func.func @transform_0(%arg0: i32) -> (i32, i32, i32) {
    %c0_i32 = arith.constant 0 : i32
    %c0_i32_0 = arith.constant 0 : i32
    %c0_i32_1 = arith.constant 0 : i32
    return %c0_i32, %arg0, %c0_i32_0 : i32, i32, i32
  }
  func.func @transform_1(%arg0: i32) -> (i32, i32, i32) {
    %c0_i32 = arith.constant 0 : i32
    %c0_i32_0 = arith.constant 0 : i32
    %c0_i32_1 = arith.constant 0 : i32
    return %c0_i32, %arg0, %c0_i32_0 : i32, i32, i32
  }
  func.func @transform_2(%arg0: i32) -> (i32, i32, i32) {
    %c0_i32 = arith.constant 0 : i32
    %c0_i32_0 = arith.constant 0 : i32
    %c0_i32_1 = arith.constant 0 : i32
    return %c0_i32, %arg0, %c0_i32_0 : i32, i32, i32
  }
  func.func @transform_3(%arg0: i32) -> (i32, i32) {
    %c0_i32 = arith.constant 0 : i32
    %c0_i32_0 = arith.constant 0 : i32
    %c0_i32_1 = arith.constant 0 : i32
    return %c0_i32, %c0_i32_0 : i32, i32
  }
  func.func @transform_4(%arg0: i32) -> (i32, i32) {
    %c0_i32 = arith.constant 0 : i32
    %c0_i32_0 = arith.constant 0 : i32
    return %arg0, %c0_i32 : i32, i32
  }
}

</mosaic_0001>

<sc_bundles>
// kernel: kernel.11.cloned.1.call-start
scs
__scs_entry_jumppad:
0x0: {  	(pc) =	sbr.rel $0x88, $3  }
0x1: {  	(tag) =	ssettag $0x0;
	lr =	simm.s32 $0x1  }
0x2: {  	[smem:$0x3F99] =	sst lr;
	_ =	strace $0xD0000000  }
0x3: {  	_ = 	snop  }
0x4: {  	_ = 	snop  }
0x5: {  	_ = 	snop  }
0x6: {  	_ = 	snop  }
0x7: {  	_ = 	snop  }
__scs_overlays_trampoline_lowered:
0x8: {  	[smem:$0x3FA8] =	sst s0  }
0x9: {  	[smem:$0x3FA9] =	sst s1  }
0xa: {  	[smem:$0x3FAA] =	sst s2  }
0xb: {  	[smem:$0x3FAB] =	sst s3  }
0xc: {  	[smem:$0x3FAC] =	sst s4  }
0xd: {  	[smem:$0x3FAD] =	sst s5  }
0xe: {  	[smem:$0x3FAE] =	sst s6  }
0xf: {  	[smem:$0x3FAF] =	sst s7  }
0x10: {  	[smem:$0x3FB0] =	sst s8  }
0x11: {  	[smem:$0x3FB1] =	sst s9;
	s0 =	simm.s32 @!p0 $0x0  }
0x12: {  	s1 =	sld [smem:$0x3F97];
	s0 =	simm.s32 @p0 $0x1  }
0x13: {  	[smem:$0x3FB2] =	sst s0;
	s0 =	simm.s32 @!p1 $0x0  }
0x14: {  	s2 =	sld [smem:$0x3F96];
	s0 =	simm.s32 @p1 $0x1  }
0x15: {  	[smem:$0x3FB3] =	sst s0;
	s0 =	simm.s32 @!p2 $0x0  }
0x16: {  	s3 =	sld [smem:$0x3FDB];
	s0 =	simm.s32 @p2 $0x1  }
0x17: {  	s4 =	simm.s32 $0x1BF5;
	[smem:$0x3FB5] =	sst s0  }
0x18: {  	s0 =	sld [smem:$0x3F98];
	_ =	swait.ge [sflag:s4], $0x0  }
0x19: {  	s7 =	sld [smem:$0x3F99]  }
0x1a: {  	s8 =	sadd.s32 $0xFFFFE003, lr  }
0x1b: {  	s9 =	sadd.s32 $0xFFFFFEF7, lr;
	s5 =	simm.s32 $0xFFFFFFFF;
	p2 =	slt.u32 s8, $0xFFFFF086  }
0x1c: {  	p1 =	slt.u32 s9, $0xF7A;
	s5 =	simm.s32 @!p2 $0x0  }
0x1d: {  	s5 =	simm.s32 @p1 $0x1;
	p0 =	seq.s32 s7, s2  }
0x1e: {  	s7 =	smul.u32 @!p0 $0xF7A, s2;
	p2 =	seq.s32 @!p0 s5, $0x0  }
0x1f: {  	s9 =	smul.u32 $0xF7A, s1;
	s8 =	simm.s32 @!p0 $0x1BF5;
	p2 =	por !p2, p0  }
0x20: {  	[sflag:s8] =	ssyncset.s32 @!p0 $0xFFFFF086;
	s6 =	sadd.s32 @!p0 s3, s7;
	s7 =	simm.s32 @!p0 $0x108  }
0x21: {  	s3 =	sadd.s32 s3, s9;
	s6 =	sadd.s32 @!p0 $0x88, s6;
	s7 =	simm.s32 @p2 $0x1082  }
0x22: {  	[simem:s7], [sflag:s8] =	dma.local @!p0 [hbm:s6], $0xF7A  }
0x23: {  	s9 =	sor.u32 $0xD0000000, s2;
	s6 =	simm.s32 $0x108;
	_ =	swait.ge @!p0 [sflag:s8], $0x0  }
0x24: {  	s3 =	sadd.s32 $0x88, s3;
	s6 =	simm.s32 @!p1 $0x1082;
	[sflag:s4] =	ssyncset.s32 $0xFFFFF086  }
0x25: {  	[simem:s6], [sflag:s4] =	dma.local [hbm:s3], $0xF7A  }
0x26: {  	[smem:$0x3F99] =	sst s1;
	(tag) =	ssettag s2;
	_ =	strace s9  }
0x27: {  	s1 =	sld [smem:$0x3FA9]  }
0x28: {  	s2 =	sld [smem:$0x3FAA]  }
0x29: {  	s4 =	sld [smem:$0x3FAC]  }
0x2a: {  	p0 =	seq.s32 s5, $0x0;
	s5 =	sld [smem:$0x3FAD]  }
0x2b: {  	s6 =	sld [smem:$0x3FAE]  }
0x2c: {  	s7 =	sld [smem:$0x3FAF]  }
0x2d: {  	s3 =	simm.s32 $0x108;
	s8 =	sld [smem:$0x3FB0]  }
0x2e: {  	s3 =	simm.s32 @!p0 $0x1082;
	s9 =	sld [smem:$0x3FB1]  }
0x2f: {  	lr =	sadd.s32 s0, s3;
	s0 =	sld [smem:$0x3FA8]  }
0x30: {  	s3 =	sld [smem:$0x3FAB]  }
0x31: {  	[smem:$0x3FB4] =	sst s10  }
0x32: {  	s10 =	sld [smem:$0x3FB2];
	_ =	sdelay $0x3  }
0x33: {  	p0 =	seq.s32 s10, $0x1;
	s10 =	sld [smem:$0x3FB4];
	_ =	sdelay $0x3  }
0x34: {  	[smem:$0x3FB4] =	sst s10  }
0x35: {  	s10 =	sld [smem:$0x3FB3];
	_ =	sdelay $0x3  }
0x36: {  	p1 =	seq.s32 s10, $0x1;
	s10 =	sld [smem:$0x3FB4];
	_ =	sdelay $0x3  }
0x37: {  	[smem:$0x3FB4] =	sst s10  }
0x38: {  	s10 =	sld [smem:$0x3FB5]  }
0x39: {  	_ = 	snop;
	(pc) =	sbr.ind lr, $3  }
0x3a: {  	_ = 	snop  }
0x3b: {  	_ = 	snop  }
0x3c: {  	p2 =	seq.s32 s10, $0x1;
	s10 =	sld [smem:$0x3FB4]  }
0x3d: {  	_ =	shalt  }
0x3e: {  	_ =	shalt  }
0x3f: {  	_ =	shalt  }
0x40: {  	_ =	shalt  }
0x41: {  	_ =	shalt  }
0x42: {  	_ =	shalt  }
0x43: {  	_ =	shalt  }
0x44: {  	_ =	shalt  }
0x45: {  	_ =	shalt  }
0x46: {  	_ =	shalt  }
0x47: {  	_ =	shalt  }
0x48: {  	_ =	shalt  }
0x49: {  	_ =	shalt  }
0x4a: {  	_ =	shalt  }
0x4b: {  	_ =	shalt  }
0x4c: {  	_ =	shalt  }
0x4d: {  	_ =	shalt  }
0x4e: {  	_ =	shalt  }
0x4f: {  	_ =	shalt  }
0x50: {  	_ =	shalt  }
0x51: {  	_ =	shalt  }
0x52: {  	_ =	shalt  }
0x53: {  	_ =	shalt  }
0x54: {  	_ =	shalt  }
0x55: {  	_ =	shalt  }
0x56: {  	_ =	shalt  }
0x57: {  	_ =	shalt  }
0x58: {  	_ =	shalt  }
0x59: {  	_ =	shalt  }
0x5a: {  	_ =	shalt  }
0x5b: {  	_ =	shalt  }
0x5c: {  	_ =	shalt  }
0x5d: {  	_ =	shalt  }
0x5e: {  	_ =	shalt  }
0x5f: {  	_ =	shalt  }
0x60: {  	_ =	shalt  }
0x61: {  	_ =	shalt  }
0x62: {  	_ =	shalt  }
0x63: {  	_ =	shalt  }
0x64: {  	_ =	shalt  }
0x65: {  	_ =	shalt  }
0x66: {  	_ =	shalt  }
0x67: {  	_ =	shalt  }
0x68: {  	_ =	shalt  }
0x69: {  	_ =	shalt  }
0x6a: {  	_ =	shalt  }
0x6b: {  	_ =	shalt  }
0x6c: {  	_ =	shalt  }
0x6d: {  	_ =	shalt  }
0x6e: {  	_ =	shalt  }
0x6f: {  	_ =	shalt  }
0x70: {  	_ =	shalt  }
0x71: {  	_ =	shalt  }
0x72: {  	_ =	shalt  }
0x73: {  	_ =	shalt  }
0x74: {  	_ =	shalt  }
0x75: {  	_ =	shalt  }
0x76: {  	_ =	shalt  }
0x77: {  	_ =	shalt  }
0x78: {  	_ =	shalt  }
0x79: {  	_ =	shalt  }
0x7a: {  	_ =	shalt  }
0x7b: {  	_ =	shalt  }
0x7c: {  	_ =	shalt  }
0x7d: {  	_ =	shalt  }
0x7e: {  	_ =	shalt  }
0x7f: {  	_ =	shalt  }
0x80: {  	_ =	shalt  }
0x81: {  	_ =	shalt  }
0x82: {  	_ =	shalt  }
0x83: {  	_ =	shalt  }
0x84: {  	_ =	shalt  }
0x85: {  	_ =	shalt  }
0x86: {  	_ =	shalt  }
0x87: {  	_ =	shalt  }
.Lfunc_end0:
.L_simem_size_0:
called_computation.1_lowered:
.L_overlay_start_0:
0x88: {  	s2 =	sld [smem:$0x3FD9]  }
0x89: {  	s3 =	sld [smem:$0x3FFE];
	_ =	sdelay $0x1  }
0x8a: {  	s1 =	srdreg.scid  }
0x8b: {  	s0 =	sand.u32 $0x1, s1  }
0x8c: {  	s17 =	sshll.u32 s0, $0xA;
	s2 =	sadd.s32 s3, s2  }
0x8d: {  	s2 =	sadd.s32 s2, s17  }
0x8e: {  	[smem:$0x3FC0] =	sst s2  }
0x8f: {  	_ = 	snop  }
0x90: {  	s2 =	sld [smem:$0x3FD0];
	(tm) =	ssettm $0x1  }
0x91: {  	s18 =	sld [smem:$0x3FFB];
	_ =	sdelay $0x3  }
0x92: {  	_ =	strace s18  }
0x93: {  	s3 =	sld [smem:$0x3FFC];
	_ =	sdelay $0x3  }
0x94: {  	_ =	strace s3  }
0x95: {  	s3 =	sld [smem:$0x3FFD];
	_ =	sdelay $0x3  }
0x96: {  	_ =	strace s3  }
0x97: {  	_ =	strace $0x8FFFFFFF  }
0x98: {  	s19 =	sld [smem:$0x3FDB];
	_ =	sdelay $0x1  }
0x99: {  	s4 =	simm.s32 $_scs_section_size  }
0x9a: {  	s5 =	simm.s32 $_size__tile_overlayer_lowered;
	s6 =	simm.s32 $_tile_overlayer_lowered  }
0x9b: {  	s22 =	simm.s32 $0x1BFF;
	s21 =	sshll.u32 s6, $0x1;
	s3 =	sadd.s32 s4, s19  }
0x9c: {  	s7 =	simm.s32 $0x0;
	s20 =	sshll.u32 s5, $0x1;
	s5 =	sadd.s32 s21, s3  }
0x9d: {  	[timem:s7], [sflag:s22] =	dma.local [hbm:s5], s20  }
0x9e: {  	_ =	swait.ge [sflag:s22], s20  }
0x9f: {  	s4 =	ssub.s32 $0x0, s20;
	[sflag:s22] =	ssyncset.done $0x0  }
0xa0: {  	[sflag:s22] =	ssyncadd.s32 s4;
	_ =	sdelay $0x1  }
0xa1: {  	s23 =	simm.s32 $0x1B8B  }
0xa2: {  	_ =	swait.ge [sflag:s23], $0x1  }
0xa3: {  	[sflag:s23] =	ssyncset.done $0x0  }
0xa4: {  	s25 =	simm.s32 $0x1B8E;
	s24 =	sld [smem:$0x3FFE];
	[sflag:s23] =	ssyncadd.s32 $0xFFFFFFFF  }
0xa5: {  	s26 =	simm.s32 $execute0_lowered;
	[smem:$0x3FD2] =	sst s25  }
0xa6: {  	s5 =	sshll.u32 s26, $0x1;
	_ =	strace $0x80000049;
	[dreg:$0x1] =	wrdreg $0xFFFFFFFF  }
0xa7: {  	s28 =	simm.s32 $_size_execute0_lowered;
	s3 =	sadd.s32 s3, s5;
	[dreg:$0x0] =	wrdreg $0x0  }
0xa8: {  	s5 =	sshll.u32 s28, $0x1;
	[dreg:$0x2] =	wrdreg s3  }
0xa9: {  	[dreg:$0x3] =	wrdreg s5  }
0xaa: {  	[dreg:$0x4] =	wrdreg $0xC0  }
0xab: {  	_ =	task [dreg:s7], $0x5FFFF  }
0xac: {  	[dreg:$0x1] =	wrdreg $0xFFFFFFFF  }
0xad: {  	[dreg:$0x0] =	wrdreg $0x60  }
0xae: {  	[dreg:$0x2] =	wrdreg s2  }
0xaf: {  	[dreg:$0x3] =	wrdreg s24  }
0xb0: {  	[dreg:$0x4] =	wrdreg $0xDF000  }
0xb1: {  	[dreg:$0x5] =	wrdreg $0x9  }
0xb2: {  	_ =	task.clear_ibuf [dreg:s7], $0x6FFFF;
	_ =	strace $0x90000049  }
0xb3: {  	s29 =	simm.s32 $0x9;
	_ =	strace $0x8000004B  }
0xb4: {  	_ =	swait.ge [sflag:s29], $0x1  }
0xb5: {  	[sflag:s29] =	ssyncadd.s32 $0xFFFFFFFF  }
0xb6: {  	_ =	strace $0x9000004B  }
0xb7: {  	_ =	sfence  }
0xb8: {  	s30 =	sld [smem:$0x0];
	_ =	sdelay $0x2  }
0xb9: {  	s31 =	sshll.u32 s1, $0xD;
	s1 =	sshrl.u32 s1, $0x2  }
0xba: {  	s3 =	sand.u32 $0x4000, s31;
	s1 =	sadd.s32 s1, s30  }
0xbb: {  	s0 =	sor.u32 s3, s0;
	s1 =	sshll.u32 s1, $0x11  }
0xbc: {  	s0 =	sor.u32 s1, s0  }
0xbd: {  	s0 =	sadd.s32 $0x8F2B, s0  }
0xbe: {  	[sflag:s0] =	ssyncadd.remote.s32 $0x1  }
0xbf: {  	_ =	sfence.sel $0xFFFF  }
0xc0: {  	[dreg:$0x0] =	wrdreg $0xFFFFFFFF;
	(pc) =	sbr.abs _section_cstart, $3  }
0xc1: {  	[dreg:$0x1] =	wrdreg $0xFFFFFFFF  }
0xc2: {  	_ =	task.clear_ibuf [dreg:s7], $0x2FFFF;
	_ =	strace $0x9FFFFFFF  }
0xc3: {  	(tm) =	ssettm $0x7FFFFFFF  }
tec
execute0_lowered:
.L_overlay_start_1:
0x0: {  	(tag) =	ssettag $0x1  }
0x1: {  	s1 =	rddreg [dreg:$0x0]  }
0x2: {  	s2 =	srdreg.scid;
	s6 =	rddreg [dreg:$0x1]  }
0x3: {  	s0 =	stileid.u32;
	s3 =	rddreg [dreg:$0x2]  }
0x4: {  	s4 =	simm.s32 $0x0;
	s22 =	simm.s32 $0x80;
	s23 =	simm.s32 $0x1  }
0x5: {  	s24 =	simm.s32 $0xBF00;
	s25 =	simm.s32 $0x9E80;
	s26 =	simm.s32 $0x0  }
0x6: {  	s8 =	sand.u32 $0x1, s2;
	s5 =	smul.u32 $0x4F80, s0;
	s2 =	rddreg [dreg:$0x3]  }
0x7: {  	[smem:$0x7FF] =	sst s4;
	s12 =	smul.u32 $0x9E00, s0;
	s17 =	sadd.s32 $0x70000, s6  }
0x8: {  	s7 =	smul.u32 $0x4F800, s8;
	_ =	strace $0x8000004A;
	s30 =	ssub.s32 $0x2, s8  }
0x9: {  	s19 =	smul.u32 $0x9E000, s8;
	s31 =	sshrl.u32 s30, $0x1;
	s14 =	sadd.s32 $0x2000, s12  }
0xa: {  	s15 =	sadd.s32 $0x4000, s12;
	s16 =	sadd.s32 $0x6000, s12;
	s20 =	sadd.s32 $0x8000, s12  }
0xb: {  	s7 =	sadd.s32 s5, s7;
	s5 =	sshrl.u32 s5, $0x3;
	s18 =	ssub.s32 s30, s31  }
0xc: {  	s8 =	sadd.s32 s15, s3;
	s9 =	sadd.s32 s16, s3;
	s10 =	sadd.s32 s20, s3  }
0xd: {  	s15 =	sadd.s32 s19, s15;
	s16 =	sadd.s32 s19, s16;
	s7 =	sshrl.u32 s7, $0x3  }
0xe: {  	s13 =	sadd.s32 s5, s6;
	s5 =	sadd.s32 $0x2400, s6;
	s15 =	sshrl.u32 s15, $0x3  }
0xf: {  	s16 =	sshrl.u32 s16, $0x3;
	s18 =	smax.u32 s18, $0x1;
	s11 =	sadd.s32 s7, s6  }
0x10: {  	s6 =	sadd.s32 s12, s3;
	s7 =	sadd.s32 s14, s3;
	s12 =	sadd.s32 s12, s19  }
0x11: {  	s14 =	sadd.s32 s19, s14;
	s19 =	sadd.s32 s19, s20;
	s15 =	sadd.s32 s17, s15  }
0x12: {  	s16 =	sadd.s32 s17, s16;
	s20 =	simm.s32 $0x2;
	s11 =	sadd.s32 $0xD200, s11  }
0x13: {  	s21 =	sshrl.u32 s12, $0x3;
	s14 =	sshrl.u32 s14, $0x3;
	s12 =	sadd.s32 $0x3200, s13  }
0x14: {  	s19 =	sshrl.u32 s19, $0x3;
	s13 =	sadd.s32 s17, s21;
	s14 =	sadd.s32 s17, s14  }
0x15: {  	s17 =	sadd.s32 s17, s19;
	s19 =	simm.s32 $0x9F00;
	s21 =	simm.s32 $0x4F80  }
.LBB2_1:
0x16: {  	[tilespmem:s19], [sflag:$0x2] =	stream.linear.gather [hbm4b:s5+s4], $0x2000, $0x38;
	[tilespmem:$0x17D00] =	vst v63  }
0x17: {  	_ =	swait.ge [sflag:s20], $0x2000  }
0x18: {  	[sflag:s20] =	ssyncset.done $0x0  }
0x19: {  	[sflag:s20] =	ssyncadd.s32 $0xFFFFE000  }
0x1a: {  	[spmem:s6] =	stream.linear.scatter [tilespmem:s19], [sflag:$0x2], $0x2000, $0x38;
	[tilespmem:$0x17D00] =	vst v63  }
0x1b: {  	_ =	swait.ge [sflag:s20], $0x2000  }
0x1c: {  	[sflag:s20] =	ssyncset.done $0x0  }
0x1d: {  	[sflag:s20] =	ssyncadd.s32 $0xFFFFE000  }
0x1e: {  	[spmem:s7] =	stream.linear.scatter [tilespmem:s19], [sflag:$0x2], $0x2000, $0x38;
	[tilespmem:$0x17D00] =	vst v63  }
0x1f: {  	_ =	swait.ge [sflag:s20], $0x2000  }
0x20: {  	[sflag:s20] =	ssyncset.done $0x0  }
0x21: {  	[sflag:s20] =	ssyncadd.s32 $0xFFFFE000  }
0x22: {  	[spmem:s8] =	stream.linear.scatter [tilespmem:s19], [sflag:$0x2], $0x2000, $0x38;
	[tilespmem:$0x17D00] =	vst v63  }
0x23: {  	_ =	swait.ge [sflag:s20], $0x2000  }
0x24: {  	[sflag:s20] =	ssyncset.done $0x0  }
0x25: {  	[sflag:s20] =	ssyncadd.s32 $0xFFFFE000  }
0x26: {  	[spmem:s9] =	stream.linear.scatter [tilespmem:s19], [sflag:$0x2], $0x2000, $0x38;
	[tilespmem:$0x17D00] =	vst v63  }
0x27: {  	_ =	swait.ge [sflag:s20], $0x2000  }
0x28: {  	[sflag:s20] =	ssyncset.done $0x0  }
0x29: {  	[sflag:s20] =	ssyncadd.s32 $0xFFFFE000  }
0x2a: {  	[spmem:s10] =	stream.linear.scatter [tilespmem:s19], [sflag:$0x2], $0x1E00, $0x38;
	[tilespmem:$0x17D00] =	vst v63  }
0x2b: {  	_ =	swait.ge [sflag:s20], $0x1E00  }
0x2c: {  	[sflag:s20] =	ssyncset.done $0x0  }
0x2d: {  	[sflag:s20] =	ssyncadd.s32 $0xFFFFE200  }
0x2e: {  	[tilespmem:s4], [sflag:$0x2] =	stream.linear.gather [hbm4b:s11+s4], $0x4F80, $0x38;
	[tilespmem:$0x17D00] =	vst v63  }
0x2f: {  	_ =	swait.ge [sflag:s20], $0x4F80  }
0x30: {  	[sflag:s20] =	ssyncset.done $0x0  }
0x31: {  	[sflag:s20] =	ssyncadd.s32 $0xFFFFB080  }
0x32: {  	[tilespmem:s21], [sflag:$0x2] =	stream.linear.gather [hbm4b:s12+s4], $0x4F80, $0x38;
	[tilespmem:$0x17D00] =	vst v63  }
0x33: {  	_ =	swait.ge [sflag:s20], $0x4F80  }
0x34: {  	[sflag:s20] =	ssyncset.done $0x0  }
0x35: {  	[sflag:s20] =	ssyncadd.s32 $0xFFFFB080  }
0x36: {  	[bflag:$0x0] =	sbarrier.arrive $0xFFFF  }
0x37: {  	[tilespmem:s19], [sflag:$0x1] =	stream.indirect.gather [hbm4b:s1+s22], $0x40, s4, s22, $0xb8;
	[tilespmem:$0x17D00] =	vst v63  }
0x38: {  	_ =	swait.ge [sflag:s23], $0x2000  }
0x39: {  	[sflag:s23] =	ssyncset.done $0x0  }
0x3a: {  	s28 =	simm.s32 $0x80;
	[sflag:s23] =	ssyncadd.s32 $0xFFFFE000  }
0x3b: {  	[tilespmem:s24], [sflag:$0x1] =	stream.indirect.gather [hbm4b:s1+s22], $0x40, s28, s22, $0xb8;
	[tilespmem:$0x17D00] =	vst v63  }
0x3c: {  	_ =	swait.ge [sflag:s23], $0x2000  }
0x3d: {  	[sflag:s23] =	ssyncset.done $0x0  }
0x3e: {  	s29 =	simm.s32 $0x100;
	s28 =	simm.s32 $0xFFFEC800;
	[sflag:s23] =	ssyncadd.s32 $0xFFFFE000  }
.LBB2_2:
0x3f: {  	[tilespmem:s19], [sflag:$0x1] =	stream.indirect.gather [hbm4b:s1+s22], $0x40, s29, s22, $0xb8;
	[tilespmem:$0x17D00] =	vst v63  }
0x40: {  	s29 =	smov.u32 s28  }
0x41: {  	p0 =	sne.s32 s28, $0xFFFFFC00;
	s28 =	sadd.s32 $0x400, s28;
	_ =	swait.ge [sflag:s23], $0x2000  }
0x42: {  	s29 =	sshra.s32 s29, $0x2;
	[sflag:s23] =	ssyncset.done $0x0  }
.Ltmp0:
0x43: {  	s30 =	sadd.s32 $0x4F80, s29;
	[sflag:s23] =	ssyncadd.s32 $0xFFFFE000;
	(pc) =	sbr.rel @p0 .LBB2_2-.Ltmp0, $4  }
0x44: {  	[tilespmem:s24], [sflag:$0x1] =	stream.indirect.gather [hbm4b:s1+s22], $0x40, s30, s22, $0xb8;
	[tilespmem:$0x17D00] =	vst v63  }
0x45: {  	_ =	swait.ge [sflag:s23], $0x2000  }
0x46: {  	[sflag:s23] =	ssyncset.done $0x0  }
0x47: {  	s29 =	sadd.s32 $0x5000, s29;
	[sflag:s23] =	ssyncadd.s32 $0xFFFFE000  }
0x48: {  	[tilespmem:s19], [sflag:$0x1] =	stream.indirect.gather [hbm4b:s1+s22], $0x40, s29, s22, $0xb8;
	[tilespmem:$0x17D00] =	vst v63  }
0x49: {  	_ =	swait.ge [sflag:s23], $0x2000  }
0x4a: {  	[sflag:s23] =	ssyncset.done $0x0  }
0x4b: {  	[sflag:s23] =	ssyncadd.s32 $0xFFFFE000  }
0x4c: {  	[spmem:s3] =	stream.indirect.scatter.add.f32 [tilespmem:s19], [sflag:$0x2], $0x40, s25, s22, $0xb8;
	[tilespmem:$0x17D00] =	vst v63  }
0x4d: {  	_ =	swait.ge [sflag:s20], $0x2000  }
0x4e: {  	[sflag:s20] =	ssyncset.done $0x0  }
0x4f: {  	[sflag:s20] =	ssyncadd.s32 $0xFFFFE000  }
0x50: {  	[bflag:$0x0] =	sbarrier.arrive $0xFFFF  }
0x51: {  	[tilespmem:s19], [sflag:$0x2] =	stream.linear.gather [spmem:s6], $0x2000, $0x38;
	[tilespmem:$0x17D00] =	vst v63  }
0x52: {  	_ =	swait.ge [sflag:s20], $0x2000  }
0x53: {  	[sflag:s20] =	ssyncset.done $0x0  }
0x54: {  	[sflag:s20] =	ssyncadd.s32 $0xFFFFE000  }
0x55: {  	[hbm4b:s13+s4] =	stream.linear.scatter [tilespmem:s19], [sflag:$0x2], $0x2000, $0x38;
	[tilespmem:$0x17D00] =	vst v63  }
0x56: {  	_ =	swait.ge [sflag:s20], $0x2000  }
0x57: {  	[sflag:s20] =	ssyncset.done $0x0  }
0x58: {  	[sflag:s20] =	ssyncadd.s32 $0xFFFFE000  }
0x59: {  	[tilespmem:s19], [sflag:$0x2] =	stream.linear.gather [spmem:s7], $0x2000, $0x38;
	[tilespmem:$0x17D00] =	vst v63  }
0x5a: {  	_ =	swait.ge [sflag:s20], $0x2000  }
0x5b: {  	[sflag:s20] =	ssyncset.done $0x0  }
0x5c: {  	[sflag:s20] =	ssyncadd.s32 $0xFFFFE000  }
0x5d: {  	[hbm4b:s14+s4] =	stream.linear.scatter [tilespmem:s19], [sflag:$0x2], $0x2000, $0x38;
	[tilespmem:$0x17D00] =	vst v63  }
0x5e: {  	_ =	swait.ge [sflag:s20], $0x2000  }
0x5f: {  	[sflag:s20] =	ssyncset.done $0x0  }
0x60: {  	[sflag:s20] =	ssyncadd.s32 $0xFFFFE000  }
0x61: {  	[tilespmem:s19], [sflag:$0x2] =	stream.linear.gather [spmem:s8], $0x2000, $0x38;
	[tilespmem:$0x17D00] =	vst v63  }
0x62: {  	_ =	swait.ge [sflag:s20], $0x2000  }
0x63: {  	[sflag:s20] =	ssyncset.done $0x0  }
0x64: {  	[sflag:s20] =	ssyncadd.s32 $0xFFFFE000  }
0x65: {  	[hbm4b:s15+s4] =	stream.linear.scatter [tilespmem:s19], [sflag:$0x2], $0x2000, $0x38;
	[tilespmem:$0x17D00] =	vst v63  }
0x66: {  	_ =	swait.ge [sflag:s20], $0x2000  }
0x67: {  	[sflag:s20] =	ssyncset.done $0x0  }
0x68: {  	[sflag:s20] =	ssyncadd.s32 $0xFFFFE000  }
0x69: {  	[tilespmem:s19], [sflag:$0x2] =	stream.linear.gather [spmem:s9], $0x2000, $0x38;
	[tilespmem:$0x17D00] =	vst v63  }
0x6a: {  	_ =	swait.ge [sflag:s20], $0x2000  }
0x6b: {  	[sflag:s20] =	ssyncset.done $0x0  }
0x6c: {  	[sflag:s20] =	ssyncadd.s32 $0xFFFFE000  }
0x6d: {  	[hbm4b:s16+s4] =	stream.linear.scatter [tilespmem:s19], [sflag:$0x2], $0x2000, $0x38;
	[tilespmem:$0x17D00] =	vst v63  }
0x6e: {  	_ =	swait.ge [sflag:s20], $0x2000  }
0x6f: {  	[sflag:s20] =	ssyncset.done $0x0  }
0x70: {  	[sflag:s20] =	ssyncadd.s32 $0xFFFFE000  }
0x71: {  	[tilespmem:s19], [sflag:$0x2] =	stream.linear.gather [spmem:s10], $0x1E00, $0x38;
	[tilespmem:$0x17D00] =	vst v63  }
0x72: {  	s26 =	sadd.s32 $0x1, s26;
	_ =	swait.ge [sflag:s20], $0x1E00  }
0x73: {  	p0 =	sne.s32 s26, s18;
	[sflag:s20] =	ssyncset.done $0x0  }
.Ltmp1:
0x74: {  	[sflag:s20] =	ssyncadd.s32 $0xFFFFE200;
	(pc) =	sbr.rel @p0 .LBB2_1-.Ltmp1, $4  }
0x75: {  	[hbm4b:s17+s4] =	stream.linear.scatter [tilespmem:s19], [sflag:$0x2], $0x1E00, $0x38;
	[tilespmem:$0x17D00] =	vst v63  }
0x76: {  	_ =	swait.ge [sflag:s20], $0x1E00  }
0x77: {  	[sflag:s20] =	ssyncset.done $0x0  }
0x78: {  	[sflag:s20] =	ssyncadd.s32 $0xFFFFE200  }
0x79: {  	_ =	sfence.sel $0x180000  }
0x7a: {  	[bflag:$0x0] =	sbarrier.arrive $0xFFFF  }
0x7b: {  	p0 =	sne.s32 s0, $0x0;
	_ =	strace $0x9000004A  }
0x7c: {  	s0 =	sadd.s32 @!p0 $0x100000, s2;
	[bflag:$0x2] =	sbarrier.arrive $0xFFFF  }
0x7d: {  	[sflag:s0] =	ssyncadd.tile.s32 @!p0 $0x1;
	_ =	shalt  }
.Lfunc_end2:
_tile_overlayer_lowered:
.L_overlay_start_2:
0x7e: {  	(tag) =	ssettag $0x2  }
0x7f: {  	s0 =	rddreg [dreg:$0x0];
	s2 =	stileid.u32  }
0x80: {  	s1 =	rddreg [dreg:$0x1];
	p0 =	sne.s32 s2, $0x0  }
0x81: {  	s3 =	rddreg [dreg:$0x2];
	[bflag:$0x3] =	sbarrier.arrive $0xFFFF;
	s2 =	simm.s32 @!p0 $0x1C02  }
0x82: {  	[timem:s3], [sflag:s2] =	dma.local @!p0 [hbm:s0], s1  }
0x83: {  	s0 =	simm.s32 @!p0 $0x2  }
0x84: {  	_ =	swait.ge @!p0 [sflag:s0], s1  }
0x85: {  	s1 =	ssub.s32 @!p0 $0x0, s1;
	[sflag:s0] =	ssyncset.done @!p0 $0x0  }
0x86: {  	[sflag:s0] =	ssyncadd.s32 @!p0 s1  }
0x87: {  	[bflag:$0x3] =	sbarrier.arrive $0xFFFF  }
0x88: {  	_ =	shalt  }

// kernel: kernel.14.cloned.1.call-start
scs
__scs_entry_jumppad:
0x0: {  	(pc) =	sbr.rel $0x88, $3  }
0x1: {  	(tag) =	ssettag $0x0;
	lr =	simm.s32 $0x1  }
0x2: {  	[smem:$0x3F99] =	sst lr;
	_ =	strace $0xD0000000  }
0x3: {  	_ = 	snop  }
0x4: {  	_ = 	snop  }
0x5: {  	_ = 	snop  }
0x6: {  	_ = 	snop  }
0x7: {  	_ = 	snop  }
__scs_overlays_trampoline_lowered:
0x8: {  	[smem:$0x3FA8] =	sst s0  }
0x9: {  	[smem:$0x3FA9] =	sst s1  }
0xa: {  	[smem:$0x3FAA] =	sst s2  }
0xb: {  	[smem:$0x3FAB] =	sst s3  }
0xc: {  	[smem:$0x3FAC] =	sst s4  }
0xd: {  	[smem:$0x3FAD] =	sst s5  }
0xe: {  	[smem:$0x3FAE] =	sst s6  }
0xf: {  	[smem:$0x3FAF] =	sst s7  }
0x10: {  	[smem:$0x3FB0] =	sst s8  }
0x11: {  	[smem:$0x3FB1] =	sst s9;
	s0 =	simm.s32 @!p0 $0x0  }
0x12: {  	s1 =	sld [smem:$0x3F97];
	s0 =	simm.s32 @p0 $0x1  }
0x13: {  	[smem:$0x3FB2] =	sst s0;
	s0 =	simm.s32 @!p1 $0x0  }
0x14: {  	s2 =	sld [smem:$0x3F96];
	s0 =	simm.s32 @p1 $0x1  }
0x15: {  	[smem:$0x3FB3] =	sst s0;
	s0 =	simm.s32 @!p2 $0x0  }
0x16: {  	s3 =	sld [smem:$0x3FDB];
	s0 =	simm.s32 @p2 $0x1  }
0x17: {  	s4 =	simm.s32 $0x1BF5;
	[smem:$0x3FB5] =	sst s0  }
0x18: {  	s0 =	sld [smem:$0x3F98];
	_ =	swait.ge [sflag:s4], $0x0  }
0x19: {  	s7 =	sld [smem:$0x3F99]  }
0x1a: {  	s8 =	sadd.s32 $0xFFFFE003, lr  }
0x1b: {  	s9 =	sadd.s32 $0xFFFFFEF7, lr;
	s5 =	simm.s32 $0xFFFFFFFF;
	p2 =	slt.u32 s8, $0xFFFFF086  }
0x1c: {  	p1 =	slt.u32 s9, $0xF7A;
	s5 =	simm.s32 @!p2 $0x0  }
0x1d: {  	s5 =	simm.s32 @p1 $0x1;
	p0 =	seq.s32 s7, s2  }
0x1e: {  	s7 =	smul.u32 @!p0 $0xF7A, s2;
	p2 =	seq.s32 @!p0 s5, $0x0  }
0x1f: {  	s9 =	smul.u32 $0xF7A, s1;
	s8 =	simm.s32 @!p0 $0x1BF5;
	p2 =	por !p2, p0  }
0x20: {  	[sflag:s8] =	ssyncset.s32 @!p0 $0xFFFFF086;
	s6 =	sadd.s32 @!p0 s3, s7;
	s7 =	simm.s32 @!p0 $0x108  }
0x21: {  	s3 =	sadd.s32 s3, s9;
	s6 =	sadd.s32 @!p0 $0x88, s6;
	s7 =	simm.s32 @p2 $0x1082  }
0x22: {  	[simem:s7], [sflag:s8] =	dma.local @!p0 [hbm:s6], $0xF7A  }
0x23: {  	s9 =	sor.u32 $0xD0000000, s2;
	s6 =	simm.s32 $0x108;
	_ =	swait.ge @!p0 [sflag:s8], $0x0  }
0x24: {  	s3 =	sadd.s32 $0x88, s3;
	s6 =	simm.s32 @!p1 $0x1082;
	[sflag:s4] =	ssyncset.s32 $0xFFFFF086  }
0x25: {  	[simem:s6], [sflag:s4] =	dma.local [hbm:s3], $0xF7A  }
0x26: {  	[smem:$0x3F99] =	sst s1;
	(tag) =	ssettag s2;
	_ =	strace s9  }
0x27: {  	s1 =	sld [smem:$0x3FA9]  }
0x28: {  	s2 =	sld [smem:$0x3FAA]  }
0x29: {  	s4 =	sld [smem:$0x3FAC]  }
0x2a: {  	p0 =	seq.s32 s5, $0x0;
	s5 =	sld [smem:$0x3FAD]  }
0x2b: {  	s6 =	sld [smem:$0x3FAE]  }
0x2c: {  	s7 =	sld [smem:$0x3FAF]  }
0x2d: {  	s3 =	simm.s32 $0x108;
	s8 =	sld [smem:$0x3FB0]  }
0x2e: {  	s3 =	simm.s32 @!p0 $0x1082;
	s9 =	sld [smem:$0x3FB1]  }
0x2f: {  	lr =	sadd.s32 s0, s3;
	s0 =	sld [smem:$0x3FA8]  }
0x30: {  	s3 =	sld [smem:$0x3FAB]  }
0x31: {  	[smem:$0x3FB4] =	sst s10  }
0x32: {  	s10 =	sld [smem:$0x3FB2];
	_ =	sdelay $0x3  }
0x33: {  	p0 =	seq.s32 s10, $0x1;
	s10 =	sld [smem:$0x3FB4];
	_ =	sdelay $0x3  }
0x34: {  	[smem:$0x3FB4] =	sst s10  }
0x35: {  	s10 =	sld [smem:$0x3FB3];
	_ =	sdelay $0x3  }
0x36: {  	p1 =	seq.s32 s10, $0x1;
	s10 =	sld [smem:$0x3FB4];
	_ =	sdelay $0x3  }
0x37: {  	[smem:$0x3FB4] =	sst s10  }
0x38: {  	s10 =	sld [smem:$0x3FB5]  }
0x39: {  	_ = 	snop;
	(pc) =	sbr.ind lr, $3  }
0x3a: {  	_ = 	snop  }
0x3b: {  	_ = 	snop  }
0x3c: {  	p2 =	seq.s32 s10, $0x1;
	s10 =	sld [smem:$0x3FB4]  }
0x3d: {  	_ =	shalt  }
0x3e: {  	_ =	shalt  }
0x3f: {  	_ =	shalt  }
0x40: {  	_ =	shalt  }
0x41: {  	_ =	shalt  }
0x42: {  	_ =	shalt  }
0x43: {  	_ =	shalt  }
0x44: {  	_ =	shalt  }
0x45: {  	_ =	shalt  }
0x46: {  	_ =	shalt  }
0x47: {  	_ =	shalt  }
0x48: {  	_ =	shalt  }
0x49: {  	_ =	shalt  }
0x4a: {  	_ =	shalt  }
0x4b: {  	_ =	shalt  }
0x4c: {  	_ =	shalt  }
0x4d: {  	_ =	shalt  }
0x4e: {  	_ =	shalt  }
0x4f: {  	_ =	shalt  }
0x50: {  	_ =	shalt  }
0x51: {  	_ =	shalt  }
0x52: {  	_ =	shalt  }
0x53: {  	_ =	shalt  }
0x54: {  	_ =	shalt  }
0x55: {  	_ =	shalt  }
0x56: {  	_ =	shalt  }
0x57: {  	_ =	shalt  }
0x58: {  	_ =	shalt  }
0x59: {  	_ =	shalt  }
0x5a: {  	_ =	shalt  }
0x5b: {  	_ =	shalt  }
0x5c: {  	_ =	shalt  }
0x5d: {  	_ =	shalt  }
0x5e: {  	_ =	shalt  }
0x5f: {  	_ =	shalt  }
0x60: {  	_ =	shalt  }
0x61: {  	_ =	shalt  }
0x62: {  	_ =	shalt  }
0x63: {  	_ =	shalt  }
0x64: {  	_ =	shalt  }
0x65: {  	_ =	shalt  }
0x66: {  	_ =	shalt  }
0x67: {  	_ =	shalt  }
0x68: {  	_ =	shalt  }
0x69: {  	_ =	shalt  }
0x6a: {  	_ =	shalt  }
0x6b: {  	_ =	shalt  }
0x6c: {  	_ =	shalt  }
0x6d: {  	_ =	shalt  }
0x6e: {  	_ =	shalt  }
0x6f: {  	_ =	shalt  }
0x70: {  	_ =	shalt  }
0x71: {  	_ =	shalt  }
0x72: {  	_ =	shalt  }
0x73: {  	_ =	shalt  }
0x74: {  	_ =	shalt  }
0x75: {  	_ =	shalt  }
0x76: {  	_ =	shalt  }
0x77: {  	_ =	shalt  }
0x78: {  	_ =	shalt  }
0x79: {  	_ =	shalt  }
0x7a: {  	_ =	shalt  }
0x7b: {  	_ =	shalt  }
0x7c: {  	_ =	shalt  }
0x7d: {  	_ =	shalt  }
0x7e: {  	_ =	shalt  }
0x7f: {  	_ =	shalt  }
0x80: {  	_ =	shalt  }
0x81: {  	_ =	shalt  }
0x82: {  	_ =	shalt  }
0x83: {  	_ =	shalt  }
0x84: {  	_ =	shalt  }
0x85: {  	_ =	shalt  }
0x86: {  	_ =	shalt  }
0x87: {  	_ =	shalt  }
.Lfunc_end0:
.L_simem_size_0:
called_computation.2_lowered:
.L_overlay_start_0:
0x88: {  	s2 =	sld [smem:$0x3FD9]  }
0x89: {  	s3 =	sld [smem:$0x3FFE];
	_ =	sdelay $0x1  }
0x8a: {  	s1 =	srdreg.scid  }
0x8b: {  	s0 =	sand.u32 $0x1, s1  }
0x8c: {  	s17 =	sshll.u32 s0, $0xA;
	s2 =	sadd.s32 s3, s2  }
0x8d: {  	s2 =	sadd.s32 s2, s17  }
0x8e: {  	[smem:$0x3FC0] =	sst s2  }
0x8f: {  	_ = 	snop  }
0x90: {  	s2 =	sld [smem:$0x3FD0];
	(tm) =	ssettm $0x1  }
0x91: {  	s18 =	sld [smem:$0x3FFB];
	_ =	sdelay $0x3  }
0x92: {  	_ =	strace s18  }
0x93: {  	s3 =	sld [smem:$0x3FFC];
	_ =	sdelay $0x3  }
0x94: {  	_ =	strace s3  }
0x95: {  	s3 =	sld [smem:$0x3FFD];
	_ =	sdelay $0x3  }
0x96: {  	_ =	strace s3  }
0x97: {  	_ =	strace $0x8FFFFFFF  }
0x98: {  	s19 =	sld [smem:$0x3FDB];
	_ =	sdelay $0x1  }
0x99: {  	s4 =	simm.s32 $_scs_section_size  }
0x9a: {  	s5 =	simm.s32 $_size__tile_overlayer_lowered;
	s6 =	simm.s32 $_tile_overlayer_lowered  }
0x9b: {  	s22 =	simm.s32 $0x1BFF;
	s21 =	sshll.u32 s6, $0x1;
	s3 =	sadd.s32 s4, s19  }
0x9c: {  	s7 =	simm.s32 $0x0;
	s20 =	sshll.u32 s5, $0x1;
	s5 =	sadd.s32 s21, s3  }
0x9d: {  	[timem:s7], [sflag:s22] =	dma.local [hbm:s5], s20  }
0x9e: {  	_ =	swait.ge [sflag:s22], s20  }
0x9f: {  	s4 =	ssub.s32 $0x0, s20;
	[sflag:s22] =	ssyncset.done $0x0  }
0xa0: {  	[sflag:s22] =	ssyncadd.s32 s4;
	_ =	sdelay $0x1  }
0xa1: {  	s23 =	simm.s32 $0x1B8B  }
0xa2: {  	_ =	swait.ge [sflag:s23], $0x1  }
0xa3: {  	[sflag:s23] =	ssyncset.done $0x0  }
0xa4: {  	s25 =	simm.s32 $0x1B8E;
	s24 =	sld [smem:$0x3FFE];
	[sflag:s23] =	ssyncadd.s32 $0xFFFFFFFF  }
0xa5: {  	s26 =	simm.s32 $execute0_lowered;
	[smem:$0x3FD2] =	sst s25  }
0xa6: {  	s5 =	sshll.u32 s26, $0x1;
	_ =	strace $0x8000004C;
	[dreg:$0x1] =	wrdreg $0xFFFFFFFF  }
0xa7: {  	s28 =	simm.s32 $_size_execute0_lowered;
	s3 =	sadd.s32 s3, s5;
	[dreg:$0x0] =	wrdreg $0x0  }
0xa8: {  	s5 =	sshll.u32 s28, $0x1;
	[dreg:$0x2] =	wrdreg s3  }
0xa9: {  	[dreg:$0x3] =	wrdreg s5  }
0xaa: {  	[dreg:$0x4] =	wrdreg $0xC0  }
0xab: {  	_ =	task [dreg:s7], $0x5FFFF  }
0xac: {  	[dreg:$0x1] =	wrdreg $0xFFFFFFFF  }
0xad: {  	[dreg:$0x0] =	wrdreg $0x60  }
0xae: {  	[dreg:$0x2] =	wrdreg s2  }
0xaf: {  	[dreg:$0x3] =	wrdreg s24  }
0xb0: {  	[dreg:$0x4] =	wrdreg $0xDF000  }
0xb1: {  	[dreg:$0x5] =	wrdreg $0x9  }
0xb2: {  	_ =	task.clear_ibuf [dreg:s7], $0x6FFFF;
	_ =	strace $0x9000004C  }
0xb3: {  	s29 =	simm.s32 $0x9;
	_ =	strace $0x8000004E  }
0xb4: {  	_ =	swait.ge [sflag:s29], $0x1  }
0xb5: {  	[sflag:s29] =	ssyncadd.s32 $0xFFFFFFFF  }
0xb6: {  	_ =	strace $0x9000004E  }
0xb7: {  	_ =	sfence  }
0xb8: {  	s30 =	sld [smem:$0x0];
	_ =	sdelay $0x2  }
0xb9: {  	s31 =	sshll.u32 s1, $0xD;
	s1 =	sshrl.u32 s1, $0x2  }
0xba: {  	s3 =	sand.u32 $0x4000, s31;
	s1 =	sadd.s32 s1, s30  }
0xbb: {  	s0 =	sor.u32 s3, s0;
	s1 =	sshll.u32 s1, $0x11  }
0xbc: {  	s0 =	sor.u32 s1, s0  }
0xbd: {  	s0 =	sadd.s32 $0x8F2B, s0  }
0xbe: {  	[sflag:s0] =	ssyncadd.remote.s32 $0x1  }
0xbf: {  	_ =	sfence.sel $0xFFFF  }
0xc0: {  	[dreg:$0x0] =	wrdreg $0xFFFFFFFF;
	(pc) =	sbr.abs _section_cstart, $3  }
0xc1: {  	[dreg:$0x1] =	wrdreg $0xFFFFFFFF  }
0xc2: {  	_ =	task.clear_ibuf [dreg:s7], $0x2FFFF;
	_ =	strace $0x9FFFFFFF  }
0xc3: {  	(tm) =	ssettm $0x7FFFFFFF  }
tec
execute0_lowered:
.L_overlay_start_1:
0x0: {  	(tag) =	ssettag $0x1  }
0x1: {  	s1 =	rddreg [dreg:$0x0]  }
0x2: {  	s2 =	srdreg.scid;
	s6 =	rddreg [dreg:$0x1]  }
0x3: {  	s0 =	stileid.u32;
	s3 =	rddreg [dreg:$0x2]  }
0x4: {  	s4 =	simm.s32 $0x0;
	s22 =	simm.s32 $0x80;
	s23 =	simm.s32 $0x1  }
0x5: {  	s24 =	simm.s32 $0xBF00;
	s25 =	simm.s32 $0x9E80;
	s26 =	simm.s32 $0x0  }
0x6: {  	s8 =	sand.u32 $0x1, s2;
	s5 =	smul.u32 $0x4F80, s0;
	s2 =	rddreg [dreg:$0x3]  }
0x7: {  	[smem:$0x7FF] =	sst s4;
	s12 =	smul.u32 $0x9E00, s0;
	s17 =	sadd.s32 $0x70000, s6  }
0x8: {  	s7 =	smul.u32 $0x4F800, s8;
	_ =	strace $0x8000004D;
	s30 =	ssub.s32 $0x2, s8  }
0x9: {  	s19 =	smul.u32 $0x9E000, s8;
	s31 =	sshrl.u32 s30, $0x1;
	s14 =	sadd.s32 $0x2000, s12  }
0xa: {  	s15 =	sadd.s32 $0x4000, s12;
	s16 =	sadd.s32 $0x6000, s12;
	s20 =	sadd.s32 $0x8000, s12  }
0xb: {  	s7 =	sadd.s32 s5, s7;
	s5 =	sshrl.u32 s5, $0x3;
	s18 =	ssub.s32 s30, s31  }
0xc: {  	s8 =	sadd.s32 s15, s3;
	s9 =	sadd.s32 s16, s3;
	s10 =	sadd.s32 s20, s3  }
0xd: {  	s15 =	sadd.s32 s19, s15;
	s16 =	sadd.s32 s19, s16;
	s7 =	sshrl.u32 s7, $0x3  }
0xe: {  	s13 =	sadd.s32 s5, s6;
	s5 =	sadd.s32 $0x2400, s6;
	s15 =	sshrl.u32 s15, $0x3  }
0xf: {  	s16 =	sshrl.u32 s16, $0x3;
	s18 =	smax.u32 s18, $0x1;
	s11 =	sadd.s32 s7, s6  }
0x10: {  	s6 =	sadd.s32 s12, s3;
	s7 =	sadd.s32 s14, s3;
	s12 =	sadd.s32 s12, s19  }
0x11: {  	s14 =	sadd.s32 s19, s14;
	s19 =	sadd.s32 s19, s20;
	s15 =	sadd.s32 s17, s15  }
0x12: {  	s16 =	sadd.s32 s17, s16;
	s20 =	simm.s32 $0x2;
	s11 =	sadd.s32 $0xD200, s11  }
0x13: {  	s21 =	sshrl.u32 s12, $0x3;
	s14 =	sshrl.u32 s14, $0x3;
	s12 =	sadd.s32 $0x3200, s13  }
0x14: {  	s19 =	sshrl.u32 s19, $0x3;
	s13 =	sadd.s32 s17, s21;
	s14 =	sadd.s32 s17, s14  }
0x15: {  	s17 =	sadd.s32 s17, s19;
	s19 =	simm.s32 $0x9F00;
	s21 =	simm.s32 $0x4F80  }
.LBB2_1:
0x16: {  	[tilespmem:s19], [sflag:$0x2] =	stream.linear.gather [hbm4b:s5+s4], $0x2000, $0x38;
	[tilespmem:$0x17D00] =	vst v63  }
0x17: {  	_ =	swait.ge [sflag:s20], $0x2000  }
0x18: {  	[sflag:s20] =	ssyncset.done $0x0  }
0x19: {  	[sflag:s20] =	ssyncadd.s32 $0xFFFFE000  }
0x1a: {  	[spmem:s6] =	stream.linear.scatter [tilespmem:s19], [sflag:$0x2], $0x2000, $0x38;
	[tilespmem:$0x17D00] =	vst v63  }
0x1b: {  	_ =	swait.ge [sflag:s20], $0x2000  }
0x1c: {  	[sflag:s20] =	ssyncset.done $0x0  }
0x1d: {  	[sflag:s20] =	ssyncadd.s32 $0xFFFFE000  }
0x1e: {  	[spmem:s7] =	stream.linear.scatter [tilespmem:s19], [sflag:$0x2], $0x2000, $0x38;
	[tilespmem:$0x17D00] =	vst v63  }
0x1f: {  	_ =	swait.ge [sflag:s20], $0x2000  }
0x20: {  	[sflag:s20] =	ssyncset.done $0x0  }
0x21: {  	[sflag:s20] =	ssyncadd.s32 $0xFFFFE000  }
0x22: {  	[spmem:s8] =	stream.linear.scatter [tilespmem:s19], [sflag:$0x2], $0x2000, $0x38;
	[tilespmem:$0x17D00] =	vst v63  }
0x23: {  	_ =	swait.ge [sflag:s20], $0x2000  }
0x24: {  	[sflag:s20] =	ssyncset.done $0x0  }
0x25: {  	[sflag:s20] =	ssyncadd.s32 $0xFFFFE000  }
0x26: {  	[spmem:s9] =	stream.linear.scatter [tilespmem:s19], [sflag:$0x2], $0x2000, $0x38;
	[tilespmem:$0x17D00] =	vst v63  }
0x27: {  	_ =	swait.ge [sflag:s20], $0x2000  }
0x28: {  	[sflag:s20] =	ssyncset.done $0x0  }
0x29: {  	[sflag:s20] =	ssyncadd.s32 $0xFFFFE000  }
0x2a: {  	[spmem:s10] =	stream.linear.scatter [tilespmem:s19], [sflag:$0x2], $0x1E00, $0x38;
	[tilespmem:$0x17D00] =	vst v63  }
0x2b: {  	_ =	swait.ge [sflag:s20], $0x1E00  }
0x2c: {  	[sflag:s20] =	ssyncset.done $0x0  }
0x2d: {  	[sflag:s20] =	ssyncadd.s32 $0xFFFFE200  }
0x2e: {  	[tilespmem:s4], [sflag:$0x2] =	stream.linear.gather [hbm4b:s11+s4], $0x4F80, $0x38;
	[tilespmem:$0x17D00] =	vst v63  }
0x2f: {  	_ =	swait.ge [sflag:s20], $0x4F80  }
0x30: {  	[sflag:s20] =	ssyncset.done $0x0  }
0x31: {  	[sflag:s20] =	ssyncadd.s32 $0xFFFFB080  }
0x32: {  	[tilespmem:s21], [sflag:$0x2] =	stream.linear.gather [hbm4b:s12+s4], $0x4F80, $0x38;
	[tilespmem:$0x17D00] =	vst v63  }
0x33: {  	_ =	swait.ge [sflag:s20], $0x4F80  }
0x34: {  	[sflag:s20] =	ssyncset.done $0x0  }
0x35: {  	[sflag:s20] =	ssyncadd.s32 $0xFFFFB080  }
0x36: {  	[bflag:$0x0] =	sbarrier.arrive $0xFFFF  }
0x37: {  	[tilespmem:s19], [sflag:$0x1] =	stream.indirect.gather [hbm4b:s1+s22], $0x40, s4, s22, $0xb8;
	[tilespmem:$0x17D00] =	vst v63  }
0x38: {  	_ =	swait.ge [sflag:s23], $0x2000  }
0x39: {  	[sflag:s23] =	ssyncset.done $0x0  }
0x3a: {  	s28 =	simm.s32 $0x80;
	[sflag:s23] =	ssyncadd.s32 $0xFFFFE000  }
0x3b: {  	[tilespmem:s24], [sflag:$0x1] =	stream.indirect.gather [hbm4b:s1+s22], $0x40, s28, s22, $0xb8;
	[tilespmem:$0x17D00] =	vst v63  }
0x3c: {  	_ =	swait.ge [sflag:s23], $0x2000  }
0x3d: {  	[sflag:s23] =	ssyncset.done $0x0  }
0x3e: {  	s29 =	simm.s32 $0x100;
	s28 =	simm.s32 $0xFFFEC800;
	[sflag:s23] =	ssyncadd.s32 $0xFFFFE000  }
.LBB2_2:
0x3f: {  	[tilespmem:s19], [sflag:$0x1] =	stream.indirect.gather [hbm4b:s1+s22], $0x40, s29, s22, $0xb8;
	[tilespmem:$0x17D00] =	vst v63  }
0x40: {  	s29 =	smov.u32 s28  }
0x41: {  	p0 =	sne.s32 s28, $0xFFFFFC00;
	s28 =	sadd.s32 $0x400, s28;
	_ =	swait.ge [sflag:s23], $0x2000  }
0x42: {  	s29 =	sshra.s32 s29, $0x2;
	[sflag:s23] =	ssyncset.done $0x0  }
.Ltmp0:
0x43: {  	s30 =	sadd.s32 $0x4F80, s29;
	[sflag:s23] =	ssyncadd.s32 $0xFFFFE000;
	(pc) =	sbr.rel @p0 .LBB2_2-.Ltmp0, $4  }
0x44: {  	[tilespmem:s24], [sflag:$0x1] =	stream.indirect.gather [hbm4b:s1+s22], $0x40, s30, s22, $0xb8;
	[tilespmem:$0x17D00] =	vst v63  }
0x45: {  	_ =	swait.ge [sflag:s23], $0x2000  }
0x46: {  	[sflag:s23] =	ssyncset.done $0x0  }
0x47: {  	s29 =	sadd.s32 $0x5000, s29;
	[sflag:s23] =	ssyncadd.s32 $0xFFFFE000  }
0x48: {  	[tilespmem:s19], [sflag:$0x1] =	stream.indirect.gather [hbm4b:s1+s22], $0x40, s29, s22, $0xb8;
	[tilespmem:$0x17D00] =	vst v63  }
0x49: {  	_ =	swait.ge [sflag:s23], $0x2000  }
0x4a: {  	[sflag:s23] =	ssyncset.done $0x0  }
0x4b: {  	[sflag:s23] =	ssyncadd.s32 $0xFFFFE000  }
0x4c: {  	[spmem:s3] =	stream.indirect.scatter.add.f32 [tilespmem:s19], [sflag:$0x2], $0x40, s25, s22, $0xb8;
	[tilespmem:$0x17D00] =	vst v63  }
0x4d: {  	_ =	swait.ge [sflag:s20], $0x2000  }
0x4e: {  	[sflag:s20] =	ssyncset.done $0x0  }
0x4f: {  	[sflag:s20] =	ssyncadd.s32 $0xFFFFE000  }
0x50: {  	[bflag:$0x0] =	sbarrier.arrive $0xFFFF  }
0x51: {  	[tilespmem:s19], [sflag:$0x2] =	stream.linear.gather [spmem:s6], $0x2000, $0x38;
	[tilespmem:$0x17D00] =	vst v63  }
0x52: {  	_ =	swait.ge [sflag:s20], $0x2000  }
0x53: {  	[sflag:s20] =	ssyncset.done $0x0  }
0x54: {  	[sflag:s20] =	ssyncadd.s32 $0xFFFFE000  }
0x55: {  	[hbm4b:s13+s4] =	stream.linear.scatter [tilespmem:s19], [sflag:$0x2], $0x2000, $0x38;
	[tilespmem:$0x17D00] =	vst v63  }
0x56: {  	_ =	swait.ge [sflag:s20], $0x2000  }
0x57: {  	[sflag:s20] =	ssyncset.done $0x0  }
0x58: {  	[sflag:s20] =	ssyncadd.s32 $0xFFFFE000  }
0x59: {  	[tilespmem:s19], [sflag:$0x2] =	stream.linear.gather [spmem:s7], $0x2000, $0x38;
	[tilespmem:$0x17D00] =	vst v63  }
0x5a: {  	_ =	swait.ge [sflag:s20], $0x2000  }
0x5b: {  	[sflag:s20] =	ssyncset.done $0x0  }
0x5c: {  	[sflag:s20] =	ssyncadd.s32 $0xFFFFE000  }
0x5d: {  	[hbm4b:s14+s4] =	stream.linear.scatter [tilespmem:s19], [sflag:$0x2], $0x2000, $0x38;
	[tilespmem:$0x17D00] =	vst v63  }
0x5e: {  	_ =	swait.ge [sflag:s20], $0x2000  }
0x5f: {  	[sflag:s20] =	ssyncset.done $0x0  }
0x60: {  	[sflag:s20] =	ssyncadd.s32 $0xFFFFE000  }
0x61: {  	[tilespmem:s19], [sflag:$0x2] =	stream.linear.gather [spmem:s8], $0x2000, $0x38;
	[tilespmem:$0x17D00] =	vst v63  }
0x62: {  	_ =	swait.ge [sflag:s20], $0x2000  }
0x63: {  	[sflag:s20] =	ssyncset.done $0x0  }
0x64: {  	[sflag:s20] =	ssyncadd.s32 $0xFFFFE000  }
0x65: {  	[hbm4b:s15+s4] =	stream.linear.scatter [tilespmem:s19], [sflag:$0x2], $0x2000, $0x38;
	[tilespmem:$0x17D00] =	vst v63  }
0x66: {  	_ =	swait.ge [sflag:s20], $0x2000  }
0x67: {  	[sflag:s20] =	ssyncset.done $0x0  }
0x68: {  	[sflag:s20] =	ssyncadd.s32 $0xFFFFE000  }
0x69: {  	[tilespmem:s19], [sflag:$0x2] =	stream.linear.gather [spmem:s9], $0x2000, $0x38;
	[tilespmem:$0x17D00] =	vst v63  }
0x6a: {  	_ =	swait.ge [sflag:s20], $0x2000  }
0x6b: {  	[sflag:s20] =	ssyncset.done $0x0  }
0x6c: {  	[sflag:s20] =	ssyncadd.s32 $0xFFFFE000  }
0x6d: {  	[hbm4b:s16+s4] =	stream.linear.scatter [tilespmem:s19], [sflag:$0x2], $0x2000, $0x38;
	[tilespmem:$0x17D00] =	vst v63  }
0x6e: {  	_ =	swait.ge [sflag:s20], $0x2000  }
0x6f: {  	[sflag:s20] =	ssyncset.done $0x0  }
0x70: {  	[sflag:s20] =	ssyncadd.s32 $0xFFFFE000  }
0x71: {  	[tilespmem:s19], [sflag:$0x2] =	stream.linear.gather [spmem:s10], $0x1E00, $0x38;
	[tilespmem:$0x17D00] =	vst v63  }
0x72: {  	s26 =	sadd.s32 $0x1, s26;
	_ =	swait.ge [sflag:s20], $0x1E00  }
0x73: {  	p0 =	sne.s32 s26, s18;
	[sflag:s20] =	ssyncset.done $0x0  }
.Ltmp1:
0x74: {  	[sflag:s20] =	ssyncadd.s32 $0xFFFFE200;
	(pc) =	sbr.rel @p0 .LBB2_1-.Ltmp1, $4  }
0x75: {  	[hbm4b:s17+s4] =	stream.linear.scatter [tilespmem:s19], [sflag:$0x2], $0x1E00, $0x38;
	[tilespmem:$0x17D00] =	vst v63  }
0x76: {  	_ =	swait.ge [sflag:s20], $0x1E00  }
0x77: {  	[sflag:s20] =	ssyncset.done $0x0  }
0x78: {  	[sflag:s20] =	ssyncadd.s32 $0xFFFFE200  }
0x79: {  	_ =	sfence.sel $0x180000  }
0x7a: {  	[bflag:$0x0] =	sbarrier.arrive $0xFFFF  }
0x7b: {  	p0 =	sne.s32 s0, $0x0;
	_ =	strace $0x9000004D  }
0x7c: {  	s0 =	sadd.s32 @!p0 $0x100000, s2;
	[bflag:$0x2] =	sbarrier.arrive $0xFFFF  }
0x7d: {  	[sflag:s0] =	ssyncadd.tile.s32 @!p0 $0x1;
	_ =	shalt  }
.Lfunc_end2:
_tile_overlayer_lowered:
.L_overlay_start_2:
0x7e: {  	(tag) =	ssettag $0x2  }
0x7f: {  	s0 =	rddreg [dreg:$0x0];
	s2 =	stileid.u32  }
0x80: {  	s1 =	rddreg [dreg:$0x1];
	p0 =	sne.s32 s2, $0x0  }
0x81: {  	s3 =	rddreg [dreg:$0x2];
	[bflag:$0x3] =	sbarrier.arrive $0xFFFF;
	s2 =	simm.s32 @!p0 $0x1C02  }
0x82: {  	[timem:s3], [sflag:s2] =	dma.local @!p0 [hbm:s0], s1  }
0x83: {  	s0 =	simm.s32 @!p0 $0x2  }
0x84: {  	_ =	swait.ge @!p0 [sflag:s0], s1  }
0x85: {  	s1 =	ssub.s32 @!p0 $0x0, s1;
	[sflag:s0] =	ssyncset.done @!p0 $0x0  }
0x86: {  	[sflag:s0] =	ssyncadd.s32 @!p0 s1  }
0x87: {  	[bflag:$0x3] =	sbarrier.arrive $0xFFFF  }
0x88: {  	_ =	shalt  }

// kernel: kernel.8.cloned.1.call-start
scs
__scs_entry_jumppad:
0x0: {  	(pc) =	sbr.rel $0x88, $3  }
0x1: {  	(tag) =	ssettag $0x0;
	lr =	simm.s32 $0x1  }
0x2: {  	[smem:$0x3F99] =	sst lr;
	_ =	strace $0xD0000000  }
0x3: {  	_ = 	snop  }
0x4: {  	_ = 	snop  }
0x5: {  	_ = 	snop  }
0x6: {  	_ = 	snop  }
0x7: {  	_ = 	snop  }
__scs_overlays_trampoline_lowered:
0x8: {  	[smem:$0x3FA8] =	sst s0  }
0x9: {  	[smem:$0x3FA9] =	sst s1  }
0xa: {  	[smem:$0x3FAA] =	sst s2  }
0xb: {  	[smem:$0x3FAB] =	sst s3  }
0xc: {  	[smem:$0x3FAC] =	sst s4  }
0xd: {  	[smem:$0x3FAD] =	sst s5  }
0xe: {  	[smem:$0x3FAE] =	sst s6  }
0xf: {  	[smem:$0x3FAF] =	sst s7  }
0x10: {  	[smem:$0x3FB0] =	sst s8  }
0x11: {  	[smem:$0x3FB1] =	sst s9;
	s0 =	simm.s32 @!p0 $0x0  }
0x12: {  	s1 =	sld [smem:$0x3F97];
	s0 =	simm.s32 @p0 $0x1  }
0x13: {  	[smem:$0x3FB2] =	sst s0;
	s0 =	simm.s32 @!p1 $0x0  }
0x14: {  	s2 =	sld [smem:$0x3F96];
	s0 =	simm.s32 @p1 $0x1  }
0x15: {  	[smem:$0x3FB3] =	sst s0;
	s0 =	simm.s32 @!p2 $0x0  }
0x16: {  	s3 =	sld [smem:$0x3FDB];
	s0 =	simm.s32 @p2 $0x1  }
0x17: {  	s4 =	simm.s32 $0x1BF5;
	[smem:$0x3FB5] =	sst s0  }
0x18: {  	s0 =	sld [smem:$0x3F98];
	_ =	swait.ge [sflag:s4], $0x0  }
0x19: {  	s7 =	sld [smem:$0x3F99]  }
0x1a: {  	s8 =	sadd.s32 $0xFFFFE003, lr  }
0x1b: {  	s9 =	sadd.s32 $0xFFFFFEF7, lr;
	s5 =	simm.s32 $0xFFFFFFFF;
	p2 =	slt.u32 s8, $0xFFFFF086  }
0x1c: {  	p1 =	slt.u32 s9, $0xF7A;
	s5 =	simm.s32 @!p2 $0x0  }
0x1d: {  	s5 =	simm.s32 @p1 $0x1;
	p0 =	seq.s32 s7, s2  }
0x1e: {  	s7 =	smul.u32 @!p0 $0xF7A, s2;
	p2 =	seq.s32 @!p0 s5, $0x0  }
0x1f: {  	s9 =	smul.u32 $0xF7A, s1;
	s8 =	simm.s32 @!p0 $0x1BF5;
	p2 =	por !p2, p0  }
0x20: {  	[sflag:s8] =	ssyncset.s32 @!p0 $0xFFFFF086;
	s6 =	sadd.s32 @!p0 s3, s7;
	s7 =	simm.s32 @!p0 $0x108  }
0x21: {  	s3 =	sadd.s32 s3, s9;
	s6 =	sadd.s32 @!p0 $0x88, s6;
	s7 =	simm.s32 @p2 $0x1082  }
0x22: {  	[simem:s7], [sflag:s8] =	dma.local @!p0 [hbm:s6], $0xF7A  }
0x23: {  	s9 =	sor.u32 $0xD0000000, s2;
	s6 =	simm.s32 $0x108;
	_ =	swait.ge @!p0 [sflag:s8], $0x0  }
0x24: {  	s3 =	sadd.s32 $0x88, s3;
	s6 =	simm.s32 @!p1 $0x1082;
	[sflag:s4] =	ssyncset.s32 $0xFFFFF086  }
0x25: {  	[simem:s6], [sflag:s4] =	dma.local [hbm:s3], $0xF7A  }
0x26: {  	[smem:$0x3F99] =	sst s1;
	(tag) =	ssettag s2;
	_ =	strace s9  }
0x27: {  	s1 =	sld [smem:$0x3FA9]  }
0x28: {  	s2 =	sld [smem:$0x3FAA]  }
0x29: {  	s4 =	sld [smem:$0x3FAC]  }
0x2a: {  	p0 =	seq.s32 s5, $0x0;
	s5 =	sld [smem:$0x3FAD]  }
0x2b: {  	s6 =	sld [smem:$0x3FAE]  }
0x2c: {  	s7 =	sld [smem:$0x3FAF]  }
0x2d: {  	s3 =	simm.s32 $0x108;
	s8 =	sld [smem:$0x3FB0]  }
0x2e: {  	s3 =	simm.s32 @!p0 $0x1082;
	s9 =	sld [smem:$0x3FB1]  }
0x2f: {  	lr =	sadd.s32 s0, s3;
	s0 =	sld [smem:$0x3FA8]  }
0x30: {  	s3 =	sld [smem:$0x3FAB]  }
0x31: {  	[smem:$0x3FB4] =	sst s10  }
0x32: {  	s10 =	sld [smem:$0x3FB2];
	_ =	sdelay $0x3  }
0x33: {  	p0 =	seq.s32 s10, $0x1;
	s10 =	sld [smem:$0x3FB4];
	_ =	sdelay $0x3  }
0x34: {  	[smem:$0x3FB4] =	sst s10  }
0x35: {  	s10 =	sld [smem:$0x3FB3];
	_ =	sdelay $0x3  }
0x36: {  	p1 =	seq.s32 s10, $0x1;
	s10 =	sld [smem:$0x3FB4];
	_ =	sdelay $0x3  }
0x37: {  	[smem:$0x3FB4] =	sst s10  }
0x38: {  	s10 =	sld [smem:$0x3FB5]  }
0x39: {  	_ = 	snop;
	(pc) =	sbr.ind lr, $3  }
0x3a: {  	_ = 	snop  }
0x3b: {  	_ = 	snop  }
0x3c: {  	p2 =	seq.s32 s10, $0x1;
	s10 =	sld [smem:$0x3FB4]  }
0x3d: {  	_ =	shalt  }
0x3e: {  	_ =	shalt  }
0x3f: {  	_ =	shalt  }
0x40: {  	_ =	shalt  }
0x41: {  	_ =	shalt  }
0x42: {  	_ =	shalt  }
0x43: {  	_ =	shalt  }
0x44: {  	_ =	shalt  }
0x45: {  	_ =	shalt  }
0x46: {  	_ =	shalt  }
0x47: {  	_ =	shalt  }
0x48: {  	_ =	shalt  }
0x49: {  	_ =	shalt  }
0x4a: {  	_ =	shalt  }
0x4b: {  	_ =	shalt  }
0x4c: {  	_ =	shalt  }
0x4d: {  	_ =	shalt  }
0x4e: {  	_ =	shalt  }
0x4f: {  	_ =	shalt  }
0x50: {  	_ =	shalt  }
0x51: {  	_ =	shalt  }
0x52: {  	_ =	shalt  }
0x53: {  	_ =	shalt  }
0x54: {  	_ =	shalt  }
0x55: {  	_ =	shalt  }
0x56: {  	_ =	shalt  }
0x57: {  	_ =	shalt  }
0x58: {  	_ =	shalt  }
0x59: {  	_ =	shalt  }
0x5a: {  	_ =	shalt  }
0x5b: {  	_ =	shalt  }
0x5c: {  	_ =	shalt  }
0x5d: {  	_ =	shalt  }
0x5e: {  	_ =	shalt  }
0x5f: {  	_ =	shalt  }
0x60: {  	_ =	shalt  }
0x61: {  	_ =	shalt  }
0x62: {  	_ =	shalt  }
0x63: {  	_ =	shalt  }
0x64: {  	_ =	shalt  }
0x65: {  	_ =	shalt  }
0x66: {  	_ =	shalt  }
0x67: {  	_ =	shalt  }
0x68: {  	_ =	shalt  }
0x69: {  	_ =	shalt  }
0x6a: {  	_ =	shalt  }
0x6b: {  	_ =	shalt  }
0x6c: {  	_ =	shalt  }
0x6d: {  	_ =	shalt  }
0x6e: {  	_ =	shalt  }
0x6f: {  	_ =	shalt  }
0x70: {  	_ =	shalt  }
0x71: {  	_ =	shalt  }
0x72: {  	_ =	shalt  }
0x73: {  	_ =	shalt  }
0x74: {  	_ =	shalt  }
0x75: {  	_ =	shalt  }
0x76: {  	_ =	shalt  }
0x77: {  	_ =	shalt  }
0x78: {  	_ =	shalt  }
0x79: {  	_ =	shalt  }
0x7a: {  	_ =	shalt  }
0x7b: {  	_ =	shalt  }
0x7c: {  	_ =	shalt  }
0x7d: {  	_ =	shalt  }
0x7e: {  	_ =	shalt  }
0x7f: {  	_ =	shalt  }
0x80: {  	_ =	shalt  }
0x81: {  	_ =	shalt  }
0x82: {  	_ =	shalt  }
0x83: {  	_ =	shalt  }
0x84: {  	_ =	shalt  }
0x85: {  	_ =	shalt  }
0x86: {  	_ =	shalt  }
0x87: {  	_ =	shalt  }
.Lfunc_end0:
.L_simem_size_0:
called_computation_lowered:
.L_overlay_start_0:
0x88: {  	s2 =	sld [smem:$0x3FD9]  }
0x89: {  	s3 =	sld [smem:$0x3FFE];
	_ =	sdelay $0x1  }
0x8a: {  	s1 =	srdreg.scid  }
0x8b: {  	s0 =	sand.u32 $0x1, s1  }
0x8c: {  	s17 =	sshll.u32 s0, $0xA;
	s2 =	sadd.s32 s3, s2  }
0x8d: {  	s2 =	sadd.s32 s2, s17  }
0x8e: {  	[smem:$0x3FC0] =	sst s2  }
0x8f: {  	_ = 	snop  }
0x90: {  	s2 =	sld [smem:$0x3FD0];
	(tm) =	ssettm $0x1  }
0x91: {  	s18 =	sld [smem:$0x3FFB];
	_ =	sdelay $0x3  }
0x92: {  	_ =	strace s18  }
0x93: {  	s3 =	sld [smem:$0x3FFC];
	_ =	sdelay $0x3  }
0x94: {  	_ =	strace s3  }
0x95: {  	s3 =	sld [smem:$0x3FFD];
	_ =	sdelay $0x3  }
0x96: {  	_ =	strace s3  }
0x97: {  	_ =	strace $0x8FFFFFFF  }
0x98: {  	s19 =	sld [smem:$0x3FDB];
	_ =	sdelay $0x1  }
0x99: {  	s4 =	simm.s32 $_scs_section_size  }
0x9a: {  	s5 =	simm.s32 $_size__tile_overlayer_lowered;
	s6 =	simm.s32 $_tile_overlayer_lowered  }
0x9b: {  	s22 =	simm.s32 $0x1BFF;
	s21 =	sshll.u32 s6, $0x1;
	s3 =	sadd.s32 s4, s19  }
0x9c: {  	s7 =	simm.s32 $0x0;
	s20 =	sshll.u32 s5, $0x1;
	s5 =	sadd.s32 s21, s3  }
0x9d: {  	[timem:s7], [sflag:s22] =	dma.local [hbm:s5], s20  }
0x9e: {  	_ =	swait.ge [sflag:s22], s20  }
0x9f: {  	s4 =	ssub.s32 $0x0, s20;
	[sflag:s22] =	ssyncset.done $0x0  }
0xa0: {  	[sflag:s22] =	ssyncadd.s32 s4;
	_ =	sdelay $0x1  }
0xa1: {  	s23 =	simm.s32 $0x1B8B  }
0xa2: {  	_ =	swait.ge [sflag:s23], $0x1  }
0xa3: {  	[sflag:s23] =	ssyncset.done $0x0  }
0xa4: {  	s25 =	simm.s32 $0x1B8E;
	s24 =	sld [smem:$0x3FFE];
	[sflag:s23] =	ssyncadd.s32 $0xFFFFFFFF  }
0xa5: {  	s26 =	simm.s32 $execute0_lowered;
	[smem:$0x3FD2] =	sst s25  }
0xa6: {  	s5 =	sshll.u32 s26, $0x1;
	_ =	strace $0x80000046;
	[dreg:$0x1] =	wrdreg $0xFFFFFFFF  }
0xa7: {  	s28 =	simm.s32 $_size_execute0_lowered;
	s3 =	sadd.s32 s3, s5;
	[dreg:$0x0] =	wrdreg $0x0  }
0xa8: {  	s5 =	sshll.u32 s28, $0x1;
	[dreg:$0x2] =	wrdreg s3  }
0xa9: {  	[dreg:$0x3] =	wrdreg s5  }
0xaa: {  	[dreg:$0x4] =	wrdreg $0xC0  }
0xab: {  	_ =	task [dreg:s7], $0x5FFFF  }
0xac: {  	[dreg:$0x1] =	wrdreg $0xFFFFFFFF  }
0xad: {  	[dreg:$0x0] =	wrdreg $0x60  }
0xae: {  	[dreg:$0x2] =	wrdreg s2  }
0xaf: {  	[dreg:$0x3] =	wrdreg s24  }
0xb0: {  	[dreg:$0x4] =	wrdreg $0x2B000  }
0xb1: {  	[dreg:$0x5] =	wrdreg $0x9  }
0xb2: {  	_ =	task.clear_ibuf [dreg:s7], $0x6FFFF;
	_ =	strace $0x90000046  }
0xb3: {  	s29 =	simm.s32 $0x9;
	_ =	strace $0x80000048  }
0xb4: {  	_ =	swait.ge [sflag:s29], $0x1  }
0xb5: {  	[sflag:s29] =	ssyncadd.s32 $0xFFFFFFFF  }
0xb6: {  	_ =	strace $0x90000048  }
0xb7: {  	_ =	sfence  }
0xb8: {  	s30 =	sld [smem:$0x0];
	_ =	sdelay $0x2  }
0xb9: {  	s31 =	sshll.u32 s1, $0xD;
	s1 =	sshrl.u32 s1, $0x2  }
0xba: {  	s3 =	sand.u32 $0x4000, s31;
	s1 =	sadd.s32 s1, s30  }
0xbb: {  	s0 =	sor.u32 s3, s0;
	s1 =	sshll.u32 s1, $0x11  }
0xbc: {  	s0 =	sor.u32 s1, s0  }
0xbd: {  	s0 =	sadd.s32 $0x8F2B, s0  }
0xbe: {  	[sflag:s0] =	ssyncadd.remote.s32 $0x1  }
0xbf: {  	_ =	sfence.sel $0xFFFF  }
0xc0: {  	[dreg:$0x0] =	wrdreg $0xFFFFFFFF;
	(pc) =	sbr.abs _section_cstart, $3  }
0xc1: {  	[dreg:$0x1] =	wrdreg $0xFFFFFFFF  }
0xc2: {  	_ =	task.clear_ibuf [dreg:s7], $0x2FFFF;
	_ =	strace $0x9FFFFFFF  }
0xc3: {  	(tm) =	ssettm $0x7FFFFFFF  }
tec
execute0_lowered:
.L_overlay_start_1:
0x0: {  	(tag) =	ssettag $0x1  }
0x1: {  	s7 =	rddreg [dreg:$0x0]  }
0x2: {  	s6 =	rddreg [dreg:$0x1]  }
0x3: {  	s2 =	rddreg [dreg:$0x2]  }
0x4: {  	s0 =	rddreg [dreg:$0x3];
	s4 =	srdreg.scid  }
0x5: {  	s1 =	stileid.u32;
	s3 =	simm.s32 $0x0;
	s13 =	simm.s32 $0x80  }
0x6: {  	s14 =	simm.s32 $0x0;
	s5 =	sand.u32 $0x1, s4;
	s8 =	smul.u32 $0x278, s1  }
0x7: {  	[smem:$0x7FF] =	sst s3;
	s4 =	sadd.s32 $0x2400, s6;
	s9 =	smul.u32 $0x2780, s5  }
0x8: {  	_ =	strace $0x80000047;
	s10 =	sshll.u32 s5, $0x4;
	s11 =	ssub.s32 $0x2, s5  }
0x9: {  	s5 =	sadd.s32 $0x2600, s6;
	s30 =	sor.u32 s1, s10;
	s9 =	sadd.s32 s8, s9  }
0xa: {  	s31 =	sshrl.u32 s11, $0x1;
	s12 =	smul.u32 $0x500, s30;
	s9 =	sshrl.u32 s9, $0x3  }
0xb: {  	s10 =	ssub.s32 s11, s31;
	s11 =	simm.s32 $0x1;
	s9 =	sadd.s32 s9, s6  }
0xc: {  	s6 =	sadd.s32 s8, s2;
	s7 =	sadd.s32 s7, s12;
	s12 =	simm.s32 $0x2800  }
0xd: {  	s8 =	sadd.s32 $0x2800, s9;
	s9 =	smax.u32 s10, $0x1;
	s10 =	simm.s32 $0x2880  }
.LBB2_1:
0xe: {  	[tilespmem:s10], [sflag:$0x1] =	stream.linear.gather [hbm4b:s5+s3], $0x280, $0x38;
	[tilespmem:$0x2D78] =	vst v63  }
0xf: {  	_ =	swait.ge [sflag:s11], $0x280  }
0x10: {  	[sflag:s11] =	ssyncset.done $0x0  }
0x11: {  	[sflag:s11] =	ssyncadd.s32 $0xFFFFFD80  }
0x12: {  	[spmem:s6] =	stream.linear.scatter [tilespmem:s10], [sflag:$0x1], $0x278, $0x38;
	[tilespmem:$0x2D78] =	vst v63  }
0x13: {  	_ =	swait.ge [sflag:s11], $0x278  }
0x14: {  	[sflag:s11] =	ssyncset.done $0x0  }
0x15: {  	[sflag:s11] =	ssyncadd.s32 $0xFFFFFD88  }
0x16: {  	[tilespmem:s12], [sflag:$0x1] =	stream.linear.gather [hbm4b:s4+s3], $0x80, $0x38;
	[tilespmem:$0x2D78] =	vst v63  }
0x17: {  	_ =	swait.ge [sflag:s11], $0x80  }
0x18: {  	[sflag:s11] =	ssyncset.done $0x0  }
0x19: {  	[sflag:s11] =	ssyncadd.s32 $0xFFFFFF80  }
0x1a: {  	[tilespmem:s3], [sflag:$0x1] =	stream.linear.gather [hbm4b:s7+s3], $0x2780, $0x38;
	[tilespmem:$0x2D78] =	vst v63  }
0x1b: {  	_ =	swait.ge [sflag:s11], $0x2780  }
0x1c: {  	[sflag:s11] =	ssyncset.done $0x0  }
0x1d: {  	[sflag:s11] =	ssyncadd.s32 $0xFFFFD880  }
0x1e: {  	s15 =	simm.s32 $0x0;
	[bflag:$0x0] =	sbarrier.arrive $0xFFFF  }
0x1f: {  	[spmem:s2] =	stream.indirect.scatter.add.f32 [tilespmem:s12], [sflag:$0x1], $0x1, s15, s13, $0xb8;
	[tilespmem:$0x2D78] =	vst v63  }
0x20: {  	_ =	swait.ge [sflag:s11], $0x80  }
0x21: {  	s15 =	simm.s32 $0x200;
	[sflag:s11] =	ssyncset.done $0x0  }
.LBB2_2:
0x22: {  	s16 =	sshra.s32 s15, $0x2;
	[sflag:s11] =	ssyncadd.s32 $0xFFFFFF80;
	p0 =	sne.s32 s15, $0x9C00  }
0x23: {  	[spmem:s2] =	stream.indirect.scatter.add.f32 [tilespmem:s12], [sflag:$0x1], $0x1, s16, s13, $0xb8;
	[tilespmem:$0x2D78] =	vst v63  }
.Ltmp0:
0x24: {  	_ = 	snop;
	(pc) =	sbr.rel @p0 .LBB2_2-.Ltmp0, $4  }
0x25: {  	_ = 	snop  }
0x26: {  	s15 =	sadd.s32 $0x200, s15  }
0x27: {  	_ =	swait.ge [sflag:s11], $0x80  }
0x28: {  	[sflag:s11] =	ssyncset.done $0x0  }
0x29: {  	[sflag:s11] =	ssyncadd.s32 $0xFFFFFF80  }
0x2a: {  	[bflag:$0x0] =	sbarrier.arrive $0xFFFF  }
0x2b: {  	[tilespmem:s10], [sflag:$0x1] =	stream.linear.gather [spmem:s6], $0x278, $0x38;
	[tilespmem:$0x2D78] =	vst v63  }
0x2c: {  	s14 =	sadd.s32 $0x1, s14;
	_ =	swait.ge [sflag:s11], $0x278  }
0x2d: {  	p0 =	sne.s32 s14, s9;
	[sflag:s11] =	ssyncset.done $0x0  }
.Ltmp1:
0x2e: {  	[sflag:s11] =	ssyncadd.s32 $0xFFFFFD88;
	(pc) =	sbr.rel @p0 .LBB2_1-.Ltmp1, $4  }
0x2f: {  	[hbm4b:s8+s3] =	stream.linear.scatter [tilespmem:s10], [sflag:$0x1], $0x278, $0x38;
	[tilespmem:$0x2D78] =	vst v63  }
0x30: {  	_ =	swait.ge [sflag:s11], $0x278  }
0x31: {  	[sflag:s11] =	ssyncset.done $0x0  }
0x32: {  	[sflag:s11] =	ssyncadd.s32 $0xFFFFFD88  }
0x33: {  	_ =	sfence.sel $0x180000  }
0x34: {  	[bflag:$0x0] =	sbarrier.arrive $0xFFFF  }
0x35: {  	p0 =	sne.s32 s1, $0x0;
	_ =	strace $0x90000047  }
0x36: {  	s0 =	sadd.s32 @!p0 $0x100000, s0;
	[bflag:$0x2] =	sbarrier.arrive $0xFFFF  }
0x37: {  	[sflag:s0] =	ssyncadd.tile.s32 @!p0 $0x1;
	_ =	shalt  }
.Lfunc_end2:
_tile_overlayer_lowered:
.L_overlay_start_2:
0x38: {  	(tag) =	ssettag $0x2  }
0x39: {  	s0 =	rddreg [dreg:$0x0];
	s2 =	stileid.u32  }
0x3a: {  	s1 =	rddreg [dreg:$0x1];
	p0 =	sne.s32 s2, $0x0  }
0x3b: {  	s3 =	rddreg [dreg:$0x2];
	[bflag:$0x3] =	sbarrier.arrive $0xFFFF;
	s2 =	simm.s32 @!p0 $0x1C01  }
0x3c: {  	[timem:s3], [sflag:s2] =	dma.local @!p0 [hbm:s0], s1  }
0x3d: {  	s0 =	simm.s32 @!p0 $0x1  }
0x3e: {  	_ =	swait.ge @!p0 [sflag:s0], s1  }
0x3f: {  	s1 =	ssub.s32 @!p0 $0x0, s1;
	[sflag:s0] =	ssyncset.done @!p0 $0x0  }
0x40: {  	[sflag:s0] =	ssyncadd.s32 @!p0 s1  }
0x41: {  	[bflag:$0x3] =	sbarrier.arrive $0xFFFF  }
0x42: {  	_ =	shalt  }

</sc_bundles>
